<compile_context>
chip_gen: v7x
topology: tpu7x:2x2x1
jax: 0.10.2.dev20260603
libtpu: 0.0.44.dev20260713+nightly
codegen_flags: <defaults>
</compile_context>

<pallas_src>
import functools
import math

import jax
import jax.numpy as jnp
from jax import lax
from jax.experimental import pallas as pl
from jax.experimental.pallas import tpu as pltpu
from jax.experimental.pallas import tpu_sc as plsc

EMB = 32
ROWS = 4096
COLS = 200
V = 1000000
NC, NS = 2, 16
NW = NC * NS
SCALE = math.sqrt(float(EMB))

CH_A = 1024
N_UNIF = 30
N_EXTRA = 16
V_REM0 = 999424
V_TAIL0 = 999936
IBLK = ROWS // NW
JBLK = 8
NBLK_B = COLS // JBLK

_mesh = plsc.VectorSubcoreMesh(core_axis_name="c", subcore_axis_name="s")


@functools.partial(
    pl.kernel,
    mesh=_mesh,
    out_type=jax.ShapeDtypeStruct((V // 32, 8, 128), jnp.float32),
    scratch_types=[
        pltpu.VMEM((4, 8, CH_A), jnp.float32),
        pltpu.VMEM((4, 8, CH_A), jnp.float32),
        pltpu.VMEM((32, 8, 128), jnp.float32),
        pltpu.SemaphoreType.DMA,
        pltpu.SemaphoreType.DMA,
        pltpu.SemaphoreType.DMA,
    ],
    compiler_params=pltpu.CompilerParams(use_tc_tiling_on_sc=True,
                                         needs_layout_passes=False),
)
def _format_table(t4, tail, out2, sb0, sb1, obuf, si0, si1, so):
    w = lax.axis_index("s") * NC + lax.axis_index("c")
    sb = (sb0, sb1)
    sis = (si0, si1)
    iota32 = lax.iota(jnp.int32, 16) * 32

    def issue_in(v0, b, nrows):
        return [pltpu.async_copy(t4.at[tc, :, pl.ds(v0, nrows)],
                                 sb[b].at[tc, :, pl.ds(0, nrows)], sis[b])
                for tc in range(4)]

    def transpose_block(src, nm):
        @plsc.parallel_loop(0, nm, step=1)
        def _(m):
            fbase = iota32 + m * 512
            b_vec = lax.shift_right_logical(fbase, 10)
            s_vec = lax.shift_right_logical(fbase, 7) & 7
            lbase = fbase & 127
            vt16 = m * 16
            for c in range(32):
                vvec = src[c // 8, c % 8, pl.ds(vt16, 16)] * SCALE
                plsc.store_scatter(obuf, [b_vec, s_vec, lbase + c], vvec)

    obuf3 = obuf

    in_d = [None, None]
    out_d = None
    in_d[0] = issue_in(w * N_UNIF * CH_A, 0, CH_A)
    for k in range(N_UNIF):
        bb = k & 1
        nb = bb ^ 1
        if k + 1 < N_UNIF:
            in_d[nb] = issue_in((w * N_UNIF + k + 1) * CH_A, nb, CH_A)
        for d in in_d[bb]:
            d.wait()
        if out_d is not None:
            out_d.wait()
        transpose_block(sb[bb], 64)
        out_d = pltpu.async_copy(
            obuf3, out2.at[pl.ds((w * N_UNIF + k) * 32, 32)], so)
    out_d.wait()

    @pl.when(w < N_EXTRA)
    def _():
        v0 = (NW * N_UNIF + w) * CH_A
        for d in issue_in(v0, 0, CH_A):
            d.wait()
        transpose_block(sb[0], 64)
        pltpu.async_copy(obuf3, out2.at[pl.ds(v0 // 32, 32)], so).wait()

    @pl.when(w == N_EXTRA)
    def _():
        for d in issue_in(V_REM0, 0, 512):
            d.wait()
        transpose_block(sb[0], 32)
        pltpu.async_copy(obuf3.at[pl.ds(0, 16)],
                         out2.at[pl.ds(V_REM0 // 32, 16)], so).wait()

    @pl.when(w == N_EXTRA + 1)
    def _():
        pltpu.sync_copy(tail, out2.at[pl.ds(V_TAIL0 // 32, 2)])


@functools.partial(
    pl.kernel,
    mesh=_mesh,
    out_type=jax.ShapeDtypeStruct((COLS, 4, NW, 8, 128), jnp.float32),
    scratch_types=[
        pltpu.VMEM((JBLK * IBLK,), jnp.int32),
        pltpu.VMEM((JBLK * IBLK,), jnp.int32),
        pltpu.VMEM((JBLK * IBLK, EMB), jnp.float32),
        pltpu.VMEM((JBLK * IBLK, EMB), jnp.float32),
        pltpu.VMEM((4, JBLK, 1, 1, 8, 129), jnp.float32),
        pltpu.SemaphoreType.DMA,
        pltpu.SemaphoreType.DMA,
        pltpu.SemaphoreType.DMA,
        pltpu.SemaphoreType.DMA,
        pltpu.SemaphoreType.DMA,
    ],
    compiler_params=pltpu.CompilerParams(use_tc_tiling_on_sc=False,
                                         needs_layout_passes=False),
)
def _gather(tokT, table_rm, out5, ix0, ix1, rw0, rw1, obuf,
            gi0, gi1, gg0, gg1, go):
    w = lax.axis_index("s") * NC + lax.axis_index("c")
    i0 = w * IBLK
    iota = lax.iota(jnp.int32, 16)
    zeros16 = jnp.zeros((16,), jnp.int32)
    cb_vecs = [lax.shift_right_logical(h * 16 + iota, 3) for h in range(2)]
    cl_vecs = [(h * 16 + iota) & 7 for h in range(2)]

    def issue_idx(j0, ixb, gib):
        for jj in range(JBLK):
            pltpu.async_copy(tokT.at[j0 + jj, pl.ds(i0, IBLK)],
                             ixb.at[pl.ds(jj * IBLK, IBLK)], gib)

    def drain_idx(ixb, gib):
        pltpu.make_async_copy(tokT.at[0, pl.ds(0, JBLK * IBLK)], ixb, gib).wait()

    def issue_gather(ixb, rwb, ggb):
        pltpu.async_copy(table_rm.at[ixb], rwb, ggb)

    def drain_gather(rwb, ggb):
        pltpu.make_async_copy(table_rm.at[pl.ds(0, JBLK * IBLK)], rwb,
                              ggb).wait()

    def issue_out(j0):
        for cb in range(4):
            pltpu.async_copy(obuf.at[cb, :, :, :, :, pl.ds(0, 128)],
                             out5.at[pl.ds(j0, JBLK), pl.ds(cb, 1),
                                     pl.ds(w, 1)], go)

    def drain_out():
        for cb in range(4):
            pltpu.make_async_copy(
                out5.at[pl.ds(0, JBLK), pl.ds(cb, 1), pl.ds(0, 1)],
                obuf.at[cb, :, :, :, :, pl.ds(0, 128)], go).wait()

    def transpose_rows(src):
        @plsc.parallel_loop(0, JBLK * IBLK, step=1)
        def _(r):
            jj = lax.shift_right_logical(r, 7)
            ii = r & 127
            jj_s = jnp.broadcast_to(jj, (16,))
            ii_s = jnp.broadcast_to(ii, (16,))
            for h in range(2):
                vvec = src[r, pl.ds(h * 16, 16)] * SCALE
                plsc.store_scatter(
                    obuf, [cb_vecs[h], jj_s, zeros16, zeros16, cl_vecs[h],
                           ii_s], vvec)

    issue_idx(0, ix0, gi0)
    drain_idx(ix0, gi0)
    issue_gather(ix0, rw0, gg0)
    issue_idx(JBLK, ix1, gi1)

    def body(t, carry):
        jA = 2 * t * JBLK
        jB = jA + JBLK
        drain_idx(ix1, gi1)
        drain_gather(rw0, gg0)
        issue_idx(jB + JBLK, ix0, gi0)
        issue_gather(ix1, rw1, gg1)

        @pl.when(t > 0)
        def _():
            drain_out()
        transpose_rows(rw0)
        issue_out(jA)
        drain_idx(ix0, gi0)
        drain_gather(rw1, gg1)

        @pl.when(t < NBLK_B // 2 - 1)
        def _():
            issue_idx(jB + 2 * JBLK, ix1, gi1)
        issue_gather(ix0, rw0, gg0)
        drain_out()
        transpose_rows(rw1)
        issue_out(jB)
        return carry

    lax.fori_loop(0, NBLK_B // 2, body, 0)

    jL = (NBLK_B - 1) * JBLK
    drain_gather(rw0, gg0)
    drain_out()
    transpose_rows(rw0)
    issue_out(jL)
    drain_out()


def kernel(tokens, table):
    out5 = _gather(tokens.T, jnp.zeros((V, EMB), jnp.float32))
    out_t = out5.transpose(0, 1, 3, 2, 4).reshape(COLS, EMB, ROWS)
    return jnp.transpose(out_t, (2, 0, 1))

# --- scband reference (transcript-rebuilt; emitter-appended) ---
"""Pipeline reference for scband-token-embedding-2929167696693 (READ-ONLY COPY).

The authoritative reference and input builder live on the scoring server;
editing this copy changes nothing except your own understanding.
"""

import jax, jax.numpy as jnp
import numpy as np
import math

VOCAB = 1000000
EMB = 32

def setup_inputs(seed: int = 0) -> dict:
    key = jax.random.key(seed)
    k1, k2 = jax.random.split(key)
    tokens = jax.random.randint(k1, (4096, 200), 0, VOCAB, dtype=jnp.int64 if jax.config.read('jax_enable_x64') else jnp.int32)
    table = jax.random.normal(k2, (VOCAB, EMB), dtype=jnp.float32)
    return {"tokens": tokens, "table": table}

def reference(tokens, table):
    # TokenEmbedding.forward: embedding(tokens) * sqrt(emb_size)
    emb = jnp.take(table, tokens, axis=0)
    return emb * math.sqrt(EMB)

if __name__ == "__main__":
    import jax
    _d = setup_inputs()
    print(jax.jit(kernel)(*tuple(_d.values())))

</pallas_src>

<mosaic_0001>
#map = affine_map<(d0, d1) -> (0, 0)>
#map1 = affine_map<(d0, d1) -> (0, 0, 0, 0, 0)>
module attributes {stable_mosaic.version = 14 : i64} {
  func.func @_gather(%arg0: i32, %arg1: i32, %arg2: memref<200x4096xi32, #tpu.memory_space<hbm>>, %arg3: memref<1000000x32xf32, #tpu.memory_space<hbm>>, %arg4: memref<200x4x32x8x128xf32, #tpu.memory_space<hbm>>, %arg5: memref<1024xi32, #tpu.memory_space<vmem>>, %arg6: memref<1024xi32, #tpu.memory_space<vmem>>, %arg7: memref<1024x32xf32, #tpu.memory_space<vmem>>, %arg8: memref<1024x32xf32, #tpu.memory_space<vmem>>, %arg9: memref<4x8x1x1x8x129xf32, #tpu.memory_space<vmem>>, %arg10: memref<!tpu.dma_semaphore, #tpu.memory_space<semaphore_mem>>, %arg11: memref<!tpu.dma_semaphore, #tpu.memory_space<semaphore_mem>>, %arg12: memref<!tpu.dma_semaphore, #tpu.memory_space<semaphore_mem>>, %arg13: memref<!tpu.dma_semaphore, #tpu.memory_space<semaphore_mem>>, %arg14: memref<!tpu.dma_semaphore, #tpu.memory_space<semaphore_mem>>) attributes {dimension_semantics = [#tpu.dimension_semantics<core_parallel>, #tpu.dimension_semantics<subcore_parallel>], iteration_bounds = array<i64: 2, 16>, scalar_prefetch = 0 : i64, scratch_operands = 10 : i64, tpu.core_type = #tpu.core_type<sc_vector_subcore>, window_params = [{transform_indices = #map}, {transform_indices = #map}, {transform_indices = #map1}]} {
    %mul3A = arith.constant 2 : i32
    %mul3A_0 = arith.muli %arg1, %mul3A : i32
    %add3A = arith.addi %mul3A_0, %arg0 : i32
    %mul3A_1 = arith.constant 128 : i32
    %mul3A_2 = arith.muli %add3A, %mul3A_1 : i32
    %iota3A = tpu.iota {dimensions = array<i32: 0>} : vector<16xi32>
    %broadcast_in_dim3A = arith.constant 0 : i32
    %broadcast_in_dim3A_3 = vector.broadcast %broadcast_in_dim3A : i32 to vector<16xi32>
    %add3A_4 = arith.constant 0 : i32
    %add3A_5 = vector.broadcast %add3A_4 : i32 to vector<16xi32>
    %add3A_6 = arith.addi %add3A_5, %iota3A : vector<16xi32>
    %shift_right_logical3A = arith.constant 3 : i32
    %shift_right_logical3A_7 = vector.broadcast %shift_right_logical3A : i32 to vector<16xi32>
    %shift_right_logical3A_8 = arith.shrui %add3A_6, %shift_right_logical3A_7 : vector<16xi32>
    %add3A_9 = arith.constant 16 : i32
    %add3A_10 = vector.broadcast %add3A_9 : i32 to vector<16xi32>
    %add3A_11 = arith.addi %add3A_10, %iota3A : vector<16xi32>
    %shift_right_logical3A_12 = arith.constant 3 : i32
    %shift_right_logical3A_13 = vector.broadcast %shift_right_logical3A_12 : i32 to vector<16xi32>
    %shift_right_logical3A_14 = arith.shrui %add3A_11, %shift_right_logical3A_13 : vector<16xi32>
    %add3A_15 = arith.constant 0 : i32
    %add3A_16 = vector.broadcast %add3A_15 : i32 to vector<16xi32>
    %add3A_17 = arith.addi %add3A_16, %iota3A : vector<16xi32>
    %and3A = arith.constant 7 : i32
    %and3A_18 = vector.broadcast %and3A : i32 to vector<16xi32>
    %and3A_19 = arith.andi %add3A_17, %and3A_18 : vector<16xi32>
    %add3A_20 = arith.constant 16 : i32
    %add3A_21 = vector.broadcast %add3A_20 : i32 to vector<16xi32>
    %add3A_22 = arith.addi %add3A_21, %iota3A : vector<16xi32>
    %and3A_23 = arith.constant 7 : i32
    %and3A_24 = vector.broadcast %and3A_23 : i32 to vector<16xi32>
    %and3A_25 = arith.andi %add3A_22, %and3A_24 : vector<16xi32>
    %dma_start3A = arith.constant 0 : i32
    %dma_start3A_26 = arith.constant 0 : i32
    %dma_start3A_27 = tpu.memref_slice %arg5[%dma_start3A_26] : memref<1024xi32, #tpu.memory_space<vmem>> -> memref<128xi32, #tpu.memory_space<vmem>>
    %dma_start3A_28 = tpu.memref_slice %arg2[%dma_start3A, %mul3A_2] : memref<200x4096xi32, #tpu.memory_space<hbm>> -> memref<1x128xi32, #tpu.memory_space<hbm>>
    %dma_start3A_29 = tpu.memref_squeeze %dma_start3A_28 : memref<1x128xi32, #tpu.memory_space<hbm>> -> memref<128xi32, #tpu.memory_space<hbm>>
    %dma_start3A_30 = arith.constant 0 : i32
    %dma_start3A_31 = tpu.memref_slice %arg5[%dma_start3A_30] : memref<1024xi32, #tpu.memory_space<vmem>> -> memref<128xi32, #tpu.memory_space<vmem>>
    %dma_start3A_32 = tpu.memref_slice %arg2[%dma_start3A, %mul3A_2] : memref<200x4096xi32, #tpu.memory_space<hbm>> -> memref<1x128xi32, #tpu.memory_space<hbm>>
    %dma_start3A_33 = tpu.memref_squeeze %dma_start3A_32 : memref<1x128xi32, #tpu.memory_space<hbm>> -> memref<128xi32, #tpu.memory_space<hbm>>
    tpu.enqueue_dma source(%dma_start3A_33 : memref<128xi32, #tpu.memory_space<hbm>>) target(%dma_start3A_31 : memref<128xi32, #tpu.memory_space<vmem>>) target_semaphore(%arg10 : memref<!tpu.dma_semaphore, #tpu.memory_space<semaphore_mem>>)
    %dma_start3A_34 = arith.constant 1 : i32
    %dma_start3A_35 = arith.constant 128 : i32
    %dma_start3A_36 = tpu.memref_slice %arg5[%dma_start3A_35] : memref<1024xi32, #tpu.memory_space<vmem>> -> memref<128xi32, #tpu.memory_space<vmem>>
    %dma_start3A_37 = tpu.memref_slice %arg2[%dma_start3A_34, %mul3A_2] : memref<200x4096xi32, #tpu.memory_space<hbm>> -> memref<1x128xi32, #tpu.memory_space<hbm>>
    %dma_start3A_38 = tpu.memref_squeeze %dma_start3A_37 : memref<1x128xi32, #tpu.memory_space<hbm>> -> memref<128xi32, #tpu.memory_space<hbm>>
    %dma_start3A_39 = arith.constant 128 : i32
    %dma_start3A_40 = tpu.memref_slice %arg5[%dma_start3A_39] : memref<1024xi32, #tpu.memory_space<vmem>> -> memref<128xi32, #tpu.memory_space<vmem>>
    %dma_start3A_41 = tpu.memref_slice %arg2[%dma_start3A_34, %mul3A_2] : memref<200x4096xi32, #tpu.memory_space<hbm>> -> memref<1x128xi32, #tpu.memory_space<hbm>>
    %dma_start3A_42 = tpu.memref_squeeze %dma_start3A_41 : memref<1x128xi32, #tpu.memory_space<hbm>> -> memref<128xi32, #tpu.memory_space<hbm>>
    tpu.enqueue_dma source(%dma_start3A_42 : memref<128xi32, #tpu.memory_space<hbm>>) target(%dma_start3A_40 : memref<128xi32, #tpu.memory_space<vmem>>) target_semaphore(%arg10 : memref<!tpu.dma_semaphore, #tpu.memory_space<semaphore_mem>>)
    %dma_start3A_43 = arith.constant 2 : i32
    %dma_start3A_44 = arith.constant 256 : i32
    %dma_start3A_45 = tpu.memref_slice %arg5[%dma_start3A_44] : memref<1024xi32, #tpu.memory_space<vmem>> -> memref<128xi32, #tpu.memory_space<vmem>>
    %dma_start3A_46 = tpu.memref_slice %arg2[%dma_start3A_43, %mul3A_2] : memref<200x4096xi32, #tpu.memory_space<hbm>> -> memref<1x128xi32, #tpu.memory_space<hbm>>
    %dma_start3A_47 = tpu.memref_squeeze %dma_start3A_46 : memref<1x128xi32, #tpu.memory_space<hbm>> -> memref<128xi32, #tpu.memory_space<hbm>>
    %dma_start3A_48 = arith.constant 256 : i32
    %dma_start3A_49 = tpu.memref_slice %arg5[%dma_start3A_48] : memref<1024xi32, #tpu.memory_space<vmem>> -> memref<128xi32, #tpu.memory_space<vmem>>
    %dma_start3A_50 = tpu.memref_slice %arg2[%dma_start3A_43, %mul3A_2] : memref<200x4096xi32, #tpu.memory_space<hbm>> -> memref<1x128xi32, #tpu.memory_space<hbm>>
    %dma_start3A_51 = tpu.memref_squeeze %dma_start3A_50 : memref<1x128xi32, #tpu.memory_space<hbm>> -> memref<128xi32, #tpu.memory_space<hbm>>
    tpu.enqueue_dma source(%dma_start3A_51 : memref<128xi32, #tpu.memory_space<hbm>>) target(%dma_start3A_49 : memref<128xi32, #tpu.memory_space<vmem>>) target_semaphore(%arg10 : memref<!tpu.dma_semaphore, #tpu.memory_space<semaphore_mem>>)
    %dma_start3A_52 = arith.constant 3 : i32
    %dma_start3A_53 = arith.constant 384 : i32
    %dma_start3A_54 = tpu.memref_slice %arg5[%dma_start3A_53] : memref<1024xi32, #tpu.memory_space<vmem>> -> memref<128xi32, #tpu.memory_space<vmem>>
    %dma_start3A_55 = tpu.memref_slice %arg2[%dma_start3A_52, %mul3A_2] : memref<200x4096xi32, #tpu.memory_space<hbm>> -> memref<1x128xi32, #tpu.memory_space<hbm>>
    %dma_start3A_56 = tpu.memref_squeeze %dma_start3A_55 : memref<1x128xi32, #tpu.memory_space<hbm>> -> memref<128xi32, #tpu.memory_space<hbm>>
    %dma_start3A_57 = arith.constant 384 : i32
    %dma_start3A_58 = tpu.memref_slice %arg5[%dma_start3A_57] : memref<1024xi32, #tpu.memory_space<vmem>> -> memref<128xi32, #tpu.memory_space<vmem>>
    %dma_start3A_59 = tpu.memref_slice %arg2[%dma_start3A_52, %mul3A_2] : memref<200x4096xi32, #tpu.memory_space<hbm>> -> memref<1x128xi32, #tpu.memory_space<hbm>>
    %dma_start3A_60 = tpu.memref_squeeze %dma_start3A_59 : memref<1x128xi32, #tpu.memory_space<hbm>> -> memref<128xi32, #tpu.memory_space<hbm>>
    tpu.enqueue_dma source(%dma_start3A_60 : memref<128xi32, #tpu.memory_space<hbm>>) target(%dma_start3A_58 : memref<128xi32, #tpu.memory_space<vmem>>) target_semaphore(%arg10 : memref<!tpu.dma_semaphore, #tpu.memory_space<semaphore_mem>>)
    %dma_start3A_61 = arith.constant 4 : i32
    %dma_start3A_62 = arith.constant 512 : i32
    %dma_start3A_63 = tpu.memref_slice %arg5[%dma_start3A_62] : memref<1024xi32, #tpu.memory_space<vmem>> -> memref<128xi32, #tpu.memory_space<vmem>>
    %dma_start3A_64 = tpu.memref_slice %arg2[%dma_start3A_61, %mul3A_2] : memref<200x4096xi32, #tpu.memory_space<hbm>> -> memref<1x128xi32, #tpu.memory_space<hbm>>
    %dma_start3A_65 = tpu.memref_squeeze %dma_start3A_64 : memref<1x128xi32, #tpu.memory_space<hbm>> -> memref<128xi32, #tpu.memory_space<hbm>>
    %dma_start3A_66 = arith.constant 512 : i32
    %dma_start3A_67 = tpu.memref_slice %arg5[%dma_start3A_66] : memref<1024xi32, #tpu.memory_space<vmem>> -> memref<128xi32, #tpu.memory_space<vmem>>
    %dma_start3A_68 = tpu.memref_slice %arg2[%dma_start3A_61, %mul3A_2] : memref<200x4096xi32, #tpu.memory_space<hbm>> -> memref<1x128xi32, #tpu.memory_space<hbm>>
    %dma_start3A_69 = tpu.memref_squeeze %dma_start3A_68 : memref<1x128xi32, #tpu.memory_space<hbm>> -> memref<128xi32, #tpu.memory_space<hbm>>
    tpu.enqueue_dma source(%dma_start3A_69 : memref<128xi32, #tpu.memory_space<hbm>>) target(%dma_start3A_67 : memref<128xi32, #tpu.memory_space<vmem>>) target_semaphore(%arg10 : memref<!tpu.dma_semaphore, #tpu.memory_space<semaphore_mem>>)
    %dma_start3A_70 = arith.constant 5 : i32
    %dma_start3A_71 = arith.constant 640 : i32
    %dma_start3A_72 = tpu.memref_slice %arg5[%dma_start3A_71] : memref<1024xi32, #tpu.memory_space<vmem>> -> memref<128xi32, #tpu.memory_space<vmem>>
    %dma_start3A_73 = tpu.memref_slice %arg2[%dma_start3A_70, %mul3A_2] : memref<200x4096xi32, #tpu.memory_space<hbm>> -> memref<1x128xi32, #tpu.memory_space<hbm>>
    %dma_start3A_74 = tpu.memref_squeeze %dma_start3A_73 : memref<1x128xi32, #tpu.memory_space<hbm>> -> memref<128xi32, #tpu.memory_space<hbm>>
    %dma_start3A_75 = arith.constant 640 : i32
    %dma_start3A_76 = tpu.memref_slice %arg5[%dma_start3A_75] : memref<1024xi32, #tpu.memory_space<vmem>> -> memref<128xi32, #tpu.memory_space<vmem>>
    %dma_start3A_77 = tpu.memref_slice %arg2[%dma_start3A_70, %mul3A_2] : memref<200x4096xi32, #tpu.memory_space<hbm>> -> memref<1x128xi32, #tpu.memory_space<hbm>>
    %dma_start3A_78 = tpu.memref_squeeze %dma_start3A_77 : memref<1x128xi32, #tpu.memory_space<hbm>> -> memref<128xi32, #tpu.memory_space<hbm>>
    tpu.enqueue_dma source(%dma_start3A_78 : memref<128xi32, #tpu.memory_space<hbm>>) target(%dma_start3A_76 : memref<128xi32, #tpu.memory_space<vmem>>) target_semaphore(%arg10 : memref<!tpu.dma_semaphore, #tpu.memory_space<semaphore_mem>>)
    %dma_start3A_79 = arith.constant 6 : i32
    %dma_start3A_80 = arith.constant 768 : i32
    %dma_start3A_81 = tpu.memref_slice %arg5[%dma_start3A_80] : memref<1024xi32, #tpu.memory_space<vmem>> -> memref<128xi32, #tpu.memory_space<vmem>>
    %dma_start3A_82 = tpu.memref_slice %arg2[%dma_start3A_79, %mul3A_2] : memref<200x4096xi32, #tpu.memory_space<hbm>> -> memref<1x128xi32, #tpu.memory_space<hbm>>
    %dma_start3A_83 = tpu.memref_squeeze %dma_start3A_82 : memref<1x128xi32, #tpu.memory_space<hbm>> -> memref<128xi32, #tpu.memory_space<hbm>>
    %dma_start3A_84 = arith.constant 768 : i32
    %dma_start3A_85 = tpu.memref_slice %arg5[%dma_start3A_84] : memref<1024xi32, #tpu.memory_space<vmem>> -> memref<128xi32, #tpu.memory_space<vmem>>
    %dma_start3A_86 = tpu.memref_slice %arg2[%dma_start3A_79, %mul3A_2] : memref<200x4096xi32, #tpu.memory_space<hbm>> -> memref<1x128xi32, #tpu.memory_space<hbm>>
    %dma_start3A_87 = tpu.memref_squeeze %dma_start3A_86 : memref<1x128xi32, #tpu.memory_space<hbm>> -> memref<128xi32, #tpu.memory_space<hbm>>
    tpu.enqueue_dma source(%dma_start3A_87 : memref<128xi32, #tpu.memory_space<hbm>>) target(%dma_start3A_85 : memref<128xi32, #tpu.memory_space<vmem>>) target_semaphore(%arg10 : memref<!tpu.dma_semaphore, #tpu.memory_space<semaphore_mem>>)
    %dma_start3A_88 = arith.constant 7 : i32
    %dma_start3A_89 = arith.constant 896 : i32
    %dma_start3A_90 = tpu.memref_slice %arg5[%dma_start3A_89] : memref<1024xi32, #tpu.memory_space<vmem>> -> memref<128xi32, #tpu.memory_space<vmem>>
    %dma_start3A_91 = tpu.memref_slice %arg2[%dma_start3A_88, %mul3A_2] : memref<200x4096xi32, #tpu.memory_space<hbm>> -> memref<1x128xi32, #tpu.memory_space<hbm>>
    %dma_start3A_92 = tpu.memref_squeeze %dma_start3A_91 : memref<1x128xi32, #tpu.memory_space<hbm>> -> memref<128xi32, #tpu.memory_space<hbm>>
    %dma_start3A_93 = arith.constant 896 : i32
    %dma_start3A_94 = tpu.memref_slice %arg5[%dma_start3A_93] : memref<1024xi32, #tpu.memory_space<vmem>> -> memref<128xi32, #tpu.memory_space<vmem>>
    %dma_start3A_95 = tpu.memref_slice %arg2[%dma_start3A_88, %mul3A_2] : memref<200x4096xi32, #tpu.memory_space<hbm>> -> memref<1x128xi32, #tpu.memory_space<hbm>>
    %dma_start3A_96 = tpu.memref_squeeze %dma_start3A_95 : memref<1x128xi32, #tpu.memory_space<hbm>> -> memref<128xi32, #tpu.memory_space<hbm>>
    tpu.enqueue_dma source(%dma_start3A_96 : memref<128xi32, #tpu.memory_space<hbm>>) target(%dma_start3A_94 : memref<128xi32, #tpu.memory_space<vmem>>) target_semaphore(%arg10 : memref<!tpu.dma_semaphore, #tpu.memory_space<semaphore_mem>>)
    %dma_wait3A = arith.constant 0 : i32
    %dma_wait3A_97 = arith.constant 0 : i32
    %dma_wait3A_98 = tpu.memref_slice %arg2[%dma_wait3A, %dma_wait3A_97] : memref<200x4096xi32, #tpu.memory_space<hbm>> -> memref<1x1024xi32, #tpu.memory_space<hbm>>
    %dma_wait3A_99 = tpu.memref_squeeze %dma_wait3A_98 : memref<1x1024xi32, #tpu.memory_space<hbm>> -> memref<1024xi32, #tpu.memory_space<hbm>>
    %dma_wait3A_100 = arith.constant 0 : i32
    %dma_wait3A_101 = tpu.memref_slice %arg2[%dma_wait3A, %dma_wait3A_100] : memref<200x4096xi32, #tpu.memory_space<hbm>> -> memref<1x1024xi32, #tpu.memory_space<hbm>>
    %dma_wait3A_102 = tpu.memref_squeeze %dma_wait3A_101 : memref<1x1024xi32, #tpu.memory_space<hbm>> -> memref<1024xi32, #tpu.memory_space<hbm>>
    tpu.wait_dma2 semaphore(%arg10 : memref<!tpu.dma_semaphore, #tpu.memory_space<semaphore_mem>>) src(%dma_wait3A_102 : memref<1024xi32, #tpu.memory_space<hbm>>) dst(%arg5 : memref<1024xi32, #tpu.memory_space<vmem>>)
    %dma_start3A_103 = arith.constant 0 : i32
    %dma_start3A_104 = arith.constant 0 : i32
    %dma_start3A_105 = tpu.memref_slice %arg3[%dma_start3A_103, %dma_start3A_104] : memref<1000000x32xf32, #tpu.memory_space<hbm>> -> memref<1000000x32xf32, #tpu.memory_space<hbm>>
    tpu.enqueue_indirect_dma source(%dma_start3A_105 : memref<1000000x32xf32, #tpu.memory_space<hbm>>) target(%arg7 : memref<1024x32xf32, #tpu.memory_space<vmem>>) offsets(%arg5 : memref<1024xi32, #tpu.memory_space<vmem>>) semaphore(%arg12 : memref<!tpu.dma_semaphore, #tpu.memory_space<semaphore_mem>>)
    %dma_start3A_106 = arith.constant 8 : i32
    %dma_start3A_107 = arith.constant 0 : i32
    %dma_start3A_108 = tpu.memref_slice %arg6[%dma_start3A_107] : memref<1024xi32, #tpu.memory_space<vmem>> -> memref<128xi32, #tpu.memory_space<vmem>>
    %dma_start3A_109 = tpu.memref_slice %arg2[%dma_start3A_106, %mul3A_2] : memref<200x4096xi32, #tpu.memory_space<hbm>> -> memref<1x128xi32, #tpu.memory_space<hbm>>
    %dma_start3A_110 = tpu.memref_squeeze %dma_start3A_109 : memref<1x128xi32, #tpu.memory_space<hbm>> -> memref<128xi32, #tpu.memory_space<hbm>>
    %dma_start3A_111 = arith.constant 0 : i32
    %dma_start3A_112 = tpu.memref_slice %arg6[%dma_start3A_111] : memref<1024xi32, #tpu.memory_space<vmem>> -> memref<128xi32, #tpu.memory_space<vmem>>
    %dma_start3A_113 = tpu.memref_slice %arg2[%dma_start3A_106, %mul3A_2] : memref<200x4096xi32, #tpu.memory_space<hbm>> -> memref<1x128xi32, #tpu.memory_space<hbm>>
    %dma_start3A_114 = tpu.memref_squeeze %dma_start3A_113 : memref<1x128xi32, #tpu.memory_space<hbm>> -> memref<128xi32, #tpu.memory_space<hbm>>
    tpu.enqueue_dma source(%dma_start3A_114 : memref<128xi32, #tpu.memory_space<hbm>>) target(%dma_start3A_112 : memref<128xi32, #tpu.memory_space<vmem>>) target_semaphore(%arg11 : memref<!tpu.dma_semaphore, #tpu.memory_space<semaphore_mem>>)
    %dma_start3A_115 = arith.constant 9 : i32
    %dma_start3A_116 = arith.constant 128 : i32
    %dma_start3A_117 = tpu.memref_slice %arg6[%dma_start3A_116] : memref<1024xi32, #tpu.memory_space<vmem>> -> memref<128xi32, #tpu.memory_space<vmem>>
    %dma_start3A_118 = tpu.memref_slice %arg2[%dma_start3A_115, %mul3A_2] : memref<200x4096xi32, #tpu.memory_space<hbm>> -> memref<1x128xi32, #tpu.memory_space<hbm>>
    %dma_start3A_119 = tpu.memref_squeeze %dma_start3A_118 : memref<1x128xi32, #tpu.memory_space<hbm>> -> memref<128xi32, #tpu.memory_space<hbm>>
    %dma_start3A_120 = arith.constant 128 : i32
    %dma_start3A_121 = tpu.memref_slice %arg6[%dma_start3A_120] : memref<1024xi32, #tpu.memory_space<vmem>> -> memref<128xi32, #tpu.memory_space<vmem>>
    %dma_start3A_122 = tpu.memref_slice %arg2[%dma_start3A_115, %mul3A_2] : memref<200x4096xi32, #tpu.memory_space<hbm>> -> memref<1x128xi32, #tpu.memory_space<hbm>>
    %dma_start3A_123 = tpu.memref_squeeze %dma_start3A_122 : memref<1x128xi32, #tpu.memory_space<hbm>> -> memref<128xi32, #tpu.memory_space<hbm>>
    tpu.enqueue_dma source(%dma_start3A_123 : memref<128xi32, #tpu.memory_space<hbm>>) target(%dma_start3A_121 : memref<128xi32, #tpu.memory_space<vmem>>) target_semaphore(%arg11 : memref<!tpu.dma_semaphore, #tpu.memory_space<semaphore_mem>>)
    %dma_start3A_124 = arith.constant 10 : i32
    %dma_start3A_125 = arith.constant 256 : i32
    %dma_start3A_126 = tpu.memref_slice %arg6[%dma_start3A_125] : memref<1024xi32, #tpu.memory_space<vmem>> -> memref<128xi32, #tpu.memory_space<vmem>>
    %dma_start3A_127 = tpu.memref_slice %arg2[%dma_start3A_124, %mul3A_2] : memref<200x4096xi32, #tpu.memory_space<hbm>> -> memref<1x128xi32, #tpu.memory_space<hbm>>
    %dma_start3A_128 = tpu.memref_squeeze %dma_start3A_127 : memref<1x128xi32, #tpu.memory_space<hbm>> -> memref<128xi32, #tpu.memory_space<hbm>>
    %dma_start3A_129 = arith.constant 256 : i32
    %dma_start3A_130 = tpu.memref_slice %arg6[%dma_start3A_129] : memref<1024xi32, #tpu.memory_space<vmem>> -> memref<128xi32, #tpu.memory_space<vmem>>
    %dma_start3A_131 = tpu.memref_slice %arg2[%dma_start3A_124, %mul3A_2] : memref<200x4096xi32, #tpu.memory_space<hbm>> -> memref<1x128xi32, #tpu.memory_space<hbm>>
    %dma_start3A_132 = tpu.memref_squeeze %dma_start3A_131 : memref<1x128xi32, #tpu.memory_space<hbm>> -> memref<128xi32, #tpu.memory_space<hbm>>
    tpu.enqueue_dma source(%dma_start3A_132 : memref<128xi32, #tpu.memory_space<hbm>>) target(%dma_start3A_130 : memref<128xi32, #tpu.memory_space<vmem>>) target_semaphore(%arg11 : memref<!tpu.dma_semaphore, #tpu.memory_space<semaphore_mem>>)
    %dma_start3A_133 = arith.constant 11 : i32
    %dma_start3A_134 = arith.constant 384 : i32
    %dma_start3A_135 = tpu.memref_slice %arg6[%dma_start3A_134] : memref<1024xi32, #tpu.memory_space<vmem>> -> memref<128xi32, #tpu.memory_space<vmem>>
    %dma_start3A_136 = tpu.memref_slice %arg2[%dma_start3A_133, %mul3A_2] : memref<200x4096xi32, #tpu.memory_space<hbm>> -> memref<1x128xi32, #tpu.memory_space<hbm>>
    %dma_start3A_137 = tpu.memref_squeeze %dma_start3A_136 : memref<1x128xi32, #tpu.memory_space<hbm>> -> memref<128xi32, #tpu.memory_space<hbm>>
    %dma_start3A_138 = arith.constant 384 : i32
    %dma_start3A_139 = tpu.memref_slice %arg6[%dma_start3A_138] : memref<1024xi32, #tpu.memory_space<vmem>> -> memref<128xi32, #tpu.memory_space<vmem>>
    %dma_start3A_140 = tpu.memref_slice %arg2[%dma_start3A_133, %mul3A_2] : memref<200x4096xi32, #tpu.memory_space<hbm>> -> memref<1x128xi32, #tpu.memory_space<hbm>>
    %dma_start3A_141 = tpu.memref_squeeze %dma_start3A_140 : memref<1x128xi32, #tpu.memory_space<hbm>> -> memref<128xi32, #tpu.memory_space<hbm>>
    tpu.enqueue_dma source(%dma_start3A_141 : memref<128xi32, #tpu.memory_space<hbm>>) target(%dma_start3A_139 : memref<128xi32, #tpu.memory_space<vmem>>) target_semaphore(%arg11 : memref<!tpu.dma_semaphore, #tpu.memory_space<semaphore_mem>>)
    %dma_start3A_142 = arith.constant 12 : i32
    %dma_start3A_143 = arith.constant 512 : i32
    %dma_start3A_144 = tpu.memref_slice %arg6[%dma_start3A_143] : memref<1024xi32, #tpu.memory_space<vmem>> -> memref<128xi32, #tpu.memory_space<vmem>>
    %dma_start3A_145 = tpu.memref_slice %arg2[%dma_start3A_142, %mul3A_2] : memref<200x4096xi32, #tpu.memory_space<hbm>> -> memref<1x128xi32, #tpu.memory_space<hbm>>
    %dma_start3A_146 = tpu.memref_squeeze %dma_start3A_145 : memref<1x128xi32, #tpu.memory_space<hbm>> -> memref<128xi32, #tpu.memory_space<hbm>>
    %dma_start3A_147 = arith.constant 512 : i32
    %dma_start3A_148 = tpu.memref_slice %arg6[%dma_start3A_147] : memref<1024xi32, #tpu.memory_space<vmem>> -> memref<128xi32, #tpu.memory_space<vmem>>
    %dma_start3A_149 = tpu.memref_slice %arg2[%dma_start3A_142, %mul3A_2] : memref<200x4096xi32, #tpu.memory_space<hbm>> -> memref<1x128xi32, #tpu.memory_space<hbm>>
    %dma_start3A_150 = tpu.memref_squeeze %dma_start3A_149 : memref<1x128xi32, #tpu.memory_space<hbm>> -> memref<128xi32, #tpu.memory_space<hbm>>
    tpu.enqueue_dma source(%dma_start3A_150 : memref<128xi32, #tpu.memory_space<hbm>>) target(%dma_start3A_148 : memref<128xi32, #tpu.memory_space<vmem>>) target_semaphore(%arg11 : memref<!tpu.dma_semaphore, #tpu.memory_space<semaphore_mem>>)
    %dma_start3A_151 = arith.constant 13 : i32
    %dma_start3A_152 = arith.constant 640 : i32
    %dma_start3A_153 = tpu.memref_slice %arg6[%dma_start3A_152] : memref<1024xi32, #tpu.memory_space<vmem>> -> memref<128xi32, #tpu.memory_space<vmem>>
    %dma_start3A_154 = tpu.memref_slice %arg2[%dma_start3A_151, %mul3A_2] : memref<200x4096xi32, #tpu.memory_space<hbm>> -> memref<1x128xi32, #tpu.memory_space<hbm>>
    %dma_start3A_155 = tpu.memref_squeeze %dma_start3A_154 : memref<1x128xi32, #tpu.memory_space<hbm>> -> memref<128xi32, #tpu.memory_space<hbm>>
    %dma_start3A_156 = arith.constant 640 : i32
    %dma_start3A_157 = tpu.memref_slice %arg6[%dma_start3A_156] : memref<1024xi32, #tpu.memory_space<vmem>> -> memref<128xi32, #tpu.memory_space<vmem>>
    %dma_start3A_158 = tpu.memref_slice %arg2[%dma_start3A_151, %mul3A_2] : memref<200x4096xi32, #tpu.memory_space<hbm>> -> memref<1x128xi32, #tpu.memory_space<hbm>>
    %dma_start3A_159 = tpu.memref_squeeze %dma_start3A_158 : memref<1x128xi32, #tpu.memory_space<hbm>> -> memref<128xi32, #tpu.memory_space<hbm>>
    tpu.enqueue_dma source(%dma_start3A_159 : memref<128xi32, #tpu.memory_space<hbm>>) target(%dma_start3A_157 : memref<128xi32, #tpu.memory_space<vmem>>) target_semaphore(%arg11 : memref<!tpu.dma_semaphore, #tpu.memory_space<semaphore_mem>>)
    %dma_start3A_160 = arith.constant 14 : i32
    %dma_start3A_161 = arith.constant 768 : i32
    %dma_start3A_162 = tpu.memref_slice %arg6[%dma_start3A_161] : memref<1024xi32, #tpu.memory_space<vmem>> -> memref<128xi32, #tpu.memory_space<vmem>>
    %dma_start3A_163 = tpu.memref_slice %arg2[%dma_start3A_160, %mul3A_2] : memref<200x4096xi32, #tpu.memory_space<hbm>> -> memref<1x128xi32, #tpu.memory_space<hbm>>
    %dma_start3A_164 = tpu.memref_squeeze %dma_start3A_163 : memref<1x128xi32, #tpu.memory_space<hbm>> -> memref<128xi32, #tpu.memory_space<hbm>>
    %dma_start3A_165 = arith.constant 768 : i32
    %dma_start3A_166 = tpu.memref_slice %arg6[%dma_start3A_165] : memref<1024xi32, #tpu.memory_space<vmem>> -> memref<128xi32, #tpu.memory_space<vmem>>
    %dma_start3A_167 = tpu.memref_slice %arg2[%dma_start3A_160, %mul3A_2] : memref<200x4096xi32, #tpu.memory_space<hbm>> -> memref<1x128xi32, #tpu.memory_space<hbm>>
    %dma_start3A_168 = tpu.memref_squeeze %dma_start3A_167 : memref<1x128xi32, #tpu.memory_space<hbm>> -> memref<128xi32, #tpu.memory_space<hbm>>
    tpu.enqueue_dma source(%dma_start3A_168 : memref<128xi32, #tpu.memory_space<hbm>>) target(%dma_start3A_166 : memref<128xi32, #tpu.memory_space<vmem>>) target_semaphore(%arg11 : memref<!tpu.dma_semaphore, #tpu.memory_space<semaphore_mem>>)
    %dma_start3A_169 = arith.constant 15 : i32
    %dma_start3A_170 = arith.constant 896 : i32
    %dma_start3A_171 = tpu.memref_slice %arg6[%dma_start3A_170] : memref<1024xi32, #tpu.memory_space<vmem>> -> memref<128xi32, #tpu.memory_space<vmem>>
    %dma_start3A_172 = tpu.memref_slice %arg2[%dma_start3A_169, %mul3A_2] : memref<200x4096xi32, #tpu.memory_space<hbm>> -> memref<1x128xi32, #tpu.memory_space<hbm>>
    %dma_start3A_173 = tpu.memref_squeeze %dma_start3A_172 : memref<1x128xi32, #tpu.memory_space<hbm>> -> memref<128xi32, #tpu.memory_space<hbm>>
    %dma_start3A_174 = arith.constant 896 : i32
    %dma_start3A_175 = tpu.memref_slice %arg6[%dma_start3A_174] : memref<1024xi32, #tpu.memory_space<vmem>> -> memref<128xi32, #tpu.memory_space<vmem>>
    %dma_start3A_176 = tpu.memref_slice %arg2[%dma_start3A_169, %mul3A_2] : memref<200x4096xi32, #tpu.memory_space<hbm>> -> memref<1x128xi32, #tpu.memory_space<hbm>>
    %dma_start3A_177 = tpu.memref_squeeze %dma_start3A_176 : memref<1x128xi32, #tpu.memory_space<hbm>> -> memref<128xi32, #tpu.memory_space<hbm>>
    tpu.enqueue_dma source(%dma_start3A_177 : memref<128xi32, #tpu.memory_space<hbm>>) target(%dma_start3A_175 : memref<128xi32, #tpu.memory_space<vmem>>) target_semaphore(%arg11 : memref<!tpu.dma_semaphore, #tpu.memory_space<semaphore_mem>>)
    %scan3A = arith.constant 0 : i32
    %scan3A_178 = arith.constant 0 : i32
    %scan3A_179 = arith.constant 12 : i32
    %scan3A_180 = arith.addi %scan3A_178, %scan3A_179 : i32
    %scan3A_181 = arith.constant 1 : i32
    scf.for %scan3A_507 = %scan3A_178 to %scan3A_180 step %scan3A_181  : i32 {
      %mul3A_508 = arith.constant 2 : i32
      %mul3A_509 = arith.muli %mul3A_508, %scan3A_507 : i32
      %mul3A_510 = arith.constant 8 : i32
      %mul3A_511 = arith.muli %mul3A_509, %mul3A_510 : i32
      %add3A_512 = arith.constant 8 : i32
      %add3A_513 = arith.addi %mul3A_511, %add3A_512 : i32
      %dma_wait3A_514 = arith.constant 0 : i32
      %dma_wait3A_515 = arith.constant 0 : i32
      %dma_wait3A_516 = tpu.memref_slice %arg2[%dma_wait3A_514, %dma_wait3A_515] : memref<200x4096xi32, #tpu.memory_space<hbm>> -> memref<1x1024xi32, #tpu.memory_space<hbm>>
      %dma_wait3A_517 = tpu.memref_squeeze %dma_wait3A_516 : memref<1x1024xi32, #tpu.memory_space<hbm>> -> memref<1024xi32, #tpu.memory_space<hbm>>
      %dma_wait3A_518 = arith.constant 0 : i32
      %dma_wait3A_519 = tpu.memref_slice %arg2[%dma_wait3A_514, %dma_wait3A_518] : memref<200x4096xi32, #tpu.memory_space<hbm>> -> memref<1x1024xi32, #tpu.memory_space<hbm>>
      %dma_wait3A_520 = tpu.memref_squeeze %dma_wait3A_519 : memref<1x1024xi32, #tpu.memory_space<hbm>> -> memref<1024xi32, #tpu.memory_space<hbm>>
      tpu.wait_dma2 semaphore(%arg11 : memref<!tpu.dma_semaphore, #tpu.memory_space<semaphore_mem>>) src(%dma_wait3A_520 : memref<1024xi32, #tpu.memory_space<hbm>>) dst(%arg6 : memref<1024xi32, #tpu.memory_space<vmem>>)
      %dma_wait3A_521 = arith.constant 0 : i32
      %dma_wait3A_522 = arith.constant 0 : i32
      %dma_wait3A_523 = tpu.memref_slice %arg3[%dma_wait3A_521, %dma_wait3A_522] : memref<1000000x32xf32, #tpu.memory_space<hbm>> -> memref<1024x32xf32, #tpu.memory_space<hbm>>
      %dma_wait3A_524 = arith.constant 0 : i32
      %dma_wait3A_525 = arith.constant 0 : i32
      %dma_wait3A_526 = tpu.memref_slice %arg3[%dma_wait3A_524, %dma_wait3A_525] : memref<1000000x32xf32, #tpu.memory_space<hbm>> -> memref<1024x32xf32, #tpu.memory_space<hbm>>
      tpu.wait_dma2 semaphore(%arg12 : memref<!tpu.dma_semaphore, #tpu.memory_space<semaphore_mem>>) src(%dma_wait3A_526 : memref<1024x32xf32, #tpu.memory_space<hbm>>) dst(%arg7 : memref<1024x32xf32, #tpu.memory_space<vmem>>)
      %add3A_527 = arith.constant 8 : i32
      %add3A_528 = arith.addi %add3A_513, %add3A_527 : i32
      %add3A_529 = arith.constant 0 : i32
      %add3A_530 = arith.addi %add3A_528, %add3A_529 : i32
      %dma_start3A_531 = arith.constant 0 : i32
      %dma_start3A_532 = tpu.memref_slice %arg5[%dma_start3A_531] : memref<1024xi32, #tpu.memory_space<vmem>> -> memref<128xi32, #tpu.memory_space<vmem>>
      %dma_start3A_533 = tpu.memref_slice %arg2[%add3A_530, %mul3A_2] : memref<200x4096xi32, #tpu.memory_space<hbm>> -> memref<1x128xi32, #tpu.memory_space<hbm>>
      %dma_start3A_534 = tpu.memref_squeeze %dma_start3A_533 : memref<1x128xi32, #tpu.memory_space<hbm>> -> memref<128xi32, #tpu.memory_space<hbm>>
      %dma_start3A_535 = arith.constant 0 : i32
      %dma_start3A_536 = tpu.memref_slice %arg5[%dma_start3A_535] : memref<1024xi32, #tpu.memory_space<vmem>> -> memref<128xi32, #tpu.memory_space<vmem>>
      %dma_start3A_537 = tpu.memref_slice %arg2[%add3A_530, %mul3A_2] : memref<200x4096xi32, #tpu.memory_space<hbm>> -> memref<1x128xi32, #tpu.memory_space<hbm>>
      %dma_start3A_538 = tpu.memref_squeeze %dma_start3A_537 : memref<1x128xi32, #tpu.memory_space<hbm>> -> memref<128xi32, #tpu.memory_space<hbm>>
      tpu.enqueue_dma source(%dma_start3A_538 : memref<128xi32, #tpu.memory_space<hbm>>) target(%dma_start3A_536 : memref<128xi32, #tpu.memory_space<vmem>>) target_semaphore(%arg10 : memref<!tpu.dma_semaphore, #tpu.memory_space<semaphore_mem>>)
      %add3A_539 = arith.constant 1 : i32
      %add3A_540 = arith.addi %add3A_528, %add3A_539 : i32
      %dma_start3A_541 = arith.constant 128 : i32
      %dma_start3A_542 = tpu.memref_slice %arg5[%dma_start3A_541] : memref<1024xi32, #tpu.memory_space<vmem>> -> memref<128xi32, #tpu.memory_space<vmem>>
      %dma_start3A_543 = tpu.memref_slice %arg2[%add3A_540, %mul3A_2] : memref<200x4096xi32, #tpu.memory_space<hbm>> -> memref<1x128xi32, #tpu.memory_space<hbm>>
      %dma_start3A_544 = tpu.memref_squeeze %dma_start3A_543 : memref<1x128xi32, #tpu.memory_space<hbm>> -> memref<128xi32, #tpu.memory_space<hbm>>
      %dma_start3A_545 = arith.constant 128 : i32
      %dma_start3A_546 = tpu.memref_slice %arg5[%dma_start3A_545] : memref<1024xi32, #tpu.memory_space<vmem>> -> memref<128xi32, #tpu.memory_space<vmem>>
      %dma_start3A_547 = tpu.memref_slice %arg2[%add3A_540, %mul3A_2] : memref<200x4096xi32, #tpu.memory_space<hbm>> -> memref<1x128xi32, #tpu.memory_space<hbm>>
      %dma_start3A_548 = tpu.memref_squeeze %dma_start3A_547 : memref<1x128xi32, #tpu.memory_space<hbm>> -> memref<128xi32, #tpu.memory_space<hbm>>
      tpu.enqueue_dma source(%dma_start3A_548 : memref<128xi32, #tpu.memory_space<hbm>>) target(%dma_start3A_546 : memref<128xi32, #tpu.memory_space<vmem>>) target_semaphore(%arg10 : memref<!tpu.dma_semaphore, #tpu.memory_space<semaphore_mem>>)
      %add3A_549 = arith.constant 2 : i32
      %add3A_550 = arith.addi %add3A_528, %add3A_549 : i32
      %dma_start3A_551 = arith.constant 256 : i32
      %dma_start3A_552 = tpu.memref_slice %arg5[%dma_start3A_551] : memref<1024xi32, #tpu.memory_space<vmem>> -> memref<128xi32, #tpu.memory_space<vmem>>
      %dma_start3A_553 = tpu.memref_slice %arg2[%add3A_550, %mul3A_2] : memref<200x4096xi32, #tpu.memory_space<hbm>> -> memref<1x128xi32, #tpu.memory_space<hbm>>
      %dma_start3A_554 = tpu.memref_squeeze %dma_start3A_553 : memref<1x128xi32, #tpu.memory_space<hbm>> -> memref<128xi32, #tpu.memory_space<hbm>>
      %dma_start3A_555 = arith.constant 256 : i32
      %dma_start3A_556 = tpu.memref_slice %arg5[%dma_start3A_555] : memref<1024xi32, #tpu.memory_space<vmem>> -> memref<128xi32, #tpu.memory_space<vmem>>
      %dma_start3A_557 = tpu.memref_slice %arg2[%add3A_550, %mul3A_2] : memref<200x4096xi32, #tpu.memory_space<hbm>> -> memref<1x128xi32, #tpu.memory_space<hbm>>
      %dma_start3A_558 = tpu.memref_squeeze %dma_start3A_557 : memref<1x128xi32, #tpu.memory_space<hbm>> -> memref<128xi32, #tpu.memory_space<hbm>>
      tpu.enqueue_dma source(%dma_start3A_558 : memref<128xi32, #tpu.memory_space<hbm>>) target(%dma_start3A_556 : memref<128xi32, #tpu.memory_space<vmem>>) target_semaphore(%arg10 : memref<!tpu.dma_semaphore, #tpu.memory_space<semaphore_mem>>)
      %add3A_559 = arith.constant 3 : i32
      %add3A_560 = arith.addi %add3A_528, %add3A_559 : i32
      %dma_start3A_561 = arith.constant 384 : i32
      %dma_start3A_562 = tpu.memref_slice %arg5[%dma_start3A_561] : memref<1024xi32, #tpu.memory_space<vmem>> -> memref<128xi32, #tpu.memory_space<vmem>>
      %dma_start3A_563 = tpu.memref_slice %arg2[%add3A_560, %mul3A_2] : memref<200x4096xi32, #tpu.memory_space<hbm>> -> memref<1x128xi32, #tpu.memory_space<hbm>>
      %dma_start3A_564 = tpu.memref_squeeze %dma_start3A_563 : memref<1x128xi32, #tpu.memory_space<hbm>> -> memref<128xi32, #tpu.memory_space<hbm>>
      %dma_start3A_565 = arith.constant 384 : i32
      %dma_start3A_566 = tpu.memref_slice %arg5[%dma_start3A_565] : memref<1024xi32, #tpu.memory_space<vmem>> -> memref<128xi32, #tpu.memory_space<vmem>>
      %dma_start3A_567 = tpu.memref_slice %arg2[%add3A_560, %mul3A_2] : memref<200x4096xi32, #tpu.memory_space<hbm>> -> memref<1x128xi32, #tpu.memory_space<hbm>>
      %dma_start3A_568 = tpu.memref_squeeze %dma_start3A_567 : memref<1x128xi32, #tpu.memory_space<hbm>> -> memref<128xi32, #tpu.memory_space<hbm>>
      tpu.enqueue_dma source(%dma_start3A_568 : memref<128xi32, #tpu.memory_space<hbm>>) target(%dma_start3A_566 : memref<128xi32, #tpu.memory_space<vmem>>) target_semaphore(%arg10 : memref<!tpu.dma_semaphore, #tpu.memory_space<semaphore_mem>>)
      %add3A_569 = arith.constant 4 : i32
      %add3A_570 = arith.addi %add3A_528, %add3A_569 : i32
      %dma_start3A_571 = arith.constant 512 : i32
      %dma_start3A_572 = tpu.memref_slice %arg5[%dma_start3A_571] : memref<1024xi32, #tpu.memory_space<vmem>> -> memref<128xi32, #tpu.memory_space<vmem>>
      %dma_start3A_573 = tpu.memref_slice %arg2[%add3A_570, %mul3A_2] : memref<200x4096xi32, #tpu.memory_space<hbm>> -> memref<1x128xi32, #tpu.memory_space<hbm>>
      %dma_start3A_574 = tpu.memref_squeeze %dma_start3A_573 : memref<1x128xi32, #tpu.memory_space<hbm>> -> memref<128xi32, #tpu.memory_space<hbm>>
      %dma_start3A_575 = arith.constant 512 : i32
      %dma_start3A_576 = tpu.memref_slice %arg5[%dma_start3A_575] : memref<1024xi32, #tpu.memory_space<vmem>> -> memref<128xi32, #tpu.memory_space<vmem>>
      %dma_start3A_577 = tpu.memref_slice %arg2[%add3A_570, %mul3A_2] : memref<200x4096xi32, #tpu.memory_space<hbm>> -> memref<1x128xi32, #tpu.memory_space<hbm>>
      %dma_start3A_578 = tpu.memref_squeeze %dma_start3A_577 : memref<1x128xi32, #tpu.memory_space<hbm>> -> memref<128xi32, #tpu.memory_space<hbm>>
      tpu.enqueue_dma source(%dma_start3A_578 : memref<128xi32, #tpu.memory_space<hbm>>) target(%dma_start3A_576 : memref<128xi32, #tpu.memory_space<vmem>>) target_semaphore(%arg10 : memref<!tpu.dma_semaphore, #tpu.memory_space<semaphore_mem>>)
      %add3A_579 = arith.constant 5 : i32
      %add3A_580 = arith.addi %add3A_528, %add3A_579 : i32
      %dma_start3A_581 = arith.constant 640 : i32
      %dma_start3A_582 = tpu.memref_slice %arg5[%dma_start3A_581] : memref<1024xi32, #tpu.memory_space<vmem>> -> memref<128xi32, #tpu.memory_space<vmem>>
      %dma_start3A_583 = tpu.memref_slice %arg2[%add3A_580, %mul3A_2] : memref<200x4096xi32, #tpu.memory_space<hbm>> -> memref<1x128xi32, #tpu.memory_space<hbm>>
      %dma_start3A_584 = tpu.memref_squeeze %dma_start3A_583 : memref<1x128xi32, #tpu.memory_space<hbm>> -> memref<128xi32, #tpu.memory_space<hbm>>
      %dma_start3A_585 = arith.constant 640 : i32
      %dma_start3A_586 = tpu.memref_slice %arg5[%dma_start3A_585] : memref<1024xi32, #tpu.memory_space<vmem>> -> memref<128xi32, #tpu.memory_space<vmem>>
      %dma_start3A_587 = tpu.memref_slice %arg2[%add3A_580, %mul3A_2] : memref<200x4096xi32, #tpu.memory_space<hbm>> -> memref<1x128xi32, #tpu.memory_space<hbm>>
      %dma_start3A_588 = tpu.memref_squeeze %dma_start3A_587 : memref<1x128xi32, #tpu.memory_space<hbm>> -> memref<128xi32, #tpu.memory_space<hbm>>
      tpu.enqueue_dma source(%dma_start3A_588 : memref<128xi32, #tpu.memory_space<hbm>>) target(%dma_start3A_586 : memref<128xi32, #tpu.memory_space<vmem>>) target_semaphore(%arg10 : memref<!tpu.dma_semaphore, #tpu.memory_space<semaphore_mem>>)
      %add3A_589 = arith.constant 6 : i32
      %add3A_590 = arith.addi %add3A_528, %add3A_589 : i32
      %dma_start3A_591 = arith.constant 768 : i32
      %dma_start3A_592 = tpu.memref_slice %arg5[%dma_start3A_591] : memref<1024xi32, #tpu.memory_space<vmem>> -> memref<128xi32, #tpu.memory_space<vmem>>
      %dma_start3A_593 = tpu.memref_slice %arg2[%add3A_590, %mul3A_2] : memref<200x4096xi32, #tpu.memory_space<hbm>> -> memref<1x128xi32, #tpu.memory_space<hbm>>
      %dma_start3A_594 = tpu.memref_squeeze %dma_start3A_593 : memref<1x128xi32, #tpu.memory_space<hbm>> -> memref<128xi32, #tpu.memory_space<hbm>>
      %dma_start3A_595 = arith.constant 768 : i32
      %dma_start3A_596 = tpu.memref_slice %arg5[%dma_start3A_595] : memref<1024xi32, #tpu.memory_space<vmem>> -> memref<128xi32, #tpu.memory_space<vmem>>
      %dma_start3A_597 = tpu.memref_slice %arg2[%add3A_590, %mul3A_2] : memref<200x4096xi32, #tpu.memory_space<hbm>> -> memref<1x128xi32, #tpu.memory_space<hbm>>
      %dma_start3A_598 = tpu.memref_squeeze %dma_start3A_597 : memref<1x128xi32, #tpu.memory_space<hbm>> -> memref<128xi32, #tpu.memory_space<hbm>>
      tpu.enqueue_dma source(%dma_start3A_598 : memref<128xi32, #tpu.memory_space<hbm>>) target(%dma_start3A_596 : memref<128xi32, #tpu.memory_space<vmem>>) target_semaphore(%arg10 : memref<!tpu.dma_semaphore, #tpu.memory_space<semaphore_mem>>)
      %add3A_599 = arith.constant 7 : i32
      %add3A_600 = arith.addi %add3A_528, %add3A_599 : i32
      %dma_start3A_601 = arith.constant 896 : i32
      %dma_start3A_602 = tpu.memref_slice %arg5[%dma_start3A_601] : memref<1024xi32, #tpu.memory_space<vmem>> -> memref<128xi32, #tpu.memory_space<vmem>>
      %dma_start3A_603 = tpu.memref_slice %arg2[%add3A_600, %mul3A_2] : memref<200x4096xi32, #tpu.memory_space<hbm>> -> memref<1x128xi32, #tpu.memory_space<hbm>>
      %dma_start3A_604 = tpu.memref_squeeze %dma_start3A_603 : memref<1x128xi32, #tpu.memory_space<hbm>> -> memref<128xi32, #tpu.memory_space<hbm>>
      %dma_start3A_605 = arith.constant 896 : i32
      %dma_start3A_606 = tpu.memref_slice %arg5[%dma_start3A_605] : memref<1024xi32, #tpu.memory_space<vmem>> -> memref<128xi32, #tpu.memory_space<vmem>>
      %dma_start3A_607 = tpu.memref_slice %arg2[%add3A_600, %mul3A_2] : memref<200x4096xi32, #tpu.memory_space<hbm>> -> memref<1x128xi32, #tpu.memory_space<hbm>>
      %dma_start3A_608 = tpu.memref_squeeze %dma_start3A_607 : memref<1x128xi32, #tpu.memory_space<hbm>> -> memref<128xi32, #tpu.memory_space<hbm>>
      tpu.enqueue_dma source(%dma_start3A_608 : memref<128xi32, #tpu.memory_space<hbm>>) target(%dma_start3A_606 : memref<128xi32, #tpu.memory_space<vmem>>) target_semaphore(%arg10 : memref<!tpu.dma_semaphore, #tpu.memory_space<semaphore_mem>>)
      %dma_start3A_609 = arith.constant 0 : i32
      %dma_start3A_610 = arith.constant 0 : i32
      %dma_start3A_611 = tpu.memref_slice %arg3[%dma_start3A_609, %dma_start3A_610] : memref<1000000x32xf32, #tpu.memory_space<hbm>> -> memref<1000000x32xf32, #tpu.memory_space<hbm>>
      tpu.enqueue_indirect_dma source(%dma_start3A_611 : memref<1000000x32xf32, #tpu.memory_space<hbm>>) target(%arg8 : memref<1024x32xf32, #tpu.memory_space<vmem>>) offsets(%arg6 : memref<1024xi32, #tpu.memory_space<vmem>>) semaphore(%arg13 : memref<!tpu.dma_semaphore, #tpu.memory_space<semaphore_mem>>)
      %gt3A = arith.constant 0 : i32
      %gt3A_612 = arith.cmpi sgt, %scan3A_507, %gt3A : i32
      %convert_element_type3A = arith.extui %gt3A_612 : i1 to i32
      %cond3A = arith.constant 0 : i32
      %cond3A_613 = arith.cmpi ne, %convert_element_type3A, %cond3A : i32
      scf.if %cond3A_613 {
        %dma_wait3A_932 = arith.constant 0 : i32
        %dma_wait3A_933 = arith.constant 0 : i32
        %dma_wait3A_934 = arith.constant 0 : i32
        %dma_wait3A_935 = arith.constant 0 : i32
        %dma_wait3A_936 = arith.constant 0 : i32
        %dma_wait3A_937 = arith.constant 0 : i32
        %dma_wait3A_938 = tpu.memref_slice %arg9[%dma_wait3A_932, %dma_wait3A_933, %dma_wait3A_934, %dma_wait3A_935, %dma_wait3A_936, %dma_wait3A_937] : memref<4x8x1x1x8x129xf32, #tpu.memory_space<vmem>> -> memref<1x8x1x1x8x128xf32, #tpu.memory_space<vmem>>
        %dma_wait3A_939 = tpu.memref_squeeze %dma_wait3A_938 : memref<1x8x1x1x8x128xf32, #tpu.memory_space<vmem>> -> memref<8x1x1x8x128xf32, #tpu.memory_space<vmem>>
        %dma_wait3A_940 = arith.constant 0 : i32
        %dma_wait3A_941 = arith.constant 0 : i32
        %dma_wait3A_942 = arith.constant 0 : i32
        %dma_wait3A_943 = arith.constant 0 : i32
        %dma_wait3A_944 = arith.constant 0 : i32
        %dma_wait3A_945 = tpu.memref_slice %arg4[%dma_wait3A_940, %dma_wait3A_941, %dma_wait3A_942, %dma_wait3A_943, %dma_wait3A_944] : memref<200x4x32x8x128xf32, #tpu.memory_space<hbm>> -> memref<8x1x1x8x128xf32, #tpu.memory_space<hbm>>
        %dma_wait3A_946 = arith.constant 0 : i32
        %dma_wait3A_947 = arith.constant 0 : i32
        %dma_wait3A_948 = arith.constant 0 : i32
        %dma_wait3A_949 = arith.constant 0 : i32
        %dma_wait3A_950 = arith.constant 0 : i32
        %dma_wait3A_951 = tpu.memref_slice %arg9[%dma_wait3A_932, %dma_wait3A_946, %dma_wait3A_947, %dma_wait3A_948, %dma_wait3A_949, %dma_wait3A_950] : memref<4x8x1x1x8x129xf32, #tpu.memory_space<vmem>> -> memref<1x8x1x1x8x128xf32, #tpu.memory_space<vmem>>
        %dma_wait3A_952 = tpu.memref_squeeze %dma_wait3A_951 : memref<1x8x1x1x8x128xf32, #tpu.memory_space<vmem>> -> memref<8x1x1x8x128xf32, #tpu.memory_space<vmem>>
        %dma_wait3A_953 = arith.constant 0 : i32
        %dma_wait3A_954 = arith.constant 0 : i32
        %dma_wait3A_955 = arith.constant 0 : i32
        %dma_wait3A_956 = arith.constant 0 : i32
        %dma_wait3A_957 = arith.constant 0 : i32
        %dma_wait3A_958 = tpu.memref_slice %arg4[%dma_wait3A_953, %dma_wait3A_954, %dma_wait3A_955, %dma_wait3A_956, %dma_wait3A_957] : memref<200x4x32x8x128xf32, #tpu.memory_space<hbm>> -> memref<8x1x1x8x128xf32, #tpu.memory_space<hbm>>
        tpu.wait_dma2 semaphore(%arg14 : memref<!tpu.dma_semaphore, #tpu.memory_space<semaphore_mem>>) src(%dma_wait3A_958 : memref<8x1x1x8x128xf32, #tpu.memory_space<hbm>>) dst(%dma_wait3A_952 : memref<8x1x1x8x128xf32, #tpu.memory_space<vmem>>)
        %dma_wait3A_959 = arith.constant 1 : i32
        %dma_wait3A_960 = arith.constant 0 : i32
        %dma_wait3A_961 = arith.constant 0 : i32
        %dma_wait3A_962 = arith.constant 0 : i32
        %dma_wait3A_963 = arith.constant 0 : i32
        %dma_wait3A_964 = arith.constant 0 : i32
        %dma_wait3A_965 = tpu.memref_slice %arg9[%dma_wait3A_959, %dma_wait3A_960, %dma_wait3A_961, %dma_wait3A_962, %dma_wait3A_963, %dma_wait3A_964] : memref<4x8x1x1x8x129xf32, #tpu.memory_space<vmem>> -> memref<1x8x1x1x8x128xf32, #tpu.memory_space<vmem>>
        %dma_wait3A_966 = tpu.memref_squeeze %dma_wait3A_965 : memref<1x8x1x1x8x128xf32, #tpu.memory_space<vmem>> -> memref<8x1x1x8x128xf32, #tpu.memory_space<vmem>>
        %dma_wait3A_967 = arith.constant 0 : i32
        %dma_wait3A_968 = arith.constant 1 : i32
        %dma_wait3A_969 = arith.constant 0 : i32
        %dma_wait3A_970 = arith.constant 0 : i32
        %dma_wait3A_971 = arith.constant 0 : i32
        %dma_wait3A_972 = tpu.memref_slice %arg4[%dma_wait3A_967, %dma_wait3A_968, %dma_wait3A_969, %dma_wait3A_970, %dma_wait3A_971] : memref<200x4x32x8x128xf32, #tpu.memory_space<hbm>> -> memref<8x1x1x8x128xf32, #tpu.memory_space<hbm>>
        %dma_wait3A_973 = arith.constant 0 : i32
        %dma_wait3A_974 = arith.constant 0 : i32
        %dma_wait3A_975 = arith.constant 0 : i32
        %dma_wait3A_976 = arith.constant 0 : i32
        %dma_wait3A_977 = arith.constant 0 : i32
        %dma_wait3A_978 = tpu.memref_slice %arg9[%dma_wait3A_959, %dma_wait3A_973, %dma_wait3A_974, %dma_wait3A_975, %dma_wait3A_976, %dma_wait3A_977] : memref<4x8x1x1x8x129xf32, #tpu.memory_space<vmem>> -> memref<1x8x1x1x8x128xf32, #tpu.memory_space<vmem>>
        %dma_wait3A_979 = tpu.memref_squeeze %dma_wait3A_978 : memref<1x8x1x1x8x128xf32, #tpu.memory_space<vmem>> -> memref<8x1x1x8x128xf32, #tpu.memory_space<vmem>>
        %dma_wait3A_980 = arith.constant 0 : i32
        %dma_wait3A_981 = arith.constant 1 : i32
        %dma_wait3A_982 = arith.constant 0 : i32
        %dma_wait3A_983 = arith.constant 0 : i32
        %dma_wait3A_984 = arith.constant 0 : i32
        %dma_wait3A_985 = tpu.memref_slice %arg4[%dma_wait3A_980, %dma_wait3A_981, %dma_wait3A_982, %dma_wait3A_983, %dma_wait3A_984] : memref<200x4x32x8x128xf32, #tpu.memory_space<hbm>> -> memref<8x1x1x8x128xf32, #tpu.memory_space<hbm>>
        tpu.wait_dma2 semaphore(%arg14 : memref<!tpu.dma_semaphore, #tpu.memory_space<semaphore_mem>>) src(%dma_wait3A_985 : memref<8x1x1x8x128xf32, #tpu.memory_space<hbm>>) dst(%dma_wait3A_979 : memref<8x1x1x8x128xf32, #tpu.memory_space<vmem>>)
        %dma_wait3A_986 = arith.constant 2 : i32
        %dma_wait3A_987 = arith.constant 0 : i32
        %dma_wait3A_988 = arith.constant 0 : i32
        %dma_wait3A_989 = arith.constant 0 : i32
        %dma_wait3A_990 = arith.constant 0 : i32
        %dma_wait3A_991 = arith.constant 0 : i32
        %dma_wait3A_992 = tpu.memref_slice %arg9[%dma_wait3A_986, %dma_wait3A_987, %dma_wait3A_988, %dma_wait3A_989, %dma_wait3A_990, %dma_wait3A_991] : memref<4x8x1x1x8x129xf32, #tpu.memory_space<vmem>> -> memref<1x8x1x1x8x128xf32, #tpu.memory_space<vmem>>
        %dma_wait3A_993 = tpu.memref_squeeze %dma_wait3A_992 : memref<1x8x1x1x8x128xf32, #tpu.memory_space<vmem>> -> memref<8x1x1x8x128xf32, #tpu.memory_space<vmem>>
        %dma_wait3A_994 = arith.constant 0 : i32
        %dma_wait3A_995 = arith.constant 2 : i32
        %dma_wait3A_996 = arith.constant 0 : i32
        %dma_wait3A_997 = arith.constant 0 : i32
        %dma_wait3A_998 = arith.constant 0 : i32
        %dma_wait3A_999 = tpu.memref_slice %arg4[%dma_wait3A_994, %dma_wait3A_995, %dma_wait3A_996, %dma_wait3A_997, %dma_wait3A_998] : memref<200x4x32x8x128xf32, #tpu.memory_space<hbm>> -> memref<8x1x1x8x128xf32, #tpu.memory_space<hbm>>
        %dma_wait3A_1000 = arith.constant 0 : i32
        %dma_wait3A_1001 = arith.constant 0 : i32
        %dma_wait3A_1002 = arith.constant 0 : i32
        %dma_wait3A_1003 = arith.constant 0 : i32
        %dma_wait3A_1004 = arith.constant 0 : i32
        %dma_wait3A_1005 = tpu.memref_slice %arg9[%dma_wait3A_986, %dma_wait3A_1000, %dma_wait3A_1001, %dma_wait3A_1002, %dma_wait3A_1003, %dma_wait3A_1004] : memref<4x8x1x1x8x129xf32, #tpu.memory_space<vmem>> -> memref<1x8x1x1x8x128xf32, #tpu.memory_space<vmem>>
        %dma_wait3A_1006 = tpu.memref_squeeze %dma_wait3A_1005 : memref<1x8x1x1x8x128xf32, #tpu.memory_space<vmem>> -> memref<8x1x1x8x128xf32, #tpu.memory_space<vmem>>
        %dma_wait3A_1007 = arith.constant 0 : i32
        %dma_wait3A_1008 = arith.constant 2 : i32
        %dma_wait3A_1009 = arith.constant 0 : i32
        %dma_wait3A_1010 = arith.constant 0 : i32
        %dma_wait3A_1011 = arith.constant 0 : i32
        %dma_wait3A_1012 = tpu.memref_slice %arg4[%dma_wait3A_1007, %dma_wait3A_1008, %dma_wait3A_1009, %dma_wait3A_1010, %dma_wait3A_1011] : memref<200x4x32x8x128xf32, #tpu.memory_space<hbm>> -> memref<8x1x1x8x128xf32, #tpu.memory_space<hbm>>
        tpu.wait_dma2 semaphore(%arg14 : memref<!tpu.dma_semaphore, #tpu.memory_space<semaphore_mem>>) src(%dma_wait3A_1012 : memref<8x1x1x8x128xf32, #tpu.memory_space<hbm>>) dst(%dma_wait3A_1006 : memref<8x1x1x8x128xf32, #tpu.memory_space<vmem>>)
        %dma_wait3A_1013 = arith.constant 3 : i32
        %dma_wait3A_1014 = arith.constant 0 : i32
        %dma_wait3A_1015 = arith.constant 0 : i32
        %dma_wait3A_1016 = arith.constant 0 : i32
        %dma_wait3A_1017 = arith.constant 0 : i32
        %dma_wait3A_1018 = arith.constant 0 : i32
        %dma_wait3A_1019 = tpu.memref_slice %arg9[%dma_wait3A_1013, %dma_wait3A_1014, %dma_wait3A_1015, %dma_wait3A_1016, %dma_wait3A_1017, %dma_wait3A_1018] : memref<4x8x1x1x8x129xf32, #tpu.memory_space<vmem>> -> memref<1x8x1x1x8x128xf32, #tpu.memory_space<vmem>>
        %dma_wait3A_1020 = tpu.memref_squeeze %dma_wait3A_1019 : memref<1x8x1x1x8x128xf32, #tpu.memory_space<vmem>> -> memref<8x1x1x8x128xf32, #tpu.memory_space<vmem>>
        %dma_wait3A_1021 = arith.constant 0 : i32
        %dma_wait3A_1022 = arith.constant 3 : i32
        %dma_wait3A_1023 = arith.constant 0 : i32
        %dma_wait3A_1024 = arith.constant 0 : i32
        %dma_wait3A_1025 = arith.constant 0 : i32
        %dma_wait3A_1026 = tpu.memref_slice %arg4[%dma_wait3A_1021, %dma_wait3A_1022, %dma_wait3A_1023, %dma_wait3A_1024, %dma_wait3A_1025] : memref<200x4x32x8x128xf32, #tpu.memory_space<hbm>> -> memref<8x1x1x8x128xf32, #tpu.memory_space<hbm>>
        %dma_wait3A_1027 = arith.constant 0 : i32
        %dma_wait3A_1028 = arith.constant 0 : i32
        %dma_wait3A_1029 = arith.constant 0 : i32
        %dma_wait3A_1030 = arith.constant 0 : i32
        %dma_wait3A_1031 = arith.constant 0 : i32
        %dma_wait3A_1032 = tpu.memref_slice %arg9[%dma_wait3A_1013, %dma_wait3A_1027, %dma_wait3A_1028, %dma_wait3A_1029, %dma_wait3A_1030, %dma_wait3A_1031] : memref<4x8x1x1x8x129xf32, #tpu.memory_space<vmem>> -> memref<1x8x1x1x8x128xf32, #tpu.memory_space<vmem>>
        %dma_wait3A_1033 = tpu.memref_squeeze %dma_wait3A_1032 : memref<1x8x1x1x8x128xf32, #tpu.memory_space<vmem>> -> memref<8x1x1x8x128xf32, #tpu.memory_space<vmem>>
        %dma_wait3A_1034 = arith.constant 0 : i32
        %dma_wait3A_1035 = arith.constant 3 : i32
        %dma_wait3A_1036 = arith.constant 0 : i32
        %dma_wait3A_1037 = arith.constant 0 : i32
        %dma_wait3A_1038 = arith.constant 0 : i32
        %dma_wait3A_1039 = tpu.memref_slice %arg4[%dma_wait3A_1034, %dma_wait3A_1035, %dma_wait3A_1036, %dma_wait3A_1037, %dma_wait3A_1038] : memref<200x4x32x8x128xf32, #tpu.memory_space<hbm>> -> memref<8x1x1x8x128xf32, #tpu.memory_space<hbm>>
        tpu.wait_dma2 semaphore(%arg14 : memref<!tpu.dma_semaphore, #tpu.memory_space<semaphore_mem>>) src(%dma_wait3A_1039 : memref<8x1x1x8x128xf32, #tpu.memory_space<hbm>>) dst(%dma_wait3A_1033 : memref<8x1x1x8x128xf32, #tpu.memory_space<vmem>>)
      } else {
      }
      %parallel_loop3A_614 = arith.constant 0 : i32
      %parallel_loop3A_615 = arith.constant 1024 : i32
      %parallel_loop3A_616 = arith.constant 1 : i32
      scf.for %parallel_loop3A_932 = %parallel_loop3A_614 to %parallel_loop3A_615 step %parallel_loop3A_616  : i32 {
        %parallel_loop3A_933 = arith.constant 7 : i32
        %parallel_loop3A_934 = arith.shrui %parallel_loop3A_932, %parallel_loop3A_933 : i32
        %parallel_loop3A_935 = arith.constant 127 : i32
        %parallel_loop3A_936 = arith.andi %parallel_loop3A_932, %parallel_loop3A_935 : i32
        %parallel_loop3A_937 = vector.broadcast %parallel_loop3A_934 : i32 to vector<16xi32>
        %parallel_loop3A_938 = vector.broadcast %parallel_loop3A_936 : i32 to vector<16xi32>
        %parallel_loop3A_939 = arith.index_cast %parallel_loop3A_932 : i32 to index
        %parallel_loop3A_940 = arith.constant 0 : index
        %parallel_loop3A_941 = tpu.vector_load %arg7[%parallel_loop3A_939, %parallel_loop3A_940] {strides = array<i32>} : memref<1024x32xf32, #tpu.memory_space<vmem>>, vector<16xf32>,
        %parallel_loop3A_942 = arith.constant 5.65685415 : f32
        %parallel_loop3A_943 = vector.broadcast %parallel_loop3A_942 : f32 to vector<16xf32>
        %parallel_loop3A_944 = arith.mulf %parallel_loop3A_941, %parallel_loop3A_943 : vector<16xf32>
        tpu.vector_store_idx %arg9[%shift_right_logical3A_8, %parallel_loop3A_937, %broadcast_in_dim3A_3, %broadcast_in_dim3A_3, %and3A_19, %parallel_loop3A_938], %parallel_loop3A_944 : memref<4x8x1x1x8x129xf32, #tpu.memory_space<vmem>>[vector<16xi32>, vector<16xi32>, vector<16xi32>, vector<16xi32>, vector<16xi32>, vector<16xi32>], vector<16xf32>,
        %parallel_loop3A_945 = arith.index_cast %parallel_loop3A_932 : i32 to index
        %parallel_loop3A_946 = arith.constant 16 : index
        %parallel_loop3A_947 = tpu.vector_load %arg7[%parallel_loop3A_945, %parallel_loop3A_946] {strides = array<i32>} : memref<1024x32xf32, #tpu.memory_space<vmem>>, vector<16xf32>,
        %parallel_loop3A_948 = arith.constant 5.65685415 : f32
        %parallel_loop3A_949 = vector.broadcast %parallel_loop3A_948 : f32 to vector<16xf32>
        %parallel_loop3A_950 = arith.mulf %parallel_loop3A_947, %parallel_loop3A_949 : vector<16xf32>
        tpu.vector_store_idx %arg9[%shift_right_logical3A_14, %parallel_loop3A_937, %broadcast_in_dim3A_3, %broadcast_in_dim3A_3, %and3A_25, %parallel_loop3A_938], %parallel_loop3A_950 : memref<4x8x1x1x8x129xf32, #tpu.memory_space<vmem>>[vector<16xi32>, vector<16xi32>, vector<16xi32>, vector<16xi32>, vector<16xi32>, vector<16xi32>], vector<16xf32>,
      } {sc.loop_unroll_factor = 1 : i64, sc.parallel_access}
      %dma_start3A_617 = arith.constant 0 : i32
      %dma_start3A_618 = arith.constant 0 : i32
      %dma_start3A_619 = arith.constant 0 : i32
      %dma_start3A_620 = arith.constant 0 : i32
      %dma_start3A_621 = arith.constant 0 : i32
      %dma_start3A_622 = arith.constant 0 : i32
      %dma_start3A_623 = tpu.memref_slice %arg9[%dma_start3A_617, %dma_start3A_618, %dma_start3A_619, %dma_start3A_620, %dma_start3A_621, %dma_start3A_622] : memref<4x8x1x1x8x129xf32, #tpu.memory_space<vmem>> -> memref<1x8x1x1x8x128xf32, #tpu.memory_space<vmem>>
      %dma_start3A_624 = tpu.memref_squeeze %dma_start3A_623 : memref<1x8x1x1x8x128xf32, #tpu.memory_space<vmem>> -> memref<8x1x1x8x128xf32, #tpu.memory_space<vmem>>
      %dma_start3A_625 = arith.constant 0 : i32
      %dma_start3A_626 = arith.constant 0 : i32
      %dma_start3A_627 = arith.constant 0 : i32
      %dma_start3A_628 = tpu.memref_slice %arg4[%mul3A_511, %dma_start3A_625, %add3A, %dma_start3A_626, %dma_start3A_627] : memref<200x4x32x8x128xf32, #tpu.memory_space<hbm>> -> memref<8x1x1x8x128xf32, #tpu.memory_space<hbm>>
      %dma_start3A_629 = arith.constant 0 : i32
      %dma_start3A_630 = arith.constant 0 : i32
      %dma_start3A_631 = arith.constant 0 : i32
      %dma_start3A_632 = tpu.memref_slice %arg4[%mul3A_511, %dma_start3A_629, %add3A, %dma_start3A_630, %dma_start3A_631] : memref<200x4x32x8x128xf32, #tpu.memory_space<hbm>> -> memref<8x1x1x8x128xf32, #tpu.memory_space<hbm>>
      %dma_start3A_633 = arith.constant 0 : i32
      %dma_start3A_634 = arith.constant 0 : i32
      %dma_start3A_635 = arith.constant 0 : i32
      %dma_start3A_636 = arith.constant 0 : i32
      %dma_start3A_637 = arith.constant 0 : i32
      %dma_start3A_638 = tpu.memref_slice %arg9[%dma_start3A_617, %dma_start3A_633, %dma_start3A_634, %dma_start3A_635, %dma_start3A_636, %dma_start3A_637] : memref<4x8x1x1x8x129xf32, #tpu.memory_space<vmem>> -> memref<1x8x1x1x8x128xf32, #tpu.memory_space<vmem>>
      %dma_start3A_639 = tpu.memref_squeeze %dma_start3A_638 : memref<1x8x1x1x8x128xf32, #tpu.memory_space<vmem>> -> memref<8x1x1x8x128xf32, #tpu.memory_space<vmem>>
      tpu.enqueue_dma source(%dma_start3A_639 : memref<8x1x1x8x128xf32, #tpu.memory_space<vmem>>) target(%dma_start3A_632 : memref<8x1x1x8x128xf32, #tpu.memory_space<hbm>>) target_semaphore(%arg14 : memref<!tpu.dma_semaphore, #tpu.memory_space<semaphore_mem>>)
      %dma_start3A_640 = arith.constant 1 : i32
      %dma_start3A_641 = arith.constant 0 : i32
      %dma_start3A_642 = arith.constant 0 : i32
      %dma_start3A_643 = arith.constant 0 : i32
      %dma_start3A_644 = arith.constant 0 : i32
      %dma_start3A_645 = arith.constant 0 : i32
      %dma_start3A_646 = tpu.memref_slice %arg9[%dma_start3A_640, %dma_start3A_641, %dma_start3A_642, %dma_start3A_643, %dma_start3A_644, %dma_start3A_645] : memref<4x8x1x1x8x129xf32, #tpu.memory_space<vmem>> -> memref<1x8x1x1x8x128xf32, #tpu.memory_space<vmem>>
      %dma_start3A_647 = tpu.memref_squeeze %dma_start3A_646 : memref<1x8x1x1x8x128xf32, #tpu.memory_space<vmem>> -> memref<8x1x1x8x128xf32, #tpu.memory_space<vmem>>
      %dma_start3A_648 = arith.constant 1 : i32
      %dma_start3A_649 = arith.constant 0 : i32
      %dma_start3A_650 = arith.constant 0 : i32
      %dma_start3A_651 = tpu.memref_slice %arg4[%mul3A_511, %dma_start3A_648, %add3A, %dma_start3A_649, %dma_start3A_650] : memref<200x4x32x8x128xf32, #tpu.memory_space<hbm>> -> memref<8x1x1x8x128xf32, #tpu.memory_space<hbm>>
      %dma_start3A_652 = arith.constant 1 : i32
      %dma_start3A_653 = arith.constant 0 : i32
      %dma_start3A_654 = arith.constant 0 : i32
      %dma_start3A_655 = tpu.memref_slice %arg4[%mul3A_511, %dma_start3A_652, %add3A, %dma_start3A_653, %dma_start3A_654] : memref<200x4x32x8x128xf32, #tpu.memory_space<hbm>> -> memref<8x1x1x8x128xf32, #tpu.memory_space<hbm>>
      %dma_start3A_656 = arith.constant 0 : i32
      %dma_start3A_657 = arith.constant 0 : i32
      %dma_start3A_658 = arith.constant 0 : i32
      %dma_start3A_659 = arith.constant 0 : i32
      %dma_start3A_660 = arith.constant 0 : i32
      %dma_start3A_661 = tpu.memref_slice %arg9[%dma_start3A_640, %dma_start3A_656, %dma_start3A_657, %dma_start3A_658, %dma_start3A_659, %dma_start3A_660] : memref<4x8x1x1x8x129xf32, #tpu.memory_space<vmem>> -> memref<1x8x1x1x8x128xf32, #tpu.memory_space<vmem>>
      %dma_start3A_662 = tpu.memref_squeeze %dma_start3A_661 : memref<1x8x1x1x8x128xf32, #tpu.memory_space<vmem>> -> memref<8x1x1x8x128xf32, #tpu.memory_space<vmem>>
      tpu.enqueue_dma source(%dma_start3A_662 : memref<8x1x1x8x128xf32, #tpu.memory_space<vmem>>) target(%dma_start3A_655 : memref<8x1x1x8x128xf32, #tpu.memory_space<hbm>>) target_semaphore(%arg14 : memref<!tpu.dma_semaphore, #tpu.memory_space<semaphore_mem>>)
      %dma_start3A_663 = arith.constant 2 : i32
      %dma_start3A_664 = arith.constant 0 : i32
      %dma_start3A_665 = arith.constant 0 : i32
      %dma_start3A_666 = arith.constant 0 : i32
      %dma_start3A_667 = arith.constant 0 : i32
      %dma_start3A_668 = arith.constant 0 : i32
      %dma_start3A_669 = tpu.memref_slice %arg9[%dma_start3A_663, %dma_start3A_664, %dma_start3A_665, %dma_start3A_666, %dma_start3A_667, %dma_start3A_668] : memref<4x8x1x1x8x129xf32, #tpu.memory_space<vmem>> -> memref<1x8x1x1x8x128xf32, #tpu.memory_space<vmem>>
      %dma_start3A_670 = tpu.memref_squeeze %dma_start3A_669 : memref<1x8x1x1x8x128xf32, #tpu.memory_space<vmem>> -> memref<8x1x1x8x128xf32, #tpu.memory_space<vmem>>
      %dma_start3A_671 = arith.constant 2 : i32
      %dma_start3A_672 = arith.constant 0 : i32
      %dma_start3A_673 = arith.constant 0 : i32
      %dma_start3A_674 = tpu.memref_slice %arg4[%mul3A_511, %dma_start3A_671, %add3A, %dma_start3A_672, %dma_start3A_673] : memref<200x4x32x8x128xf32, #tpu.memory_space<hbm>> -> memref<8x1x1x8x128xf32, #tpu.memory_space<hbm>>
      %dma_start3A_675 = arith.constant 2 : i32
      %dma_start3A_676 = arith.constant 0 : i32
      %dma_start3A_677 = arith.constant 0 : i32
      %dma_start3A_678 = tpu.memref_slice %arg4[%mul3A_511, %dma_start3A_675, %add3A, %dma_start3A_676, %dma_start3A_677] : memref<200x4x32x8x128xf32, #tpu.memory_space<hbm>> -> memref<8x1x1x8x128xf32, #tpu.memory_space<hbm>>
      %dma_start3A_679 = arith.constant 0 : i32
      %dma_start3A_680 = arith.constant 0 : i32
      %dma_start3A_681 = arith.constant 0 : i32
      %dma_start3A_682 = arith.constant 0 : i32
      %dma_start3A_683 = arith.constant 0 : i32
      %dma_start3A_684 = tpu.memref_slice %arg9[%dma_start3A_663, %dma_start3A_679, %dma_start3A_680, %dma_start3A_681, %dma_start3A_682, %dma_start3A_683] : memref<4x8x1x1x8x129xf32, #tpu.memory_space<vmem>> -> memref<1x8x1x1x8x128xf32, #tpu.memory_space<vmem>>
      %dma_start3A_685 = tpu.memref_squeeze %dma_start3A_684 : memref<1x8x1x1x8x128xf32, #tpu.memory_space<vmem>> -> memref<8x1x1x8x128xf32, #tpu.memory_space<vmem>>
      tpu.enqueue_dma source(%dma_start3A_685 : memref<8x1x1x8x128xf32, #tpu.memory_space<vmem>>) target(%dma_start3A_678 : memref<8x1x1x8x128xf32, #tpu.memory_space<hbm>>) target_semaphore(%arg14 : memref<!tpu.dma_semaphore, #tpu.memory_space<semaphore_mem>>)
      %dma_start3A_686 = arith.constant 3 : i32
      %dma_start3A_687 = arith.constant 0 : i32
      %dma_start3A_688 = arith.constant 0 : i32
      %dma_start3A_689 = arith.constant 0 : i32
      %dma_start3A_690 = arith.constant 0 : i32
      %dma_start3A_691 = arith.constant 0 : i32
      %dma_start3A_692 = tpu.memref_slice %arg9[%dma_start3A_686, %dma_start3A_687, %dma_start3A_688, %dma_start3A_689, %dma_start3A_690, %dma_start3A_691] : memref<4x8x1x1x8x129xf32, #tpu.memory_space<vmem>> -> memref<1x8x1x1x8x128xf32, #tpu.memory_space<vmem>>
      %dma_start3A_693 = tpu.memref_squeeze %dma_start3A_692 : memref<1x8x1x1x8x128xf32, #tpu.memory_space<vmem>> -> memref<8x1x1x8x128xf32, #tpu.memory_space<vmem>>
      %dma_start3A_694 = arith.constant 3 : i32
      %dma_start3A_695 = arith.constant 0 : i32
      %dma_start3A_696 = arith.constant 0 : i32
      %dma_start3A_697 = tpu.memref_slice %arg4[%mul3A_511, %dma_start3A_694, %add3A, %dma_start3A_695, %dma_start3A_696] : memref<200x4x32x8x128xf32, #tpu.memory_space<hbm>> -> memref<8x1x1x8x128xf32, #tpu.memory_space<hbm>>
      %dma_start3A_698 = arith.constant 3 : i32
      %dma_start3A_699 = arith.constant 0 : i32
      %dma_start3A_700 = arith.constant 0 : i32
      %dma_start3A_701 = tpu.memref_slice %arg4[%mul3A_511, %dma_start3A_698, %add3A, %dma_start3A_699, %dma_start3A_700] : memref<200x4x32x8x128xf32, #tpu.memory_space<hbm>> -> memref<8x1x1x8x128xf32, #tpu.memory_space<hbm>>
      %dma_start3A_702 = arith.constant 0 : i32
      %dma_start3A_703 = arith.constant 0 : i32
      %dma_start3A_704 = arith.constant 0 : i32
      %dma_start3A_705 = arith.constant 0 : i32
      %dma_start3A_706 = arith.constant 0 : i32
      %dma_start3A_707 = tpu.memref_slice %arg9[%dma_start3A_686, %dma_start3A_702, %dma_start3A_703, %dma_start3A_704, %dma_start3A_705, %dma_start3A_706] : memref<4x8x1x1x8x129xf32, #tpu.memory_space<vmem>> -> memref<1x8x1x1x8x128xf32, #tpu.memory_space<vmem>>
      %dma_start3A_708 = tpu.memref_squeeze %dma_start3A_707 : memref<1x8x1x1x8x128xf32, #tpu.memory_space<vmem>> -> memref<8x1x1x8x128xf32, #tpu.memory_space<vmem>>
      tpu.enqueue_dma source(%dma_start3A_708 : memref<8x1x1x8x128xf32, #tpu.memory_space<vmem>>) target(%dma_start3A_701 : memref<8x1x1x8x128xf32, #tpu.memory_space<hbm>>) target_semaphore(%arg14 : memref<!tpu.dma_semaphore, #tpu.memory_space<semaphore_mem>>)
      %dma_wait3A_709 = arith.constant 0 : i32
      %dma_wait3A_710 = arith.constant 0 : i32
      %dma_wait3A_711 = tpu.memref_slice %arg2[%dma_wait3A_709, %dma_wait3A_710] : memref<200x4096xi32, #tpu.memory_space<hbm>> -> memref<1x1024xi32, #tpu.memory_space<hbm>>
      %dma_wait3A_712 = tpu.memref_squeeze %dma_wait3A_711 : memref<1x1024xi32, #tpu.memory_space<hbm>> -> memref<1024xi32, #tpu.memory_space<hbm>>
      %dma_wait3A_713 = arith.constant 0 : i32
      %dma_wait3A_714 = tpu.memref_slice %arg2[%dma_wait3A_709, %dma_wait3A_713] : memref<200x4096xi32, #tpu.memory_space<hbm>> -> memref<1x1024xi32, #tpu.memory_space<hbm>>
      %dma_wait3A_715 = tpu.memref_squeeze %dma_wait3A_714 : memref<1x1024xi32, #tpu.memory_space<hbm>> -> memref<1024xi32, #tpu.memory_space<hbm>>
      tpu.wait_dma2 semaphore(%arg10 : memref<!tpu.dma_semaphore, #tpu.memory_space<semaphore_mem>>) src(%dma_wait3A_715 : memref<1024xi32, #tpu.memory_space<hbm>>) dst(%arg5 : memref<1024xi32, #tpu.memory_space<vmem>>)
      %dma_wait3A_716 = arith.constant 0 : i32
      %dma_wait3A_717 = arith.constant 0 : i32
      %dma_wait3A_718 = tpu.memref_slice %arg3[%dma_wait3A_716, %dma_wait3A_717] : memref<1000000x32xf32, #tpu.memory_space<hbm>> -> memref<1024x32xf32, #tpu.memory_space<hbm>>
      %dma_wait3A_719 = arith.constant 0 : i32
      %dma_wait3A_720 = arith.constant 0 : i32
      %dma_wait3A_721 = tpu.memref_slice %arg3[%dma_wait3A_719, %dma_wait3A_720] : memref<1000000x32xf32, #tpu.memory_space<hbm>> -> memref<1024x32xf32, #tpu.memory_space<hbm>>
      tpu.wait_dma2 semaphore(%arg13 : memref<!tpu.dma_semaphore, #tpu.memory_space<semaphore_mem>>) src(%dma_wait3A_721 : memref<1024x32xf32, #tpu.memory_space<hbm>>) dst(%arg8 : memref<1024x32xf32, #tpu.memory_space<vmem>>)
      %lt3A = arith.constant 11 : i32
      %lt3A_722 = arith.cmpi slt, %scan3A_507, %lt3A : i32
      %convert_element_type3A_723 = arith.extui %lt3A_722 : i1 to i32
      %cond3A_724 = arith.constant 0 : i32
      %cond3A_725 = arith.cmpi ne, %convert_element_type3A_723, %cond3A_724 : i32
      scf.if %cond3A_725 {
        %add3A_932 = arith.constant 16 : i32
        %add3A_933 = arith.addi %add3A_513, %add3A_932 : i32
        %add3A_934 = arith.constant 0 : i32
        %add3A_935 = arith.addi %add3A_933, %add3A_934 : i32
        %dma_start3A_936 = arith.constant 0 : i32
        %dma_start3A_937 = tpu.memref_slice %arg6[%dma_start3A_936] : memref<1024xi32, #tpu.memory_space<vmem>> -> memref<128xi32, #tpu.memory_space<vmem>>
        %dma_start3A_938 = tpu.memref_slice %arg2[%add3A_935, %mul3A_2] : memref<200x4096xi32, #tpu.memory_space<hbm>> -> memref<1x128xi32, #tpu.memory_space<hbm>>
        %dma_start3A_939 = tpu.memref_squeeze %dma_start3A_938 : memref<1x128xi32, #tpu.memory_space<hbm>> -> memref<128xi32, #tpu.memory_space<hbm>>
        %dma_start3A_940 = arith.constant 0 : i32
        %dma_start3A_941 = tpu.memref_slice %arg6[%dma_start3A_940] : memref<1024xi32, #tpu.memory_space<vmem>> -> memref<128xi32, #tpu.memory_space<vmem>>
        %dma_start3A_942 = tpu.memref_slice %arg2[%add3A_935, %mul3A_2] : memref<200x4096xi32, #tpu.memory_space<hbm>> -> memref<1x128xi32, #tpu.memory_space<hbm>>
        %dma_start3A_943 = tpu.memref_squeeze %dma_start3A_942 : memref<1x128xi32, #tpu.memory_space<hbm>> -> memref<128xi32, #tpu.memory_space<hbm>>
        tpu.enqueue_dma source(%dma_start3A_943 : memref<128xi32, #tpu.memory_space<hbm>>) target(%dma_start3A_941 : memref<128xi32, #tpu.memory_space<vmem>>) target_semaphore(%arg11 : memref<!tpu.dma_semaphore, #tpu.memory_space<semaphore_mem>>)
        %add3A_944 = arith.constant 1 : i32
        %add3A_945 = arith.addi %add3A_933, %add3A_944 : i32
        %dma_start3A_946 = arith.constant 128 : i32
        %dma_start3A_947 = tpu.memref_slice %arg6[%dma_start3A_946] : memref<1024xi32, #tpu.memory_space<vmem>> -> memref<128xi32, #tpu.memory_space<vmem>>
        %dma_start3A_948 = tpu.memref_slice %arg2[%add3A_945, %mul3A_2] : memref<200x4096xi32, #tpu.memory_space<hbm>> -> memref<1x128xi32, #tpu.memory_space<hbm>>
        %dma_start3A_949 = tpu.memref_squeeze %dma_start3A_948 : memref<1x128xi32, #tpu.memory_space<hbm>> -> memref<128xi32, #tpu.memory_space<hbm>>
        %dma_start3A_950 = arith.constant 128 : i32
        %dma_start3A_951 = tpu.memref_slice %arg6[%dma_start3A_950] : memref<1024xi32, #tpu.memory_space<vmem>> -> memref<128xi32, #tpu.memory_space<vmem>>
        %dma_start3A_952 = tpu.memref_slice %arg2[%add3A_945, %mul3A_2] : memref<200x4096xi32, #tpu.memory_space<hbm>> -> memref<1x128xi32, #tpu.memory_space<hbm>>
        %dma_start3A_953 = tpu.memref_squeeze %dma_start3A_952 : memref<1x128xi32, #tpu.memory_space<hbm>> -> memref<128xi32, #tpu.memory_space<hbm>>
        tpu.enqueue_dma source(%dma_start3A_953 : memref<128xi32, #tpu.memory_space<hbm>>) target(%dma_start3A_951 : memref<128xi32, #tpu.memory_space<vmem>>) target_semaphore(%arg11 : memref<!tpu.dma_semaphore, #tpu.memory_space<semaphore_mem>>)
        %add3A_954 = arith.constant 2 : i32
        %add3A_955 = arith.addi %add3A_933, %add3A_954 : i32
        %dma_start3A_956 = arith.constant 256 : i32
        %dma_start3A_957 = tpu.memref_slice %arg6[%dma_start3A_956] : memref<1024xi32, #tpu.memory_space<vmem>> -> memref<128xi32, #tpu.memory_space<vmem>>
        %dma_start3A_958 = tpu.memref_slice %arg2[%add3A_955, %mul3A_2] : memref<200x4096xi32, #tpu.memory_space<hbm>> -> memref<1x128xi32, #tpu.memory_space<hbm>>
        %dma_start3A_959 = tpu.memref_squeeze %dma_start3A_958 : memref<1x128xi32, #tpu.memory_space<hbm>> -> memref<128xi32, #tpu.memory_space<hbm>>
        %dma_start3A_960 = arith.constant 256 : i32
        %dma_start3A_961 = tpu.memref_slice %arg6[%dma_start3A_960] : memref<1024xi32, #tpu.memory_space<vmem>> -> memref<128xi32, #tpu.memory_space<vmem>>
        %dma_start3A_962 = tpu.memref_slice %arg2[%add3A_955, %mul3A_2] : memref<200x4096xi32, #tpu.memory_space<hbm>> -> memref<1x128xi32, #tpu.memory_space<hbm>>
        %dma_start3A_963 = tpu.memref_squeeze %dma_start3A_962 : memref<1x128xi32, #tpu.memory_space<hbm>> -> memref<128xi32, #tpu.memory_space<hbm>>
        tpu.enqueue_dma source(%dma_start3A_963 : memref<128xi32, #tpu.memory_space<hbm>>) target(%dma_start3A_961 : memref<128xi32, #tpu.memory_space<vmem>>) target_semaphore(%arg11 : memref<!tpu.dma_semaphore, #tpu.memory_space<semaphore_mem>>)
        %add3A_964 = arith.constant 3 : i32
        %add3A_965 = arith.addi %add3A_933, %add3A_964 : i32
        %dma_start3A_966 = arith.constant 384 : i32
        %dma_start3A_967 = tpu.memref_slice %arg6[%dma_start3A_966] : memref<1024xi32, #tpu.memory_space<vmem>> -> memref<128xi32, #tpu.memory_space<vmem>>
        %dma_start3A_968 = tpu.memref_slice %arg2[%add3A_965, %mul3A_2] : memref<200x4096xi32, #tpu.memory_space<hbm>> -> memref<1x128xi32, #tpu.memory_space<hbm>>
        %dma_start3A_969 = tpu.memref_squeeze %dma_start3A_968 : memref<1x128xi32, #tpu.memory_space<hbm>> -> memref<128xi32, #tpu.memory_space<hbm>>
        %dma_start3A_970 = arith.constant 384 : i32
        %dma_start3A_971 = tpu.memref_slice %arg6[%dma_start3A_970] : memref<1024xi32, #tpu.memory_space<vmem>> -> memref<128xi32, #tpu.memory_space<vmem>>
        %dma_start3A_972 = tpu.memref_slice %arg2[%add3A_965, %mul3A_2] : memref<200x4096xi32, #tpu.memory_space<hbm>> -> memref<1x128xi32, #tpu.memory_space<hbm>>
        %dma_start3A_973 = tpu.memref_squeeze %dma_start3A_972 : memref<1x128xi32, #tpu.memory_space<hbm>> -> memref<128xi32, #tpu.memory_space<hbm>>
        tpu.enqueue_dma source(%dma_start3A_973 : memref<128xi32, #tpu.memory_space<hbm>>) target(%dma_start3A_971 : memref<128xi32, #tpu.memory_space<vmem>>) target_semaphore(%arg11 : memref<!tpu.dma_semaphore, #tpu.memory_space<semaphore_mem>>)
        %add3A_974 = arith.constant 4 : i32
        %add3A_975 = arith.addi %add3A_933, %add3A_974 : i32
        %dma_start3A_976 = arith.constant 512 : i32
        %dma_start3A_977 = tpu.memref_slice %arg6[%dma_start3A_976] : memref<1024xi32, #tpu.memory_space<vmem>> -> memref<128xi32, #tpu.memory_space<vmem>>
        %dma_start3A_978 = tpu.memref_slice %arg2[%add3A_975, %mul3A_2] : memref<200x4096xi32, #tpu.memory_space<hbm>> -> memref<1x128xi32, #tpu.memory_space<hbm>>
        %dma_start3A_979 = tpu.memref_squeeze %dma_start3A_978 : memref<1x128xi32, #tpu.memory_space<hbm>> -> memref<128xi32, #tpu.memory_space<hbm>>
        %dma_start3A_980 = arith.constant 512 : i32
        %dma_start3A_981 = tpu.memref_slice %arg6[%dma_start3A_980] : memref<1024xi32, #tpu.memory_space<vmem>> -> memref<128xi32, #tpu.memory_space<vmem>>
        %dma_start3A_982 = tpu.memref_slice %arg2[%add3A_975, %mul3A_2] : memref<200x4096xi32, #tpu.memory_space<hbm>> -> memref<1x128xi32, #tpu.memory_space<hbm>>
        %dma_start3A_983 = tpu.memref_squeeze %dma_start3A_982 : memref<1x128xi32, #tpu.memory_space<hbm>> -> memref<128xi32, #tpu.memory_space<hbm>>
        tpu.enqueue_dma source(%dma_start3A_983 : memref<128xi32, #tpu.memory_space<hbm>>) target(%dma_start3A_981 : memref<128xi32, #tpu.memory_space<vmem>>) target_semaphore(%arg11 : memref<!tpu.dma_semaphore, #tpu.memory_space<semaphore_mem>>)
        %add3A_984 = arith.constant 5 : i32
        %add3A_985 = arith.addi %add3A_933, %add3A_984 : i32
        %dma_start3A_986 = arith.constant 640 : i32
        %dma_start3A_987 = tpu.memref_slice %arg6[%dma_start3A_986] : memref<1024xi32, #tpu.memory_space<vmem>> -> memref<128xi32, #tpu.memory_space<vmem>>
        %dma_start3A_988 = tpu.memref_slice %arg2[%add3A_985, %mul3A_2] : memref<200x4096xi32, #tpu.memory_space<hbm>> -> memref<1x128xi32, #tpu.memory_space<hbm>>
        %dma_start3A_989 = tpu.memref_squeeze %dma_start3A_988 : memref<1x128xi32, #tpu.memory_space<hbm>> -> memref<128xi32, #tpu.memory_space<hbm>>
        %dma_start3A_990 = arith.constant 640 : i32
        %dma_start3A_991 = tpu.memref_slice %arg6[%dma_start3A_990] : memref<1024xi32, #tpu.memory_space<vmem>> -> memref<128xi32, #tpu.memory_space<vmem>>
        %dma_start3A_992 = tpu.memref_slice %arg2[%add3A_985, %mul3A_2] : memref<200x4096xi32, #tpu.memory_space<hbm>> -> memref<1x128xi32, #tpu.memory_space<hbm>>
        %dma_start3A_993 = tpu.memref_squeeze %dma_start3A_992 : memref<1x128xi32, #tpu.memory_space<hbm>> -> memref<128xi32, #tpu.memory_space<hbm>>
        tpu.enqueue_dma source(%dma_start3A_993 : memref<128xi32, #tpu.memory_space<hbm>>) target(%dma_start3A_991 : memref<128xi32, #tpu.memory_space<vmem>>) target_semaphore(%arg11 : memref<!tpu.dma_semaphore, #tpu.memory_space<semaphore_mem>>)
        %add3A_994 = arith.constant 6 : i32
        %add3A_995 = arith.addi %add3A_933, %add3A_994 : i32
        %dma_start3A_996 = arith.constant 768 : i32
        %dma_start3A_997 = tpu.memref_slice %arg6[%dma_start3A_996] : memref<1024xi32, #tpu.memory_space<vmem>> -> memref<128xi32, #tpu.memory_space<vmem>>
        %dma_start3A_998 = tpu.memref_slice %arg2[%add3A_995, %mul3A_2] : memref<200x4096xi32, #tpu.memory_space<hbm>> -> memref<1x128xi32, #tpu.memory_space<hbm>>
        %dma_start3A_999 = tpu.memref_squeeze %dma_start3A_998 : memref<1x128xi32, #tpu.memory_space<hbm>> -> memref<128xi32, #tpu.memory_space<hbm>>
        %dma_start3A_1000 = arith.constant 768 : i32
        %dma_start3A_1001 = tpu.memref_slice %arg6[%dma_start3A_1000] : memref<1024xi32, #tpu.memory_space<vmem>> -> memref<128xi32, #tpu.memory_space<vmem>>
        %dma_start3A_1002 = tpu.memref_slice %arg2[%add3A_995, %mul3A_2] : memref<200x4096xi32, #tpu.memory_space<hbm>> -> memref<1x128xi32, #tpu.memory_space<hbm>>
        %dma_start3A_1003 = tpu.memref_squeeze %dma_start3A_1002 : memref<1x128xi32, #tpu.memory_space<hbm>> -> memref<128xi32, #tpu.memory_space<hbm>>
        tpu.enqueue_dma source(%dma_start3A_1003 : memref<128xi32, #tpu.memory_space<hbm>>) target(%dma_start3A_1001 : memref<128xi32, #tpu.memory_space<vmem>>) target_semaphore(%arg11 : memref<!tpu.dma_semaphore, #tpu.memory_space<semaphore_mem>>)
        %add3A_1004 = arith.constant 7 : i32
        %add3A_1005 = arith.addi %add3A_933, %add3A_1004 : i32
        %dma_start3A_1006 = arith.constant 896 : i32
        %dma_start3A_1007 = tpu.memref_slice %arg6[%dma_start3A_1006] : memref<1024xi32, #tpu.memory_space<vmem>> -> memref<128xi32, #tpu.memory_space<vmem>>
        %dma_start3A_1008 = tpu.memref_slice %arg2[%add3A_1005, %mul3A_2] : memref<200x4096xi32, #tpu.memory_space<hbm>> -> memref<1x128xi32, #tpu.memory_space<hbm>>
        %dma_start3A_1009 = tpu.memref_squeeze %dma_start3A_1008 : memref<1x128xi32, #tpu.memory_space<hbm>> -> memref<128xi32, #tpu.memory_space<hbm>>
        %dma_start3A_1010 = arith.constant 896 : i32
        %dma_start3A_1011 = tpu.memref_slice %arg6[%dma_start3A_1010] : memref<1024xi32, #tpu.memory_space<vmem>> -> memref<128xi32, #tpu.memory_space<vmem>>
        %dma_start3A_1012 = tpu.memref_slice %arg2[%add3A_1005, %mul3A_2] : memref<200x4096xi32, #tpu.memory_space<hbm>> -> memref<1x128xi32, #tpu.memory_space<hbm>>
        %dma_start3A_1013 = tpu.memref_squeeze %dma_start3A_1012 : memref<1x128xi32, #tpu.memory_space<hbm>> -> memref<128xi32, #tpu.memory_space<hbm>>
        tpu.enqueue_dma source(%dma_start3A_1013 : memref<128xi32, #tpu.memory_space<hbm>>) target(%dma_start3A_1011 : memref<128xi32, #tpu.memory_space<vmem>>) target_semaphore(%arg11 : memref<!tpu.dma_semaphore, #tpu.memory_space<semaphore_mem>>)
      } else {
      }
      %dma_start3A_726 = arith.constant 0 : i32
      %dma_start3A_727 = arith.constant 0 : i32
      %dma_start3A_728 = tpu.memref_slice %arg3[%dma_start3A_726, %dma_start3A_727] : memref<1000000x32xf32, #tpu.memory_space<hbm>> -> memref<1000000x32xf32, #tpu.memory_space<hbm>>
      tpu.enqueue_indirect_dma source(%dma_start3A_728 : memref<1000000x32xf32, #tpu.memory_space<hbm>>) target(%arg7 : memref<1024x32xf32, #tpu.memory_space<vmem>>) offsets(%arg5 : memref<1024xi32, #tpu.memory_space<vmem>>) semaphore(%arg12 : memref<!tpu.dma_semaphore, #tpu.memory_space<semaphore_mem>>)
      %dma_wait3A_729 = arith.constant 0 : i32
      %dma_wait3A_730 = arith.constant 0 : i32
      %dma_wait3A_731 = arith.constant 0 : i32
      %dma_wait3A_732 = arith.constant 0 : i32
      %dma_wait3A_733 = arith.constant 0 : i32
      %dma_wait3A_734 = arith.constant 0 : i32
      %dma_wait3A_735 = tpu.memref_slice %arg9[%dma_wait3A_729, %dma_wait3A_730, %dma_wait3A_731, %dma_wait3A_732, %dma_wait3A_733, %dma_wait3A_734] : memref<4x8x1x1x8x129xf32, #tpu.memory_space<vmem>> -> memref<1x8x1x1x8x128xf32, #tpu.memory_space<vmem>>
      %dma_wait3A_736 = tpu.memref_squeeze %dma_wait3A_735 : memref<1x8x1x1x8x128xf32, #tpu.memory_space<vmem>> -> memref<8x1x1x8x128xf32, #tpu.memory_space<vmem>>
      %dma_wait3A_737 = arith.constant 0 : i32
      %dma_wait3A_738 = arith.constant 0 : i32
      %dma_wait3A_739 = arith.constant 0 : i32
      %dma_wait3A_740 = arith.constant 0 : i32
      %dma_wait3A_741 = arith.constant 0 : i32
      %dma_wait3A_742 = tpu.memref_slice %arg4[%dma_wait3A_737, %dma_wait3A_738, %dma_wait3A_739, %dma_wait3A_740, %dma_wait3A_741] : memref<200x4x32x8x128xf32, #tpu.memory_space<hbm>> -> memref<8x1x1x8x128xf32, #tpu.memory_space<hbm>>
      %dma_wait3A_743 = arith.constant 0 : i32
      %dma_wait3A_744 = arith.constant 0 : i32
      %dma_wait3A_745 = arith.constant 0 : i32
      %dma_wait3A_746 = arith.constant 0 : i32
      %dma_wait3A_747 = arith.constant 0 : i32
      %dma_wait3A_748 = tpu.memref_slice %arg9[%dma_wait3A_729, %dma_wait3A_743, %dma_wait3A_744, %dma_wait3A_745, %dma_wait3A_746, %dma_wait3A_747] : memref<4x8x1x1x8x129xf32, #tpu.memory_space<vmem>> -> memref<1x8x1x1x8x128xf32, #tpu.memory_space<vmem>>
      %dma_wait3A_749 = tpu.memref_squeeze %dma_wait3A_748 : memref<1x8x1x1x8x128xf32, #tpu.memory_space<vmem>> -> memref<8x1x1x8x128xf32, #tpu.memory_space<vmem>>
      %dma_wait3A_750 = arith.constant 0 : i32
      %dma_wait3A_751 = arith.constant 0 : i32
      %dma_wait3A_752 = arith.constant 0 : i32
      %dma_wait3A_753 = arith.constant 0 : i32
      %dma_wait3A_754 = arith.constant 0 : i32
      %dma_wait3A_755 = tpu.memref_slice %arg4[%dma_wait3A_750, %dma_wait3A_751, %dma_wait3A_752, %dma_wait3A_753, %dma_wait3A_754] : memref<200x4x32x8x128xf32, #tpu.memory_space<hbm>> -> memref<8x1x1x8x128xf32, #tpu.memory_space<hbm>>
      tpu.wait_dma2 semaphore(%arg14 : memref<!tpu.dma_semaphore, #tpu.memory_space<semaphore_mem>>) src(%dma_wait3A_755 : memref<8x1x1x8x128xf32, #tpu.memory_space<hbm>>) dst(%dma_wait3A_749 : memref<8x1x1x8x128xf32, #tpu.memory_space<vmem>>)
      %dma_wait3A_756 = arith.constant 1 : i32
      %dma_wait3A_757 = arith.constant 0 : i32
      %dma_wait3A_758 = arith.constant 0 : i32
      %dma_wait3A_759 = arith.constant 0 : i32
      %dma_wait3A_760 = arith.constant 0 : i32
      %dma_wait3A_761 = arith.constant 0 : i32
      %dma_wait3A_762 = tpu.memref_slice %arg9[%dma_wait3A_756, %dma_wait3A_757, %dma_wait3A_758, %dma_wait3A_759, %dma_wait3A_760, %dma_wait3A_761] : memref<4x8x1x1x8x129xf32, #tpu.memory_space<vmem>> -> memref<1x8x1x1x8x128xf32, #tpu.memory_space<vmem>>
      %dma_wait3A_763 = tpu.memref_squeeze %dma_wait3A_762 : memref<1x8x1x1x8x128xf32, #tpu.memory_space<vmem>> -> memref<8x1x1x8x128xf32, #tpu.memory_space<vmem>>
      %dma_wait3A_764 = arith.constant 0 : i32
      %dma_wait3A_765 = arith.constant 1 : i32
      %dma_wait3A_766 = arith.constant 0 : i32
      %dma_wait3A_767 = arith.constant 0 : i32
      %dma_wait3A_768 = arith.constant 0 : i32
      %dma_wait3A_769 = tpu.memref_slice %arg4[%dma_wait3A_764, %dma_wait3A_765, %dma_wait3A_766, %dma_wait3A_767, %dma_wait3A_768] : memref<200x4x32x8x128xf32, #tpu.memory_space<hbm>> -> memref<8x1x1x8x128xf32, #tpu.memory_space<hbm>>
      %dma_wait3A_770 = arith.constant 0 : i32
      %dma_wait3A_771 = arith.constant 0 : i32
      %dma_wait3A_772 = arith.constant 0 : i32
      %dma_wait3A_773 = arith.constant 0 : i32
      %dma_wait3A_774 = arith.constant 0 : i32
      %dma_wait3A_775 = tpu.memref_slice %arg9[%dma_wait3A_756, %dma_wait3A_770, %dma_wait3A_771, %dma_wait3A_772, %dma_wait3A_773, %dma_wait3A_774] : memref<4x8x1x1x8x129xf32, #tpu.memory_space<vmem>> -> memref<1x8x1x1x8x128xf32, #tpu.memory_space<vmem>>
      %dma_wait3A_776 = tpu.memref_squeeze %dma_wait3A_775 : memref<1x8x1x1x8x128xf32, #tpu.memory_space<vmem>> -> memref<8x1x1x8x128xf32, #tpu.memory_space<vmem>>
      %dma_wait3A_777 = arith.constant 0 : i32
      %dma_wait3A_778 = arith.constant 1 : i32
      %dma_wait3A_779 = arith.constant 0 : i32
      %dma_wait3A_780 = arith.constant 0 : i32
      %dma_wait3A_781 = arith.constant 0 : i32
      %dma_wait3A_782 = tpu.memref_slice %arg4[%dma_wait3A_777, %dma_wait3A_778, %dma_wait3A_779, %dma_wait3A_780, %dma_wait3A_781] : memref<200x4x32x8x128xf32, #tpu.memory_space<hbm>> -> memref<8x1x1x8x128xf32, #tpu.memory_space<hbm>>
      tpu.wait_dma2 semaphore(%arg14 : memref<!tpu.dma_semaphore, #tpu.memory_space<semaphore_mem>>) src(%dma_wait3A_782 : memref<8x1x1x8x128xf32, #tpu.memory_space<hbm>>) dst(%dma_wait3A_776 : memref<8x1x1x8x128xf32, #tpu.memory_space<vmem>>)
      %dma_wait3A_783 = arith.constant 2 : i32
      %dma_wait3A_784 = arith.constant 0 : i32
      %dma_wait3A_785 = arith.constant 0 : i32
      %dma_wait3A_786 = arith.constant 0 : i32
      %dma_wait3A_787 = arith.constant 0 : i32
      %dma_wait3A_788 = arith.constant 0 : i32
      %dma_wait3A_789 = tpu.memref_slice %arg9[%dma_wait3A_783, %dma_wait3A_784, %dma_wait3A_785, %dma_wait3A_786, %dma_wait3A_787, %dma_wait3A_788] : memref<4x8x1x1x8x129xf32, #tpu.memory_space<vmem>> -> memref<1x8x1x1x8x128xf32, #tpu.memory_space<vmem>>
      %dma_wait3A_790 = tpu.memref_squeeze %dma_wait3A_789 : memref<1x8x1x1x8x128xf32, #tpu.memory_space<vmem>> -> memref<8x1x1x8x128xf32, #tpu.memory_space<vmem>>
      %dma_wait3A_791 = arith.constant 0 : i32
      %dma_wait3A_792 = arith.constant 2 : i32
      %dma_wait3A_793 = arith.constant 0 : i32
      %dma_wait3A_794 = arith.constant 0 : i32
      %dma_wait3A_795 = arith.constant 0 : i32
      %dma_wait3A_796 = tpu.memref_slice %arg4[%dma_wait3A_791, %dma_wait3A_792, %dma_wait3A_793, %dma_wait3A_794, %dma_wait3A_795] : memref<200x4x32x8x128xf32, #tpu.memory_space<hbm>> -> memref<8x1x1x8x128xf32, #tpu.memory_space<hbm>>
      %dma_wait3A_797 = arith.constant 0 : i32
      %dma_wait3A_798 = arith.constant 0 : i32
      %dma_wait3A_799 = arith.constant 0 : i32
      %dma_wait3A_800 = arith.constant 0 : i32
      %dma_wait3A_801 = arith.constant 0 : i32
      %dma_wait3A_802 = tpu.memref_slice %arg9[%dma_wait3A_783, %dma_wait3A_797, %dma_wait3A_798, %dma_wait3A_799, %dma_wait3A_800, %dma_wait3A_801] : memref<4x8x1x1x8x129xf32, #tpu.memory_space<vmem>> -> memref<1x8x1x1x8x128xf32, #tpu.memory_space<vmem>>
      %dma_wait3A_803 = tpu.memref_squeeze %dma_wait3A_802 : memref<1x8x1x1x8x128xf32, #tpu.memory_space<vmem>> -> memref<8x1x1x8x128xf32, #tpu.memory_space<vmem>>
      %dma_wait3A_804 = arith.constant 0 : i32
      %dma_wait3A_805 = arith.constant 2 : i32
      %dma_wait3A_806 = arith.constant 0 : i32
      %dma_wait3A_807 = arith.constant 0 : i32
      %dma_wait3A_808 = arith.constant 0 : i32
      %dma_wait3A_809 = tpu.memref_slice %arg4[%dma_wait3A_804, %dma_wait3A_805, %dma_wait3A_806, %dma_wait3A_807, %dma_wait3A_808] : memref<200x4x32x8x128xf32, #tpu.memory_space<hbm>> -> memref<8x1x1x8x128xf32, #tpu.memory_space<hbm>>
      tpu.wait_dma2 semaphore(%arg14 : memref<!tpu.dma_semaphore, #tpu.memory_space<semaphore_mem>>) src(%dma_wait3A_809 : memref<8x1x1x8x128xf32, #tpu.memory_space<hbm>>) dst(%dma_wait3A_803 : memref<8x1x1x8x128xf32, #tpu.memory_space<vmem>>)
      %dma_wait3A_810 = arith.constant 3 : i32
      %dma_wait3A_811 = arith.constant 0 : i32
      %dma_wait3A_812 = arith.constant 0 : i32
      %dma_wait3A_813 = arith.constant 0 : i32
      %dma_wait3A_814 = arith.constant 0 : i32
      %dma_wait3A_815 = arith.constant 0 : i32
      %dma_wait3A_816 = tpu.memref_slice %arg9[%dma_wait3A_810, %dma_wait3A_811, %dma_wait3A_812, %dma_wait3A_813, %dma_wait3A_814, %dma_wait3A_815] : memref<4x8x1x1x8x129xf32, #tpu.memory_space<vmem>> -> memref<1x8x1x1x8x128xf32, #tpu.memory_space<vmem>>
      %dma_wait3A_817 = tpu.memref_squeeze %dma_wait3A_816 : memref<1x8x1x1x8x128xf32, #tpu.memory_space<vmem>> -> memref<8x1x1x8x128xf32, #tpu.memory_space<vmem>>
      %dma_wait3A_818 = arith.constant 0 : i32
      %dma_wait3A_819 = arith.constant 3 : i32
      %dma_wait3A_820 = arith.constant 0 : i32
      %dma_wait3A_821 = arith.constant 0 : i32
      %dma_wait3A_822 = arith.constant 0 : i32
      %dma_wait3A_823 = tpu.memref_slice %arg4[%dma_wait3A_818, %dma_wait3A_819, %dma_wait3A_820, %dma_wait3A_821, %dma_wait3A_822] : memref<200x4x32x8x128xf32, #tpu.memory_space<hbm>> -> memref<8x1x1x8x128xf32, #tpu.memory_space<hbm>>
      %dma_wait3A_824 = arith.constant 0 : i32
      %dma_wait3A_825 = arith.constant 0 : i32
      %dma_wait3A_826 = arith.constant 0 : i32
      %dma_wait3A_827 = arith.constant 0 : i32
      %dma_wait3A_828 = arith.constant 0 : i32
      %dma_wait3A_829 = tpu.memref_slice %arg9[%dma_wait3A_810, %dma_wait3A_824, %dma_wait3A_825, %dma_wait3A_826, %dma_wait3A_827, %dma_wait3A_828] : memref<4x8x1x1x8x129xf32, #tpu.memory_space<vmem>> -> memref<1x8x1x1x8x128xf32, #tpu.memory_space<vmem>>
      %dma_wait3A_830 = tpu.memref_squeeze %dma_wait3A_829 : memref<1x8x1x1x8x128xf32, #tpu.memory_space<vmem>> -> memref<8x1x1x8x128xf32, #tpu.memory_space<vmem>>
      %dma_wait3A_831 = arith.constant 0 : i32
      %dma_wait3A_832 = arith.constant 3 : i32
      %dma_wait3A_833 = arith.constant 0 : i32
      %dma_wait3A_834 = arith.constant 0 : i32
      %dma_wait3A_835 = arith.constant 0 : i32
      %dma_wait3A_836 = tpu.memref_slice %arg4[%dma_wait3A_831, %dma_wait3A_832, %dma_wait3A_833, %dma_wait3A_834, %dma_wait3A_835] : memref<200x4x32x8x128xf32, #tpu.memory_space<hbm>> -> memref<8x1x1x8x128xf32, #tpu.memory_space<hbm>>
      tpu.wait_dma2 semaphore(%arg14 : memref<!tpu.dma_semaphore, #tpu.memory_space<semaphore_mem>>) src(%dma_wait3A_836 : memref<8x1x1x8x128xf32, #tpu.memory_space<hbm>>) dst(%dma_wait3A_830 : memref<8x1x1x8x128xf32, #tpu.memory_space<vmem>>)
      %parallel_loop3A_837 = arith.constant 0 : i32
      %parallel_loop3A_838 = arith.constant 1024 : i32
      %parallel_loop3A_839 = arith.constant 1 : i32
      scf.for %parallel_loop3A_932 = %parallel_loop3A_837 to %parallel_loop3A_838 step %parallel_loop3A_839  : i32 {
        %parallel_loop3A_933 = arith.constant 7 : i32
        %parallel_loop3A_934 = arith.shrui %parallel_loop3A_932, %parallel_loop3A_933 : i32
        %parallel_loop3A_935 = arith.constant 127 : i32
        %parallel_loop3A_936 = arith.andi %parallel_loop3A_932, %parallel_loop3A_935 : i32
        %parallel_loop3A_937 = vector.broadcast %parallel_loop3A_934 : i32 to vector<16xi32>
        %parallel_loop3A_938 = vector.broadcast %parallel_loop3A_936 : i32 to vector<16xi32>
        %parallel_loop3A_939 = arith.index_cast %parallel_loop3A_932 : i32 to index
        %parallel_loop3A_940 = arith.constant 0 : index
        %parallel_loop3A_941 = tpu.vector_load %arg8[%parallel_loop3A_939, %parallel_loop3A_940] {strides = array<i32>} : memref<1024x32xf32, #tpu.memory_space<vmem>>, vector<16xf32>,
        %parallel_loop3A_942 = arith.constant 5.65685415 : f32
        %parallel_loop3A_943 = vector.broadcast %parallel_loop3A_942 : f32 to vector<16xf32>
        %parallel_loop3A_944 = arith.mulf %parallel_loop3A_941, %parallel_loop3A_943 : vector<16xf32>
        tpu.vector_store_idx %arg9[%shift_right_logical3A_8, %parallel_loop3A_937, %broadcast_in_dim3A_3, %broadcast_in_dim3A_3, %and3A_19, %parallel_loop3A_938], %parallel_loop3A_944 : memref<4x8x1x1x8x129xf32, #tpu.memory_space<vmem>>[vector<16xi32>, vector<16xi32>, vector<16xi32>, vector<16xi32>, vector<16xi32>, vector<16xi32>], vector<16xf32>,
        %parallel_loop3A_945 = arith.index_cast %parallel_loop3A_932 : i32 to index
        %parallel_loop3A_946 = arith.constant 16 : index
        %parallel_loop3A_947 = tpu.vector_load %arg8[%parallel_loop3A_945, %parallel_loop3A_946] {strides = array<i32>} : memref<1024x32xf32, #tpu.memory_space<vmem>>, vector<16xf32>,
        %parallel_loop3A_948 = arith.constant 5.65685415 : f32
        %parallel_loop3A_949 = vector.broadcast %parallel_loop3A_948 : f32 to vector<16xf32>
        %parallel_loop3A_950 = arith.mulf %parallel_loop3A_947, %parallel_loop3A_949 : vector<16xf32>
        tpu.vector_store_idx %arg9[%shift_right_logical3A_14, %parallel_loop3A_937, %broadcast_in_dim3A_3, %broadcast_in_dim3A_3, %and3A_25, %parallel_loop3A_938], %parallel_loop3A_950 : memref<4x8x1x1x8x129xf32, #tpu.memory_space<vmem>>[vector<16xi32>, vector<16xi32>, vector<16xi32>, vector<16xi32>, vector<16xi32>, vector<16xi32>], vector<16xf32>,
      } {sc.loop_unroll_factor = 1 : i64, sc.parallel_access}
      %dma_start3A_840 = arith.constant 0 : i32
      %dma_start3A_841 = arith.constant 0 : i32
      %dma_start3A_842 = arith.constant 0 : i32
      %dma_start3A_843 = arith.constant 0 : i32
      %dma_start3A_844 = arith.constant 0 : i32
      %dma_start3A_845 = arith.constant 0 : i32
      %dma_start3A_846 = tpu.memref_slice %arg9[%dma_start3A_840, %dma_start3A_841, %dma_start3A_842, %dma_start3A_843, %dma_start3A_844, %dma_start3A_845] : memref<4x8x1x1x8x129xf32, #tpu.memory_space<vmem>> -> memref<1x8x1x1x8x128xf32, #tpu.memory_space<vmem>>
      %dma_start3A_847 = tpu.memref_squeeze %dma_start3A_846 : memref<1x8x1x1x8x128xf32, #tpu.memory_space<vmem>> -> memref<8x1x1x8x128xf32, #tpu.memory_space<vmem>>
      %dma_start3A_848 = arith.constant 0 : i32
      %dma_start3A_849 = arith.constant 0 : i32
      %dma_start3A_850 = arith.constant 0 : i32
      %dma_start3A_851 = tpu.memref_slice %arg4[%add3A_513, %dma_start3A_848, %add3A, %dma_start3A_849, %dma_start3A_850] : memref<200x4x32x8x128xf32, #tpu.memory_space<hbm>> -> memref<8x1x1x8x128xf32, #tpu.memory_space<hbm>>
      %dma_start3A_852 = arith.constant 0 : i32
      %dma_start3A_853 = arith.constant 0 : i32
      %dma_start3A_854 = arith.constant 0 : i32
      %dma_start3A_855 = tpu.memref_slice %arg4[%add3A_513, %dma_start3A_852, %add3A, %dma_start3A_853, %dma_start3A_854] : memref<200x4x32x8x128xf32, #tpu.memory_space<hbm>> -> memref<8x1x1x8x128xf32, #tpu.memory_space<hbm>>
      %dma_start3A_856 = arith.constant 0 : i32
      %dma_start3A_857 = arith.constant 0 : i32
      %dma_start3A_858 = arith.constant 0 : i32
      %dma_start3A_859 = arith.constant 0 : i32
      %dma_start3A_860 = arith.constant 0 : i32
      %dma_start3A_861 = tpu.memref_slice %arg9[%dma_start3A_840, %dma_start3A_856, %dma_start3A_857, %dma_start3A_858, %dma_start3A_859, %dma_start3A_860] : memref<4x8x1x1x8x129xf32, #tpu.memory_space<vmem>> -> memref<1x8x1x1x8x128xf32, #tpu.memory_space<vmem>>
      %dma_start3A_862 = tpu.memref_squeeze %dma_start3A_861 : memref<1x8x1x1x8x128xf32, #tpu.memory_space<vmem>> -> memref<8x1x1x8x128xf32, #tpu.memory_space<vmem>>
      tpu.enqueue_dma source(%dma_start3A_862 : memref<8x1x1x8x128xf32, #tpu.memory_space<vmem>>) target(%dma_start3A_855 : memref<8x1x1x8x128xf32, #tpu.memory_space<hbm>>) target_semaphore(%arg14 : memref<!tpu.dma_semaphore, #tpu.memory_space<semaphore_mem>>)
      %dma_start3A_863 = arith.constant 1 : i32
      %dma_start3A_864 = arith.constant 0 : i32
      %dma_start3A_865 = arith.constant 0 : i32
      %dma_start3A_866 = arith.constant 0 : i32
      %dma_start3A_867 = arith.constant 0 : i32
      %dma_start3A_868 = arith.constant 0 : i32
      %dma_start3A_869 = tpu.memref_slice %arg9[%dma_start3A_863, %dma_start3A_864, %dma_start3A_865, %dma_start3A_866, %dma_start3A_867, %dma_start3A_868] : memref<4x8x1x1x8x129xf32, #tpu.memory_space<vmem>> -> memref<1x8x1x1x8x128xf32, #tpu.memory_space<vmem>>
      %dma_start3A_870 = tpu.memref_squeeze %dma_start3A_869 : memref<1x8x1x1x8x128xf32, #tpu.memory_space<vmem>> -> memref<8x1x1x8x128xf32, #tpu.memory_space<vmem>>
      %dma_start3A_871 = arith.constant 1 : i32
      %dma_start3A_872 = arith.constant 0 : i32
      %dma_start3A_873 = arith.constant 0 : i32
      %dma_start3A_874 = tpu.memref_slice %arg4[%add3A_513, %dma_start3A_871, %add3A, %dma_start3A_872, %dma_start3A_873] : memref<200x4x32x8x128xf32, #tpu.memory_space<hbm>> -> memref<8x1x1x8x128xf32, #tpu.memory_space<hbm>>
      %dma_start3A_875 = arith.constant 1 : i32
      %dma_start3A_876 = arith.constant 0 : i32
      %dma_start3A_877 = arith.constant 0 : i32
      %dma_start3A_878 = tpu.memref_slice %arg4[%add3A_513, %dma_start3A_875, %add3A, %dma_start3A_876, %dma_start3A_877] : memref<200x4x32x8x128xf32, #tpu.memory_space<hbm>> -> memref<8x1x1x8x128xf32, #tpu.memory_space<hbm>>
      %dma_start3A_879 = arith.constant 0 : i32
      %dma_start3A_880 = arith.constant 0 : i32
      %dma_start3A_881 = arith.constant 0 : i32
      %dma_start3A_882 = arith.constant 0 : i32
      %dma_start3A_883 = arith.constant 0 : i32
      %dma_start3A_884 = tpu.memref_slice %arg9[%dma_start3A_863, %dma_start3A_879, %dma_start3A_880, %dma_start3A_881, %dma_start3A_882, %dma_start3A_883] : memref<4x8x1x1x8x129xf32, #tpu.memory_space<vmem>> -> memref<1x8x1x1x8x128xf32, #tpu.memory_space<vmem>>
      %dma_start3A_885 = tpu.memref_squeeze %dma_start3A_884 : memref<1x8x1x1x8x128xf32, #tpu.memory_space<vmem>> -> memref<8x1x1x8x128xf32, #tpu.memory_space<vmem>>
      tpu.enqueue_dma source(%dma_start3A_885 : memref<8x1x1x8x128xf32, #tpu.memory_space<vmem>>) target(%dma_start3A_878 : memref<8x1x1x8x128xf32, #tpu.memory_space<hbm>>) target_semaphore(%arg14 : memref<!tpu.dma_semaphore, #tpu.memory_space<semaphore_mem>>)
      %dma_start3A_886 = arith.constant 2 : i32
      %dma_start3A_887 = arith.constant 0 : i32
      %dma_start3A_888 = arith.constant 0 : i32
      %dma_start3A_889 = arith.constant 0 : i32
      %dma_start3A_890 = arith.constant 0 : i32
      %dma_start3A_891 = arith.constant 0 : i32
      %dma_start3A_892 = tpu.memref_slice %arg9[%dma_start3A_886, %dma_start3A_887, %dma_start3A_888, %dma_start3A_889, %dma_start3A_890, %dma_start3A_891] : memref<4x8x1x1x8x129xf32, #tpu.memory_space<vmem>> -> memref<1x8x1x1x8x128xf32, #tpu.memory_space<vmem>>
      %dma_start3A_893 = tpu.memref_squeeze %dma_start3A_892 : memref<1x8x1x1x8x128xf32, #tpu.memory_space<vmem>> -> memref<8x1x1x8x128xf32, #tpu.memory_space<vmem>>
      %dma_start3A_894 = arith.constant 2 : i32
      %dma_start3A_895 = arith.constant 0 : i32
      %dma_start3A_896 = arith.constant 0 : i32
      %dma_start3A_897 = tpu.memref_slice %arg4[%add3A_513, %dma_start3A_894, %add3A, %dma_start3A_895, %dma_start3A_896] : memref<200x4x32x8x128xf32, #tpu.memory_space<hbm>> -> memref<8x1x1x8x128xf32, #tpu.memory_space<hbm>>
      %dma_start3A_898 = arith.constant 2 : i32
      %dma_start3A_899 = arith.constant 0 : i32
      %dma_start3A_900 = arith.constant 0 : i32
      %dma_start3A_901 = tpu.memref_slice %arg4[%add3A_513, %dma_start3A_898, %add3A, %dma_start3A_899, %dma_start3A_900] : memref<200x4x32x8x128xf32, #tpu.memory_space<hbm>> -> memref<8x1x1x8x128xf32, #tpu.memory_space<hbm>>
      %dma_start3A_902 = arith.constant 0 : i32
      %dma_start3A_903 = arith.constant 0 : i32
      %dma_start3A_904 = arith.constant 0 : i32
      %dma_start3A_905 = arith.constant 0 : i32
      %dma_start3A_906 = arith.constant 0 : i32
      %dma_start3A_907 = tpu.memref_slice %arg9[%dma_start3A_886, %dma_start3A_902, %dma_start3A_903, %dma_start3A_904, %dma_start3A_905, %dma_start3A_906] : memref<4x8x1x1x8x129xf32, #tpu.memory_space<vmem>> -> memref<1x8x1x1x8x128xf32, #tpu.memory_space<vmem>>
      %dma_start3A_908 = tpu.memref_squeeze %dma_start3A_907 : memref<1x8x1x1x8x128xf32, #tpu.memory_space<vmem>> -> memref<8x1x1x8x128xf32, #tpu.memory_space<vmem>>
      tpu.enqueue_dma source(%dma_start3A_908 : memref<8x1x1x8x128xf32, #tpu.memory_space<vmem>>) target(%dma_start3A_901 : memref<8x1x1x8x128xf32, #tpu.memory_space<hbm>>) target_semaphore(%arg14 : memref<!tpu.dma_semaphore, #tpu.memory_space<semaphore_mem>>)
      %dma_start3A_909 = arith.constant 3 : i32
      %dma_start3A_910 = arith.constant 0 : i32
      %dma_start3A_911 = arith.constant 0 : i32
      %dma_start3A_912 = arith.constant 0 : i32
      %dma_start3A_913 = arith.constant 0 : i32
      %dma_start3A_914 = arith.constant 0 : i32
      %dma_start3A_915 = tpu.memref_slice %arg9[%dma_start3A_909, %dma_start3A_910, %dma_start3A_911, %dma_start3A_912, %dma_start3A_913, %dma_start3A_914] : memref<4x8x1x1x8x129xf32, #tpu.memory_space<vmem>> -> memref<1x8x1x1x8x128xf32, #tpu.memory_space<vmem>>
      %dma_start3A_916 = tpu.memref_squeeze %dma_start3A_915 : memref<1x8x1x1x8x128xf32, #tpu.memory_space<vmem>> -> memref<8x1x1x8x128xf32, #tpu.memory_space<vmem>>
      %dma_start3A_917 = arith.constant 3 : i32
      %dma_start3A_918 = arith.constant 0 : i32
      %dma_start3A_919 = arith.constant 0 : i32
      %dma_start3A_920 = tpu.memref_slice %arg4[%add3A_513, %dma_start3A_917, %add3A, %dma_start3A_918, %dma_start3A_919] : memref<200x4x32x8x128xf32, #tpu.memory_space<hbm>> -> memref<8x1x1x8x128xf32, #tpu.memory_space<hbm>>
      %dma_start3A_921 = arith.constant 3 : i32
      %dma_start3A_922 = arith.constant 0 : i32
      %dma_start3A_923 = arith.constant 0 : i32
      %dma_start3A_924 = tpu.memref_slice %arg4[%add3A_513, %dma_start3A_921, %add3A, %dma_start3A_922, %dma_start3A_923] : memref<200x4x32x8x128xf32, #tpu.memory_space<hbm>> -> memref<8x1x1x8x128xf32, #tpu.memory_space<hbm>>
      %dma_start3A_925 = arith.constant 0 : i32
      %dma_start3A_926 = arith.constant 0 : i32
      %dma_start3A_927 = arith.constant 0 : i32
      %dma_start3A_928 = arith.constant 0 : i32
      %dma_start3A_929 = arith.constant 0 : i32
      %dma_start3A_930 = tpu.memref_slice %arg9[%dma_start3A_909, %dma_start3A_925, %dma_start3A_926, %dma_start3A_927, %dma_start3A_928, %dma_start3A_929] : memref<4x8x1x1x8x129xf32, #tpu.memory_space<vmem>> -> memref<1x8x1x1x8x128xf32, #tpu.memory_space<vmem>>
      %dma_start3A_931 = tpu.memref_squeeze %dma_start3A_930 : memref<1x8x1x1x8x128xf32, #tpu.memory_space<vmem>> -> memref<8x1x1x8x128xf32, #tpu.memory_space<vmem>>
      tpu.enqueue_dma source(%dma_start3A_931 : memref<8x1x1x8x128xf32, #tpu.memory_space<vmem>>) target(%dma_start3A_924 : memref<8x1x1x8x128xf32, #tpu.memory_space<hbm>>) target_semaphore(%arg14 : memref<!tpu.dma_semaphore, #tpu.memory_space<semaphore_mem>>)
    }
    %scan3A_182 = arith.constant 12 : i32
    %dma_wait3A_183 = arith.constant 0 : i32
    %dma_wait3A_184 = arith.constant 0 : i32
    %dma_wait3A_185 = tpu.memref_slice %arg3[%dma_wait3A_183, %dma_wait3A_184] : memref<1000000x32xf32, #tpu.memory_space<hbm>> -> memref<1024x32xf32, #tpu.memory_space<hbm>>
    %dma_wait3A_186 = arith.constant 0 : i32
    %dma_wait3A_187 = arith.constant 0 : i32
    %dma_wait3A_188 = tpu.memref_slice %arg3[%dma_wait3A_186, %dma_wait3A_187] : memref<1000000x32xf32, #tpu.memory_space<hbm>> -> memref<1024x32xf32, #tpu.memory_space<hbm>>
    tpu.wait_dma2 semaphore(%arg12 : memref<!tpu.dma_semaphore, #tpu.memory_space<semaphore_mem>>) src(%dma_wait3A_188 : memref<1024x32xf32, #tpu.memory_space<hbm>>) dst(%arg7 : memref<1024x32xf32, #tpu.memory_space<vmem>>)
    %dma_wait3A_189 = arith.constant 0 : i32
    %dma_wait3A_190 = arith.constant 0 : i32
    %dma_wait3A_191 = arith.constant 0 : i32
    %dma_wait3A_192 = arith.constant 0 : i32
    %dma_wait3A_193 = arith.constant 0 : i32
    %dma_wait3A_194 = arith.constant 0 : i32
    %dma_wait3A_195 = tpu.memref_slice %arg9[%dma_wait3A_189, %dma_wait3A_190, %dma_wait3A_191, %dma_wait3A_192, %dma_wait3A_193, %dma_wait3A_194] : memref<4x8x1x1x8x129xf32, #tpu.memory_space<vmem>> -> memref<1x8x1x1x8x128xf32, #tpu.memory_space<vmem>>
    %dma_wait3A_196 = tpu.memref_squeeze %dma_wait3A_195 : memref<1x8x1x1x8x128xf32, #tpu.memory_space<vmem>> -> memref<8x1x1x8x128xf32, #tpu.memory_space<vmem>>
    %dma_wait3A_197 = arith.constant 0 : i32
    %dma_wait3A_198 = arith.constant 0 : i32
    %dma_wait3A_199 = arith.constant 0 : i32
    %dma_wait3A_200 = arith.constant 0 : i32
    %dma_wait3A_201 = arith.constant 0 : i32
    %dma_wait3A_202 = tpu.memref_slice %arg4[%dma_wait3A_197, %dma_wait3A_198, %dma_wait3A_199, %dma_wait3A_200, %dma_wait3A_201] : memref<200x4x32x8x128xf32, #tpu.memory_space<hbm>> -> memref<8x1x1x8x128xf32, #tpu.memory_space<hbm>>
    %dma_wait3A_203 = arith.constant 0 : i32
    %dma_wait3A_204 = arith.constant 0 : i32
    %dma_wait3A_205 = arith.constant 0 : i32
    %dma_wait3A_206 = arith.constant 0 : i32
    %dma_wait3A_207 = arith.constant 0 : i32
    %dma_wait3A_208 = tpu.memref_slice %arg9[%dma_wait3A_189, %dma_wait3A_203, %dma_wait3A_204, %dma_wait3A_205, %dma_wait3A_206, %dma_wait3A_207] : memref<4x8x1x1x8x129xf32, #tpu.memory_space<vmem>> -> memref<1x8x1x1x8x128xf32, #tpu.memory_space<vmem>>
    %dma_wait3A_209 = tpu.memref_squeeze %dma_wait3A_208 : memref<1x8x1x1x8x128xf32, #tpu.memory_space<vmem>> -> memref<8x1x1x8x128xf32, #tpu.memory_space<vmem>>
    %dma_wait3A_210 = arith.constant 0 : i32
    %dma_wait3A_211 = arith.constant 0 : i32
    %dma_wait3A_212 = arith.constant 0 : i32
    %dma_wait3A_213 = arith.constant 0 : i32
    %dma_wait3A_214 = arith.constant 0 : i32
    %dma_wait3A_215 = tpu.memref_slice %arg4[%dma_wait3A_210, %dma_wait3A_211, %dma_wait3A_212, %dma_wait3A_213, %dma_wait3A_214] : memref<200x4x32x8x128xf32, #tpu.memory_space<hbm>> -> memref<8x1x1x8x128xf32, #tpu.memory_space<hbm>>
    tpu.wait_dma2 semaphore(%arg14 : memref<!tpu.dma_semaphore, #tpu.memory_space<semaphore_mem>>) src(%dma_wait3A_215 : memref<8x1x1x8x128xf32, #tpu.memory_space<hbm>>) dst(%dma_wait3A_209 : memref<8x1x1x8x128xf32, #tpu.memory_space<vmem>>)
    %dma_wait3A_216 = arith.constant 1 : i32
    %dma_wait3A_217 = arith.constant 0 : i32
    %dma_wait3A_218 = arith.constant 0 : i32
    %dma_wait3A_219 = arith.constant 0 : i32
    %dma_wait3A_220 = arith.constant 0 : i32
    %dma_wait3A_221 = arith.constant 0 : i32
    %dma_wait3A_222 = tpu.memref_slice %arg9[%dma_wait3A_216, %dma_wait3A_217, %dma_wait3A_218, %dma_wait3A_219, %dma_wait3A_220, %dma_wait3A_221] : memref<4x8x1x1x8x129xf32, #tpu.memory_space<vmem>> -> memref<1x8x1x1x8x128xf32, #tpu.memory_space<vmem>>
    %dma_wait3A_223 = tpu.memref_squeeze %dma_wait3A_222 : memref<1x8x1x1x8x128xf32, #tpu.memory_space<vmem>> -> memref<8x1x1x8x128xf32, #tpu.memory_space<vmem>>
    %dma_wait3A_224 = arith.constant 0 : i32
    %dma_wait3A_225 = arith.constant 1 : i32
    %dma_wait3A_226 = arith.constant 0 : i32
    %dma_wait3A_227 = arith.constant 0 : i32
    %dma_wait3A_228 = arith.constant 0 : i32
    %dma_wait3A_229 = tpu.memref_slice %arg4[%dma_wait3A_224, %dma_wait3A_225, %dma_wait3A_226, %dma_wait3A_227, %dma_wait3A_228] : memref<200x4x32x8x128xf32, #tpu.memory_space<hbm>> -> memref<8x1x1x8x128xf32, #tpu.memory_space<hbm>>
    %dma_wait3A_230 = arith.constant 0 : i32
    %dma_wait3A_231 = arith.constant 0 : i32
    %dma_wait3A_232 = arith.constant 0 : i32
    %dma_wait3A_233 = arith.constant 0 : i32
    %dma_wait3A_234 = arith.constant 0 : i32
    %dma_wait3A_235 = tpu.memref_slice %arg9[%dma_wait3A_216, %dma_wait3A_230, %dma_wait3A_231, %dma_wait3A_232, %dma_wait3A_233, %dma_wait3A_234] : memref<4x8x1x1x8x129xf32, #tpu.memory_space<vmem>> -> memref<1x8x1x1x8x128xf32, #tpu.memory_space<vmem>>
    %dma_wait3A_236 = tpu.memref_squeeze %dma_wait3A_235 : memref<1x8x1x1x8x128xf32, #tpu.memory_space<vmem>> -> memref<8x1x1x8x128xf32, #tpu.memory_space<vmem>>
    %dma_wait3A_237 = arith.constant 0 : i32
    %dma_wait3A_238 = arith.constant 1 : i32
    %dma_wait3A_239 = arith.constant 0 : i32
    %dma_wait3A_240 = arith.constant 0 : i32
    %dma_wait3A_241 = arith.constant 0 : i32
    %dma_wait3A_242 = tpu.memref_slice %arg4[%dma_wait3A_237, %dma_wait3A_238, %dma_wait3A_239, %dma_wait3A_240, %dma_wait3A_241] : memref<200x4x32x8x128xf32, #tpu.memory_space<hbm>> -> memref<8x1x1x8x128xf32, #tpu.memory_space<hbm>>
    tpu.wait_dma2 semaphore(%arg14 : memref<!tpu.dma_semaphore, #tpu.memory_space<semaphore_mem>>) src(%dma_wait3A_242 : memref<8x1x1x8x128xf32, #tpu.memory_space<hbm>>) dst(%dma_wait3A_236 : memref<8x1x1x8x128xf32, #tpu.memory_space<vmem>>)
    %dma_wait3A_243 = arith.constant 2 : i32
    %dma_wait3A_244 = arith.constant 0 : i32
    %dma_wait3A_245 = arith.constant 0 : i32
    %dma_wait3A_246 = arith.constant 0 : i32
    %dma_wait3A_247 = arith.constant 0 : i32
    %dma_wait3A_248 = arith.constant 0 : i32
    %dma_wait3A_249 = tpu.memref_slice %arg9[%dma_wait3A_243, %dma_wait3A_244, %dma_wait3A_245, %dma_wait3A_246, %dma_wait3A_247, %dma_wait3A_248] : memref<4x8x1x1x8x129xf32, #tpu.memory_space<vmem>> -> memref<1x8x1x1x8x128xf32, #tpu.memory_space<vmem>>
    %dma_wait3A_250 = tpu.memref_squeeze %dma_wait3A_249 : memref<1x8x1x1x8x128xf32, #tpu.memory_space<vmem>> -> memref<8x1x1x8x128xf32, #tpu.memory_space<vmem>>
    %dma_wait3A_251 = arith.constant 0 : i32
    %dma_wait3A_252 = arith.constant 2 : i32
    %dma_wait3A_253 = arith.constant 0 : i32
    %dma_wait3A_254 = arith.constant 0 : i32
    %dma_wait3A_255 = arith.constant 0 : i32
    %dma_wait3A_256 = tpu.memref_slice %arg4[%dma_wait3A_251, %dma_wait3A_252, %dma_wait3A_253, %dma_wait3A_254, %dma_wait3A_255] : memref<200x4x32x8x128xf32, #tpu.memory_space<hbm>> -> memref<8x1x1x8x128xf32, #tpu.memory_space<hbm>>
    %dma_wait3A_257 = arith.constant 0 : i32
    %dma_wait3A_258 = arith.constant 0 : i32
    %dma_wait3A_259 = arith.constant 0 : i32
    %dma_wait3A_260 = arith.constant 0 : i32
    %dma_wait3A_261 = arith.constant 0 : i32
    %dma_wait3A_262 = tpu.memref_slice %arg9[%dma_wait3A_243, %dma_wait3A_257, %dma_wait3A_258, %dma_wait3A_259, %dma_wait3A_260, %dma_wait3A_261] : memref<4x8x1x1x8x129xf32, #tpu.memory_space<vmem>> -> memref<1x8x1x1x8x128xf32, #tpu.memory_space<vmem>>
    %dma_wait3A_263 = tpu.memref_squeeze %dma_wait3A_262 : memref<1x8x1x1x8x128xf32, #tpu.memory_space<vmem>> -> memref<8x1x1x8x128xf32, #tpu.memory_space<vmem>>
    %dma_wait3A_264 = arith.constant 0 : i32
    %dma_wait3A_265 = arith.constant 2 : i32
    %dma_wait3A_266 = arith.constant 0 : i32
    %dma_wait3A_267 = arith.constant 0 : i32
    %dma_wait3A_268 = arith.constant 0 : i32
    %dma_wait3A_269 = tpu.memref_slice %arg4[%dma_wait3A_264, %dma_wait3A_265, %dma_wait3A_266, %dma_wait3A_267, %dma_wait3A_268] : memref<200x4x32x8x128xf32, #tpu.memory_space<hbm>> -> memref<8x1x1x8x128xf32, #tpu.memory_space<hbm>>
    tpu.wait_dma2 semaphore(%arg14 : memref<!tpu.dma_semaphore, #tpu.memory_space<semaphore_mem>>) src(%dma_wait3A_269 : memref<8x1x1x8x128xf32, #tpu.memory_space<hbm>>) dst(%dma_wait3A_263 : memref<8x1x1x8x128xf32, #tpu.memory_space<vmem>>)
    %dma_wait3A_270 = arith.constant 3 : i32
    %dma_wait3A_271 = arith.constant 0 : i32
    %dma_wait3A_272 = arith.constant 0 : i32
    %dma_wait3A_273 = arith.constant 0 : i32
    %dma_wait3A_274 = arith.constant 0 : i32
    %dma_wait3A_275 = arith.constant 0 : i32
    %dma_wait3A_276 = tpu.memref_slice %arg9[%dma_wait3A_270, %dma_wait3A_271, %dma_wait3A_272, %dma_wait3A_273, %dma_wait3A_274, %dma_wait3A_275] : memref<4x8x1x1x8x129xf32, #tpu.memory_space<vmem>> -> memref<1x8x1x1x8x128xf32, #tpu.memory_space<vmem>>
    %dma_wait3A_277 = tpu.memref_squeeze %dma_wait3A_276 : memref<1x8x1x1x8x128xf32, #tpu.memory_space<vmem>> -> memref<8x1x1x8x128xf32, #tpu.memory_space<vmem>>
    %dma_wait3A_278 = arith.constant 0 : i32
    %dma_wait3A_279 = arith.constant 3 : i32
    %dma_wait3A_280 = arith.constant 0 : i32
    %dma_wait3A_281 = arith.constant 0 : i32
    %dma_wait3A_282 = arith.constant 0 : i32
    %dma_wait3A_283 = tpu.memref_slice %arg4[%dma_wait3A_278, %dma_wait3A_279, %dma_wait3A_280, %dma_wait3A_281, %dma_wait3A_282] : memref<200x4x32x8x128xf32, #tpu.memory_space<hbm>> -> memref<8x1x1x8x128xf32, #tpu.memory_space<hbm>>
    %dma_wait3A_284 = arith.constant 0 : i32
    %dma_wait3A_285 = arith.constant 0 : i32
    %dma_wait3A_286 = arith.constant 0 : i32
    %dma_wait3A_287 = arith.constant 0 : i32
    %dma_wait3A_288 = arith.constant 0 : i32
    %dma_wait3A_289 = tpu.memref_slice %arg9[%dma_wait3A_270, %dma_wait3A_284, %dma_wait3A_285, %dma_wait3A_286, %dma_wait3A_287, %dma_wait3A_288] : memref<4x8x1x1x8x129xf32, #tpu.memory_space<vmem>> -> memref<1x8x1x1x8x128xf32, #tpu.memory_space<vmem>>
    %dma_wait3A_290 = tpu.memref_squeeze %dma_wait3A_289 : memref<1x8x1x1x8x128xf32, #tpu.memory_space<vmem>> -> memref<8x1x1x8x128xf32, #tpu.memory_space<vmem>>
    %dma_wait3A_291 = arith.constant 0 : i32
    %dma_wait3A_292 = arith.constant 3 : i32
    %dma_wait3A_293 = arith.constant 0 : i32
    %dma_wait3A_294 = arith.constant 0 : i32
    %dma_wait3A_295 = arith.constant 0 : i32
    %dma_wait3A_296 = tpu.memref_slice %arg4[%dma_wait3A_291, %dma_wait3A_292, %dma_wait3A_293, %dma_wait3A_294, %dma_wait3A_295] : memref<200x4x32x8x128xf32, #tpu.memory_space<hbm>> -> memref<8x1x1x8x128xf32, #tpu.memory_space<hbm>>
    tpu.wait_dma2 semaphore(%arg14 : memref<!tpu.dma_semaphore, #tpu.memory_space<semaphore_mem>>) src(%dma_wait3A_296 : memref<8x1x1x8x128xf32, #tpu.memory_space<hbm>>) dst(%dma_wait3A_290 : memref<8x1x1x8x128xf32, #tpu.memory_space<vmem>>)
    %parallel_loop3A = arith.constant 0 : i32
    %parallel_loop3A_297 = arith.constant 1024 : i32
    %parallel_loop3A_298 = arith.constant 1 : i32
    scf.for %parallel_loop3A_507 = %parallel_loop3A to %parallel_loop3A_297 step %parallel_loop3A_298  : i32 {
      %parallel_loop3A_508 = arith.constant 7 : i32
      %parallel_loop3A_509 = arith.shrui %parallel_loop3A_507, %parallel_loop3A_508 : i32
      %parallel_loop3A_510 = arith.constant 127 : i32
      %parallel_loop3A_511 = arith.andi %parallel_loop3A_507, %parallel_loop3A_510 : i32
      %parallel_loop3A_512 = vector.broadcast %parallel_loop3A_509 : i32 to vector<16xi32>
      %parallel_loop3A_513 = vector.broadcast %parallel_loop3A_511 : i32 to vector<16xi32>
      %parallel_loop3A_514 = arith.index_cast %parallel_loop3A_507 : i32 to index
      %parallel_loop3A_515 = arith.constant 0 : index
      %parallel_loop3A_516 = tpu.vector_load %arg7[%parallel_loop3A_514, %parallel_loop3A_515] {strides = array<i32>} : memref<1024x32xf32, #tpu.memory_space<vmem>>, vector<16xf32>,
      %parallel_loop3A_517 = arith.constant 5.65685415 : f32
      %parallel_loop3A_518 = vector.broadcast %parallel_loop3A_517 : f32 to vector<16xf32>
      %parallel_loop3A_519 = arith.mulf %parallel_loop3A_516, %parallel_loop3A_518 : vector<16xf32>
      tpu.vector_store_idx %arg9[%shift_right_logical3A_8, %parallel_loop3A_512, %broadcast_in_dim3A_3, %broadcast_in_dim3A_3, %and3A_19, %parallel_loop3A_513], %parallel_loop3A_519 : memref<4x8x1x1x8x129xf32, #tpu.memory_space<vmem>>[vector<16xi32>, vector<16xi32>, vector<16xi32>, vector<16xi32>, vector<16xi32>, vector<16xi32>], vector<16xf32>,
      %parallel_loop3A_520 = arith.index_cast %parallel_loop3A_507 : i32 to index
      %parallel_loop3A_521 = arith.constant 16 : index
      %parallel_loop3A_522 = tpu.vector_load %arg7[%parallel_loop3A_520, %parallel_loop3A_521] {strides = array<i32>} : memref<1024x32xf32, #tpu.memory_space<vmem>>, vector<16xf32>,
      %parallel_loop3A_523 = arith.constant 5.65685415 : f32
      %parallel_loop3A_524 = vector.broadcast %parallel_loop3A_523 : f32 to vector<16xf32>
      %parallel_loop3A_525 = arith.mulf %parallel_loop3A_522, %parallel_loop3A_524 : vector<16xf32>
      tpu.vector_store_idx %arg9[%shift_right_logical3A_14, %parallel_loop3A_512, %broadcast_in_dim3A_3, %broadcast_in_dim3A_3, %and3A_25, %parallel_loop3A_513], %parallel_loop3A_525 : memref<4x8x1x1x8x129xf32, #tpu.memory_space<vmem>>[vector<16xi32>, vector<16xi32>, vector<16xi32>, vector<16xi32>, vector<16xi32>, vector<16xi32>], vector<16xf32>,
    } {sc.loop_unroll_factor = 1 : i64, sc.parallel_access}
    %dma_start3A_299 = arith.constant 0 : i32
    %dma_start3A_300 = arith.constant 0 : i32
    %dma_start3A_301 = arith.constant 0 : i32
    %dma_start3A_302 = arith.constant 0 : i32
    %dma_start3A_303 = arith.constant 0 : i32
    %dma_start3A_304 = arith.constant 0 : i32
    %dma_start3A_305 = tpu.memref_slice %arg9[%dma_start3A_299, %dma_start3A_300, %dma_start3A_301, %dma_start3A_302, %dma_start3A_303, %dma_start3A_304] : memref<4x8x1x1x8x129xf32, #tpu.memory_space<vmem>> -> memref<1x8x1x1x8x128xf32, #tpu.memory_space<vmem>>
    %dma_start3A_306 = tpu.memref_squeeze %dma_start3A_305 : memref<1x8x1x1x8x128xf32, #tpu.memory_space<vmem>> -> memref<8x1x1x8x128xf32, #tpu.memory_space<vmem>>
    %dma_start3A_307 = arith.constant 192 : i32
    %dma_start3A_308 = arith.constant 0 : i32
    %dma_start3A_309 = arith.constant 0 : i32
    %dma_start3A_310 = arith.constant 0 : i32
    %dma_start3A_311 = tpu.memref_slice %arg4[%dma_start3A_307, %dma_start3A_308, %add3A, %dma_start3A_309, %dma_start3A_310] : memref<200x4x32x8x128xf32, #tpu.memory_space<hbm>> -> memref<8x1x1x8x128xf32, #tpu.memory_space<hbm>>
    %dma_start3A_312 = arith.constant 192 : i32
    %dma_start3A_313 = arith.constant 0 : i32
    %dma_start3A_314 = arith.constant 0 : i32
    %dma_start3A_315 = arith.constant 0 : i32
    %dma_start3A_316 = tpu.memref_slice %arg4[%dma_start3A_312, %dma_start3A_313, %add3A, %dma_start3A_314, %dma_start3A_315] : memref<200x4x32x8x128xf32, #tpu.memory_space<hbm>> -> memref<8x1x1x8x128xf32, #tpu.memory_space<hbm>>
    %dma_start3A_317 = arith.constant 0 : i32
    %dma_start3A_318 = arith.constant 0 : i32
    %dma_start3A_319 = arith.constant 0 : i32
    %dma_start3A_320 = arith.constant 0 : i32
    %dma_start3A_321 = arith.constant 0 : i32
    %dma_start3A_322 = tpu.memref_slice %arg9[%dma_start3A_299, %dma_start3A_317, %dma_start3A_318, %dma_start3A_319, %dma_start3A_320, %dma_start3A_321] : memref<4x8x1x1x8x129xf32, #tpu.memory_space<vmem>> -> memref<1x8x1x1x8x128xf32, #tpu.memory_space<vmem>>
    %dma_start3A_323 = tpu.memref_squeeze %dma_start3A_322 : memref<1x8x1x1x8x128xf32, #tpu.memory_space<vmem>> -> memref<8x1x1x8x128xf32, #tpu.memory_space<vmem>>
    tpu.enqueue_dma source(%dma_start3A_323 : memref<8x1x1x8x128xf32, #tpu.memory_space<vmem>>) target(%dma_start3A_316 : memref<8x1x1x8x128xf32, #tpu.memory_space<hbm>>) target_semaphore(%arg14 : memref<!tpu.dma_semaphore, #tpu.memory_space<semaphore_mem>>)
    %dma_start3A_324 = arith.constant 1 : i32
    %dma_start3A_325 = arith.constant 0 : i32
    %dma_start3A_326 = arith.constant 0 : i32
    %dma_start3A_327 = arith.constant 0 : i32
    %dma_start3A_328 = arith.constant 0 : i32
    %dma_start3A_329 = arith.constant 0 : i32
    %dma_start3A_330 = tpu.memref_slice %arg9[%dma_start3A_324, %dma_start3A_325, %dma_start3A_326, %dma_start3A_327, %dma_start3A_328, %dma_start3A_329] : memref<4x8x1x1x8x129xf32, #tpu.memory_space<vmem>> -> memref<1x8x1x1x8x128xf32, #tpu.memory_space<vmem>>
    %dma_start3A_331 = tpu.memref_squeeze %dma_start3A_330 : memref<1x8x1x1x8x128xf32, #tpu.memory_space<vmem>> -> memref<8x1x1x8x128xf32, #tpu.memory_space<vmem>>
    %dma_start3A_332 = arith.constant 192 : i32
    %dma_start3A_333 = arith.constant 1 : i32
    %dma_start3A_334 = arith.constant 0 : i32
    %dma_start3A_335 = arith.constant 0 : i32
    %dma_start3A_336 = tpu.memref_slice %arg4[%dma_start3A_332, %dma_start3A_333, %add3A, %dma_start3A_334, %dma_start3A_335] : memref<200x4x32x8x128xf32, #tpu.memory_space<hbm>> -> memref<8x1x1x8x128xf32, #tpu.memory_space<hbm>>
    %dma_start3A_337 = arith.constant 192 : i32
    %dma_start3A_338 = arith.constant 1 : i32
    %dma_start3A_339 = arith.constant 0 : i32
    %dma_start3A_340 = arith.constant 0 : i32
    %dma_start3A_341 = tpu.memref_slice %arg4[%dma_start3A_337, %dma_start3A_338, %add3A, %dma_start3A_339, %dma_start3A_340] : memref<200x4x32x8x128xf32, #tpu.memory_space<hbm>> -> memref<8x1x1x8x128xf32, #tpu.memory_space<hbm>>
    %dma_start3A_342 = arith.constant 0 : i32
    %dma_start3A_343 = arith.constant 0 : i32
    %dma_start3A_344 = arith.constant 0 : i32
    %dma_start3A_345 = arith.constant 0 : i32
    %dma_start3A_346 = arith.constant 0 : i32
    %dma_start3A_347 = tpu.memref_slice %arg9[%dma_start3A_324, %dma_start3A_342, %dma_start3A_343, %dma_start3A_344, %dma_start3A_345, %dma_start3A_346] : memref<4x8x1x1x8x129xf32, #tpu.memory_space<vmem>> -> memref<1x8x1x1x8x128xf32, #tpu.memory_space<vmem>>
    %dma_start3A_348 = tpu.memref_squeeze %dma_start3A_347 : memref<1x8x1x1x8x128xf32, #tpu.memory_space<vmem>> -> memref<8x1x1x8x128xf32, #tpu.memory_space<vmem>>
    tpu.enqueue_dma source(%dma_start3A_348 : memref<8x1x1x8x128xf32, #tpu.memory_space<vmem>>) target(%dma_start3A_341 : memref<8x1x1x8x128xf32, #tpu.memory_space<hbm>>) target_semaphore(%arg14 : memref<!tpu.dma_semaphore, #tpu.memory_space<semaphore_mem>>)
    %dma_start3A_349 = arith.constant 2 : i32
    %dma_start3A_350 = arith.constant 0 : i32
    %dma_start3A_351 = arith.constant 0 : i32
    %dma_start3A_352 = arith.constant 0 : i32
    %dma_start3A_353 = arith.constant 0 : i32
    %dma_start3A_354 = arith.constant 0 : i32
    %dma_start3A_355 = tpu.memref_slice %arg9[%dma_start3A_349, %dma_start3A_350, %dma_start3A_351, %dma_start3A_352, %dma_start3A_353, %dma_start3A_354] : memref<4x8x1x1x8x129xf32, #tpu.memory_space<vmem>> -> memref<1x8x1x1x8x128xf32, #tpu.memory_space<vmem>>
    %dma_start3A_356 = tpu.memref_squeeze %dma_start3A_355 : memref<1x8x1x1x8x128xf32, #tpu.memory_space<vmem>> -> memref<8x1x1x8x128xf32, #tpu.memory_space<vmem>>
    %dma_start3A_357 = arith.constant 192 : i32
    %dma_start3A_358 = arith.constant 2 : i32
    %dma_start3A_359 = arith.constant 0 : i32
    %dma_start3A_360 = arith.constant 0 : i32
    %dma_start3A_361 = tpu.memref_slice %arg4[%dma_start3A_357, %dma_start3A_358, %add3A, %dma_start3A_359, %dma_start3A_360] : memref<200x4x32x8x128xf32, #tpu.memory_space<hbm>> -> memref<8x1x1x8x128xf32, #tpu.memory_space<hbm>>
    %dma_start3A_362 = arith.constant 192 : i32
    %dma_start3A_363 = arith.constant 2 : i32
    %dma_start3A_364 = arith.constant 0 : i32
    %dma_start3A_365 = arith.constant 0 : i32
    %dma_start3A_366 = tpu.memref_slice %arg4[%dma_start3A_362, %dma_start3A_363, %add3A, %dma_start3A_364, %dma_start3A_365] : memref<200x4x32x8x128xf32, #tpu.memory_space<hbm>> -> memref<8x1x1x8x128xf32, #tpu.memory_space<hbm>>
    %dma_start3A_367 = arith.constant 0 : i32
    %dma_start3A_368 = arith.constant 0 : i32
    %dma_start3A_369 = arith.constant 0 : i32
    %dma_start3A_370 = arith.constant 0 : i32
    %dma_start3A_371 = arith.constant 0 : i32
    %dma_start3A_372 = tpu.memref_slice %arg9[%dma_start3A_349, %dma_start3A_367, %dma_start3A_368, %dma_start3A_369, %dma_start3A_370, %dma_start3A_371] : memref<4x8x1x1x8x129xf32, #tpu.memory_space<vmem>> -> memref<1x8x1x1x8x128xf32, #tpu.memory_space<vmem>>
    %dma_start3A_373 = tpu.memref_squeeze %dma_start3A_372 : memref<1x8x1x1x8x128xf32, #tpu.memory_space<vmem>> -> memref<8x1x1x8x128xf32, #tpu.memory_space<vmem>>
    tpu.enqueue_dma source(%dma_start3A_373 : memref<8x1x1x8x128xf32, #tpu.memory_space<vmem>>) target(%dma_start3A_366 : memref<8x1x1x8x128xf32, #tpu.memory_space<hbm>>) target_semaphore(%arg14 : memref<!tpu.dma_semaphore, #tpu.memory_space<semaphore_mem>>)
    %dma_start3A_374 = arith.constant 3 : i32
    %dma_start3A_375 = arith.constant 0 : i32
    %dma_start3A_376 = arith.constant 0 : i32
    %dma_start3A_377 = arith.constant 0 : i32
    %dma_start3A_378 = arith.constant 0 : i32
    %dma_start3A_379 = arith.constant 0 : i32
    %dma_start3A_380 = tpu.memref_slice %arg9[%dma_start3A_374, %dma_start3A_375, %dma_start3A_376, %dma_start3A_377, %dma_start3A_378, %dma_start3A_379] : memref<4x8x1x1x8x129xf32, #tpu.memory_space<vmem>> -> memref<1x8x1x1x8x128xf32, #tpu.memory_space<vmem>>
    %dma_start3A_381 = tpu.memref_squeeze %dma_start3A_380 : memref<1x8x1x1x8x128xf32, #tpu.memory_space<vmem>> -> memref<8x1x1x8x128xf32, #tpu.memory_space<vmem>>
    %dma_start3A_382 = arith.constant 192 : i32
    %dma_start3A_383 = arith.constant 3 : i32
    %dma_start3A_384 = arith.constant 0 : i32
    %dma_start3A_385 = arith.constant 0 : i32
    %dma_start3A_386 = tpu.memref_slice %arg4[%dma_start3A_382, %dma_start3A_383, %add3A, %dma_start3A_384, %dma_start3A_385] : memref<200x4x32x8x128xf32, #tpu.memory_space<hbm>> -> memref<8x1x1x8x128xf32, #tpu.memory_space<hbm>>
    %dma_start3A_387 = arith.constant 192 : i32
    %dma_start3A_388 = arith.constant 3 : i32
    %dma_start3A_389 = arith.constant 0 : i32
    %dma_start3A_390 = arith.constant 0 : i32
    %dma_start3A_391 = tpu.memref_slice %arg4[%dma_start3A_387, %dma_start3A_388, %add3A, %dma_start3A_389, %dma_start3A_390] : memref<200x4x32x8x128xf32, #tpu.memory_space<hbm>> -> memref<8x1x1x8x128xf32, #tpu.memory_space<hbm>>
    %dma_start3A_392 = arith.constant 0 : i32
    %dma_start3A_393 = arith.constant 0 : i32
    %dma_start3A_394 = arith.constant 0 : i32
    %dma_start3A_395 = arith.constant 0 : i32
    %dma_start3A_396 = arith.constant 0 : i32
    %dma_start3A_397 = tpu.memref_slice %arg9[%dma_start3A_374, %dma_start3A_392, %dma_start3A_393, %dma_start3A_394, %dma_start3A_395, %dma_start3A_396] : memref<4x8x1x1x8x129xf32, #tpu.memory_space<vmem>> -> memref<1x8x1x1x8x128xf32, #tpu.memory_space<vmem>>
    %dma_start3A_398 = tpu.memref_squeeze %dma_start3A_397 : memref<1x8x1x1x8x128xf32, #tpu.memory_space<vmem>> -> memref<8x1x1x8x128xf32, #tpu.memory_space<vmem>>
    tpu.enqueue_dma source(%dma_start3A_398 : memref<8x1x1x8x128xf32, #tpu.memory_space<vmem>>) target(%dma_start3A_391 : memref<8x1x1x8x128xf32, #tpu.memory_space<hbm>>) target_semaphore(%arg14 : memref<!tpu.dma_semaphore, #tpu.memory_space<semaphore_mem>>)
    %dma_wait3A_399 = arith.constant 0 : i32
    %dma_wait3A_400 = arith.constant 0 : i32
    %dma_wait3A_401 = arith.constant 0 : i32
    %dma_wait3A_402 = arith.constant 0 : i32
    %dma_wait3A_403 = arith.constant 0 : i32
    %dma_wait3A_404 = arith.constant 0 : i32
    %dma_wait3A_405 = tpu.memref_slice %arg9[%dma_wait3A_399, %dma_wait3A_400, %dma_wait3A_401, %dma_wait3A_402, %dma_wait3A_403, %dma_wait3A_404] : memref<4x8x1x1x8x129xf32, #tpu.memory_space<vmem>> -> memref<1x8x1x1x8x128xf32, #tpu.memory_space<vmem>>
    %dma_wait3A_406 = tpu.memref_squeeze %dma_wait3A_405 : memref<1x8x1x1x8x128xf32, #tpu.memory_space<vmem>> -> memref<8x1x1x8x128xf32, #tpu.memory_space<vmem>>
    %dma_wait3A_407 = arith.constant 0 : i32
    %dma_wait3A_408 = arith.constant 0 : i32
    %dma_wait3A_409 = arith.constant 0 : i32
    %dma_wait3A_410 = arith.constant 0 : i32
    %dma_wait3A_411 = arith.constant 0 : i32
    %dma_wait3A_412 = tpu.memref_slice %arg4[%dma_wait3A_407, %dma_wait3A_408, %dma_wait3A_409, %dma_wait3A_410, %dma_wait3A_411] : memref<200x4x32x8x128xf32, #tpu.memory_space<hbm>> -> memref<8x1x1x8x128xf32, #tpu.memory_space<hbm>>
    %dma_wait3A_413 = arith.constant 0 : i32
    %dma_wait3A_414 = arith.constant 0 : i32
    %dma_wait3A_415 = arith.constant 0 : i32
    %dma_wait3A_416 = arith.constant 0 : i32
    %dma_wait3A_417 = arith.constant 0 : i32
    %dma_wait3A_418 = tpu.memref_slice %arg9[%dma_wait3A_399, %dma_wait3A_413, %dma_wait3A_414, %dma_wait3A_415, %dma_wait3A_416, %dma_wait3A_417] : memref<4x8x1x1x8x129xf32, #tpu.memory_space<vmem>> -> memref<1x8x1x1x8x128xf32, #tpu.memory_space<vmem>>
    %dma_wait3A_419 = tpu.memref_squeeze %dma_wait3A_418 : memref<1x8x1x1x8x128xf32, #tpu.memory_space<vmem>> -> memref<8x1x1x8x128xf32, #tpu.memory_space<vmem>>
    %dma_wait3A_420 = arith.constant 0 : i32
    %dma_wait3A_421 = arith.constant 0 : i32
    %dma_wait3A_422 = arith.constant 0 : i32
    %dma_wait3A_423 = arith.constant 0 : i32
    %dma_wait3A_424 = arith.constant 0 : i32
    %dma_wait3A_425 = tpu.memref_slice %arg4[%dma_wait3A_420, %dma_wait3A_421, %dma_wait3A_422, %dma_wait3A_423, %dma_wait3A_424] : memref<200x4x32x8x128xf32, #tpu.memory_space<hbm>> -> memref<8x1x1x8x128xf32, #tpu.memory_space<hbm>>
    tpu.wait_dma2 semaphore(%arg14 : memref<!tpu.dma_semaphore, #tpu.memory_space<semaphore_mem>>) src(%dma_wait3A_425 : memref<8x1x1x8x128xf32, #tpu.memory_space<hbm>>) dst(%dma_wait3A_419 : memref<8x1x1x8x128xf32, #tpu.memory_space<vmem>>)
    %dma_wait3A_426 = arith.constant 1 : i32
    %dma_wait3A_427 = arith.constant 0 : i32
    %dma_wait3A_428 = arith.constant 0 : i32
    %dma_wait3A_429 = arith.constant 0 : i32
    %dma_wait3A_430 = arith.constant 0 : i32
    %dma_wait3A_431 = arith.constant 0 : i32
    %dma_wait3A_432 = tpu.memref_slice %arg9[%dma_wait3A_426, %dma_wait3A_427, %dma_wait3A_428, %dma_wait3A_429, %dma_wait3A_430, %dma_wait3A_431] : memref<4x8x1x1x8x129xf32, #tpu.memory_space<vmem>> -> memref<1x8x1x1x8x128xf32, #tpu.memory_space<vmem>>
    %dma_wait3A_433 = tpu.memref_squeeze %dma_wait3A_432 : memref<1x8x1x1x8x128xf32, #tpu.memory_space<vmem>> -> memref<8x1x1x8x128xf32, #tpu.memory_space<vmem>>
    %dma_wait3A_434 = arith.constant 0 : i32
    %dma_wait3A_435 = arith.constant 1 : i32
    %dma_wait3A_436 = arith.constant 0 : i32
    %dma_wait3A_437 = arith.constant 0 : i32
    %dma_wait3A_438 = arith.constant 0 : i32
    %dma_wait3A_439 = tpu.memref_slice %arg4[%dma_wait3A_434, %dma_wait3A_435, %dma_wait3A_436, %dma_wait3A_437, %dma_wait3A_438] : memref<200x4x32x8x128xf32, #tpu.memory_space<hbm>> -> memref<8x1x1x8x128xf32, #tpu.memory_space<hbm>>
    %dma_wait3A_440 = arith.constant 0 : i32
    %dma_wait3A_441 = arith.constant 0 : i32
    %dma_wait3A_442 = arith.constant 0 : i32
    %dma_wait3A_443 = arith.constant 0 : i32
    %dma_wait3A_444 = arith.constant 0 : i32
    %dma_wait3A_445 = tpu.memref_slice %arg9[%dma_wait3A_426, %dma_wait3A_440, %dma_wait3A_441, %dma_wait3A_442, %dma_wait3A_443, %dma_wait3A_444] : memref<4x8x1x1x8x129xf32, #tpu.memory_space<vmem>> -> memref<1x8x1x1x8x128xf32, #tpu.memory_space<vmem>>
    %dma_wait3A_446 = tpu.memref_squeeze %dma_wait3A_445 : memref<1x8x1x1x8x128xf32, #tpu.memory_space<vmem>> -> memref<8x1x1x8x128xf32, #tpu.memory_space<vmem>>
    %dma_wait3A_447 = arith.constant 0 : i32
    %dma_wait3A_448 = arith.constant 1 : i32
    %dma_wait3A_449 = arith.constant 0 : i32
    %dma_wait3A_450 = arith.constant 0 : i32
    %dma_wait3A_451 = arith.constant 0 : i32
    %dma_wait3A_452 = tpu.memref_slice %arg4[%dma_wait3A_447, %dma_wait3A_448, %dma_wait3A_449, %dma_wait3A_450, %dma_wait3A_451] : memref<200x4x32x8x128xf32, #tpu.memory_space<hbm>> -> memref<8x1x1x8x128xf32, #tpu.memory_space<hbm>>
    tpu.wait_dma2 semaphore(%arg14 : memref<!tpu.dma_semaphore, #tpu.memory_space<semaphore_mem>>) src(%dma_wait3A_452 : memref<8x1x1x8x128xf32, #tpu.memory_space<hbm>>) dst(%dma_wait3A_446 : memref<8x1x1x8x128xf32, #tpu.memory_space<vmem>>)
    %dma_wait3A_453 = arith.constant 2 : i32
    %dma_wait3A_454 = arith.constant 0 : i32
    %dma_wait3A_455 = arith.constant 0 : i32
    %dma_wait3A_456 = arith.constant 0 : i32
    %dma_wait3A_457 = arith.constant 0 : i32
    %dma_wait3A_458 = arith.constant 0 : i32
    %dma_wait3A_459 = tpu.memref_slice %arg9[%dma_wait3A_453, %dma_wait3A_454, %dma_wait3A_455, %dma_wait3A_456, %dma_wait3A_457, %dma_wait3A_458] : memref<4x8x1x1x8x129xf32, #tpu.memory_space<vmem>> -> memref<1x8x1x1x8x128xf32, #tpu.memory_space<vmem>>
    %dma_wait3A_460 = tpu.memref_squeeze %dma_wait3A_459 : memref<1x8x1x1x8x128xf32, #tpu.memory_space<vmem>> -> memref<8x1x1x8x128xf32, #tpu.memory_space<vmem>>
    %dma_wait3A_461 = arith.constant 0 : i32
    %dma_wait3A_462 = arith.constant 2 : i32
    %dma_wait3A_463 = arith.constant 0 : i32
    %dma_wait3A_464 = arith.constant 0 : i32
    %dma_wait3A_465 = arith.constant 0 : i32
    %dma_wait3A_466 = tpu.memref_slice %arg4[%dma_wait3A_461, %dma_wait3A_462, %dma_wait3A_463, %dma_wait3A_464, %dma_wait3A_465] : memref<200x4x32x8x128xf32, #tpu.memory_space<hbm>> -> memref<8x1x1x8x128xf32, #tpu.memory_space<hbm>>
    %dma_wait3A_467 = arith.constant 0 : i32
    %dma_wait3A_468 = arith.constant 0 : i32
    %dma_wait3A_469 = arith.constant 0 : i32
    %dma_wait3A_470 = arith.constant 0 : i32
    %dma_wait3A_471 = arith.constant 0 : i32
    %dma_wait3A_472 = tpu.memref_slice %arg9[%dma_wait3A_453, %dma_wait3A_467, %dma_wait3A_468, %dma_wait3A_469, %dma_wait3A_470, %dma_wait3A_471] : memref<4x8x1x1x8x129xf32, #tpu.memory_space<vmem>> -> memref<1x8x1x1x8x128xf32, #tpu.memory_space<vmem>>
    %dma_wait3A_473 = tpu.memref_squeeze %dma_wait3A_472 : memref<1x8x1x1x8x128xf32, #tpu.memory_space<vmem>> -> memref<8x1x1x8x128xf32, #tpu.memory_space<vmem>>
    %dma_wait3A_474 = arith.constant 0 : i32
    %dma_wait3A_475 = arith.constant 2 : i32
    %dma_wait3A_476 = arith.constant 0 : i32
    %dma_wait3A_477 = arith.constant 0 : i32
    %dma_wait3A_478 = arith.constant 0 : i32
    %dma_wait3A_479 = tpu.memref_slice %arg4[%dma_wait3A_474, %dma_wait3A_475, %dma_wait3A_476, %dma_wait3A_477, %dma_wait3A_478] : memref<200x4x32x8x128xf32, #tpu.memory_space<hbm>> -> memref<8x1x1x8x128xf32, #tpu.memory_space<hbm>>
    tpu.wait_dma2 semaphore(%arg14 : memref<!tpu.dma_semaphore, #tpu.memory_space<semaphore_mem>>) src(%dma_wait3A_479 : memref<8x1x1x8x128xf32, #tpu.memory_space<hbm>>) dst(%dma_wait3A_473 : memref<8x1x1x8x128xf32, #tpu.memory_space<vmem>>)
    %dma_wait3A_480 = arith.constant 3 : i32
    %dma_wait3A_481 = arith.constant 0 : i32
    %dma_wait3A_482 = arith.constant 0 : i32
    %dma_wait3A_483 = arith.constant 0 : i32
    %dma_wait3A_484 = arith.constant 0 : i32
    %dma_wait3A_485 = arith.constant 0 : i32
    %dma_wait3A_486 = tpu.memref_slice %arg9[%dma_wait3A_480, %dma_wait3A_481, %dma_wait3A_482, %dma_wait3A_483, %dma_wait3A_484, %dma_wait3A_485] : memref<4x8x1x1x8x129xf32, #tpu.memory_space<vmem>> -> memref<1x8x1x1x8x128xf32, #tpu.memory_space<vmem>>
    %dma_wait3A_487 = tpu.memref_squeeze %dma_wait3A_486 : memref<1x8x1x1x8x128xf32, #tpu.memory_space<vmem>> -> memref<8x1x1x8x128xf32, #tpu.memory_space<vmem>>
    %dma_wait3A_488 = arith.constant 0 : i32
    %dma_wait3A_489 = arith.constant 3 : i32
    %dma_wait3A_490 = arith.constant 0 : i32
    %dma_wait3A_491 = arith.constant 0 : i32
    %dma_wait3A_492 = arith.constant 0 : i32
    %dma_wait3A_493 = tpu.memref_slice %arg4[%dma_wait3A_488, %dma_wait3A_489, %dma_wait3A_490, %dma_wait3A_491, %dma_wait3A_492] : memref<200x4x32x8x128xf32, #tpu.memory_space<hbm>> -> memref<8x1x1x8x128xf32, #tpu.memory_space<hbm>>
    %dma_wait3A_494 = arith.constant 0 : i32
    %dma_wait3A_495 = arith.constant 0 : i32
    %dma_wait3A_496 = arith.constant 0 : i32
    %dma_wait3A_497 = arith.constant 0 : i32
    %dma_wait3A_498 = arith.constant 0 : i32
    %dma_wait3A_499 = tpu.memref_slice %arg9[%dma_wait3A_480, %dma_wait3A_494, %dma_wait3A_495, %dma_wait3A_496, %dma_wait3A_497, %dma_wait3A_498] : memref<4x8x1x1x8x129xf32, #tpu.memory_space<vmem>> -> memref<1x8x1x1x8x128xf32, #tpu.memory_space<vmem>>
    %dma_wait3A_500 = tpu.memref_squeeze %dma_wait3A_499 : memref<1x8x1x1x8x128xf32, #tpu.memory_space<vmem>> -> memref<8x1x1x8x128xf32, #tpu.memory_space<vmem>>
    %dma_wait3A_501 = arith.constant 0 : i32
    %dma_wait3A_502 = arith.constant 3 : i32
    %dma_wait3A_503 = arith.constant 0 : i32
    %dma_wait3A_504 = arith.constant 0 : i32
    %dma_wait3A_505 = arith.constant 0 : i32
    %dma_wait3A_506 = tpu.memref_slice %arg4[%dma_wait3A_501, %dma_wait3A_502, %dma_wait3A_503, %dma_wait3A_504, %dma_wait3A_505] : memref<200x4x32x8x128xf32, #tpu.memory_space<hbm>> -> memref<8x1x1x8x128xf32, #tpu.memory_space<hbm>>
    tpu.wait_dma2 semaphore(%arg14 : memref<!tpu.dma_semaphore, #tpu.memory_space<semaphore_mem>>) src(%dma_wait3A_506 : memref<8x1x1x8x128xf32, #tpu.memory_space<hbm>>) dst(%dma_wait3A_500 : memref<8x1x1x8x128xf32, #tpu.memory_space<vmem>>)
    return
  }
}

</mosaic_0001>

<sc_bundles>
// kernel: kernel.3.cloned.1.call-start
scs
__scs_entry_jumppad:
0x0: {  	(pc) =	sbr.rel $0x88, $3  }
0x1: {  	(tag) =	ssettag $0x0;
	lr =	simm.s32 $0x1  }
0x2: {  	[smem:$0x3FA0] =	sst lr;
	_ =	strace $0xD0000000  }
0x3: {  	_ = 	snop  }
0x4: {  	_ = 	snop  }
0x5: {  	_ = 	snop  }
0x6: {  	_ = 	snop  }
0x7: {  	_ = 	snop  }
__scs_overlays_trampoline_lowered:
0x8: {  	[smem:$0x3FAF] =	sst s0  }
0x9: {  	[smem:$0x3FB0] =	sst s1  }
0xa: {  	[smem:$0x3FB1] =	sst s2  }
0xb: {  	[smem:$0x3FB2] =	sst s3  }
0xc: {  	[smem:$0x3FB3] =	sst s4  }
0xd: {  	[smem:$0x3FB4] =	sst s5  }
0xe: {  	[smem:$0x3FB5] =	sst s6  }
0xf: {  	[smem:$0x3FB6] =	sst s7  }
0x10: {  	[smem:$0x3FB7] =	sst s8  }
0x11: {  	[smem:$0x3FB8] =	sst s9;
	s0 =	simm.s32 @!p0 $0x0  }
0x12: {  	s1 =	sld [smem:$0x3F9E];
	s0 =	simm.s32 @p0 $0x1  }
0x13: {  	[smem:$0x3FB9] =	sst s0;
	s0 =	simm.s32 @!p1 $0x0  }
0x14: {  	s2 =	sld [smem:$0x3F9D];
	s0 =	simm.s32 @p1 $0x1  }
0x15: {  	[smem:$0x3FBA] =	sst s0;
	s0 =	simm.s32 @!p2 $0x0  }
0x16: {  	s3 =	sld [smem:$0x3FDB];
	s0 =	simm.s32 @p2 $0x1  }
0x17: {  	s4 =	simm.s32 $0x1BF5;
	[smem:$0x3FBC] =	sst s0  }
0x18: {  	s0 =	sld [smem:$0x3F9F];
	_ =	swait.ge [sflag:s4], $0x0  }
0x19: {  	s7 =	sld [smem:$0x3FA0]  }
0x1a: {  	s8 =	sadd.s32 $0xFFFFE003, lr  }
0x1b: {  	s9 =	sadd.s32 $0xFFFFFEF7, lr;
	s5 =	simm.s32 $0xFFFFFFFF;
	p2 =	slt.u32 s8, $0xFFFFF086  }
0x1c: {  	p1 =	slt.u32 s9, $0xF7A;
	s5 =	simm.s32 @!p2 $0x0  }
0x1d: {  	s5 =	simm.s32 @p1 $0x1;
	p0 =	seq.s32 s7, s2  }
0x1e: {  	s7 =	smul.u32 @!p0 $0xF7A, s2;
	p2 =	seq.s32 @!p0 s5, $0x0  }
0x1f: {  	s9 =	smul.u32 $0xF7A, s1;
	s8 =	simm.s32 @!p0 $0x1BF5;
	p2 =	por !p2, p0  }
0x20: {  	[sflag:s8] =	ssyncset.s32 @!p0 $0xFFFFF086;
	s6 =	sadd.s32 @!p0 s3, s7;
	s7 =	simm.s32 @!p0 $0x108  }
0x21: {  	s3 =	sadd.s32 s3, s9;
	s6 =	sadd.s32 @!p0 $0x88, s6;
	s7 =	simm.s32 @p2 $0x1082  }
0x22: {  	[simem:s7], [sflag:s8] =	dma.local @!p0 [hbm:s6], $0xF7A  }
0x23: {  	s9 =	sor.u32 $0xD0000000, s2;
	s6 =	simm.s32 $0x108;
	_ =	swait.ge @!p0 [sflag:s8], $0x0  }
0x24: {  	s3 =	sadd.s32 $0x88, s3;
	s6 =	simm.s32 @!p1 $0x1082;
	[sflag:s4] =	ssyncset.s32 $0xFFFFF086  }
0x25: {  	[simem:s6], [sflag:s4] =	dma.local [hbm:s3], $0xF7A  }
0x26: {  	[smem:$0x3FA0] =	sst s1;
	(tag) =	ssettag s2;
	_ =	strace s9  }
0x27: {  	s1 =	sld [smem:$0x3FB0]  }
0x28: {  	s2 =	sld [smem:$0x3FB1]  }
0x29: {  	s4 =	sld [smem:$0x3FB3]  }
0x2a: {  	p0 =	seq.s32 s5, $0x0;
	s5 =	sld [smem:$0x3FB4]  }
0x2b: {  	s6 =	sld [smem:$0x3FB5]  }
0x2c: {  	s7 =	sld [smem:$0x3FB6]  }
0x2d: {  	s3 =	simm.s32 $0x108;
	s8 =	sld [smem:$0x3FB7]  }
0x2e: {  	s3 =	simm.s32 @!p0 $0x1082;
	s9 =	sld [smem:$0x3FB8]  }
0x2f: {  	lr =	sadd.s32 s0, s3;
	s0 =	sld [smem:$0x3FAF]  }
0x30: {  	s3 =	sld [smem:$0x3FB2]  }
0x31: {  	[smem:$0x3FBB] =	sst s10  }
0x32: {  	s10 =	sld [smem:$0x3FB9];
	_ =	sdelay $0x3  }
0x33: {  	p0 =	seq.s32 s10, $0x1;
	s10 =	sld [smem:$0x3FBB];
	_ =	sdelay $0x3  }
0x34: {  	[smem:$0x3FBB] =	sst s10  }
0x35: {  	s10 =	sld [smem:$0x3FBA];
	_ =	sdelay $0x3  }
0x36: {  	p1 =	seq.s32 s10, $0x1;
	s10 =	sld [smem:$0x3FBB];
	_ =	sdelay $0x3  }
0x37: {  	[smem:$0x3FBB] =	sst s10  }
0x38: {  	s10 =	sld [smem:$0x3FBC]  }
0x39: {  	_ = 	snop;
	(pc) =	sbr.ind lr, $3  }
0x3a: {  	_ = 	snop  }
0x3b: {  	_ = 	snop  }
0x3c: {  	p2 =	seq.s32 s10, $0x1;
	s10 =	sld [smem:$0x3FBB]  }
0x3d: {  	_ =	shalt  }
0x3e: {  	_ =	shalt  }
0x3f: {  	_ =	shalt  }
0x40: {  	_ =	shalt  }
0x41: {  	_ =	shalt  }
0x42: {  	_ =	shalt  }
0x43: {  	_ =	shalt  }
0x44: {  	_ =	shalt  }
0x45: {  	_ =	shalt  }
0x46: {  	_ =	shalt  }
0x47: {  	_ =	shalt  }
0x48: {  	_ =	shalt  }
0x49: {  	_ =	shalt  }
0x4a: {  	_ =	shalt  }
0x4b: {  	_ =	shalt  }
0x4c: {  	_ =	shalt  }
0x4d: {  	_ =	shalt  }
0x4e: {  	_ =	shalt  }
0x4f: {  	_ =	shalt  }
0x50: {  	_ =	shalt  }
0x51: {  	_ =	shalt  }
0x52: {  	_ =	shalt  }
0x53: {  	_ =	shalt  }
0x54: {  	_ =	shalt  }
0x55: {  	_ =	shalt  }
0x56: {  	_ =	shalt  }
0x57: {  	_ =	shalt  }
0x58: {  	_ =	shalt  }
0x59: {  	_ =	shalt  }
0x5a: {  	_ =	shalt  }
0x5b: {  	_ =	shalt  }
0x5c: {  	_ =	shalt  }
0x5d: {  	_ =	shalt  }
0x5e: {  	_ =	shalt  }
0x5f: {  	_ =	shalt  }
0x60: {  	_ =	shalt  }
0x61: {  	_ =	shalt  }
0x62: {  	_ =	shalt  }
0x63: {  	_ =	shalt  }
0x64: {  	_ =	shalt  }
0x65: {  	_ =	shalt  }
0x66: {  	_ =	shalt  }
0x67: {  	_ =	shalt  }
0x68: {  	_ =	shalt  }
0x69: {  	_ =	shalt  }
0x6a: {  	_ =	shalt  }
0x6b: {  	_ =	shalt  }
0x6c: {  	_ =	shalt  }
0x6d: {  	_ =	shalt  }
0x6e: {  	_ =	shalt  }
0x6f: {  	_ =	shalt  }
0x70: {  	_ =	shalt  }
0x71: {  	_ =	shalt  }
0x72: {  	_ =	shalt  }
0x73: {  	_ =	shalt  }
0x74: {  	_ =	shalt  }
0x75: {  	_ =	shalt  }
0x76: {  	_ =	shalt  }
0x77: {  	_ =	shalt  }
0x78: {  	_ =	shalt  }
0x79: {  	_ =	shalt  }
0x7a: {  	_ =	shalt  }
0x7b: {  	_ =	shalt  }
0x7c: {  	_ =	shalt  }
0x7d: {  	_ =	shalt  }
0x7e: {  	_ =	shalt  }
0x7f: {  	_ =	shalt  }
0x80: {  	_ =	shalt  }
0x81: {  	_ =	shalt  }
0x82: {  	_ =	shalt  }
0x83: {  	_ =	shalt  }
0x84: {  	_ =	shalt  }
0x85: {  	_ =	shalt  }
0x86: {  	_ =	shalt  }
0x87: {  	_ =	shalt  }
.Lfunc_end0:
.L_simem_size_0:
called_computation_lowered:
.L_overlay_start_0:
0x88: {  	s2 =	sld [smem:$0x3FD9]  }
0x89: {  	s3 =	sld [smem:$0x3FFE];
	_ =	sdelay $0x1  }
0x8a: {  	s1 =	srdreg.scid  }
0x8b: {  	s0 =	sand.u32 $0x1, s1  }
0x8c: {  	s17 =	sshll.u32 s0, $0xA;
	s2 =	sadd.s32 s3, s2  }
0x8d: {  	s2 =	sadd.s32 s2, s17  }
0x8e: {  	[smem:$0x3FC7] =	sst s2  }
0x8f: {  	_ = 	snop  }
0x90: {  	s2 =	sld [smem:$0x3FD0];
	(tm) =	ssettm $0x1  }
0x91: {  	s18 =	sld [smem:$0x3FFB];
	_ =	sdelay $0x3  }
0x92: {  	_ =	strace s18  }
0x93: {  	s3 =	sld [smem:$0x3FFC];
	_ =	sdelay $0x3  }
0x94: {  	_ =	strace s3  }
0x95: {  	s3 =	sld [smem:$0x3FFD];
	_ =	sdelay $0x3  }
0x96: {  	_ =	strace s3  }
0x97: {  	_ =	strace $0x8FFFFFFF  }
0x98: {  	s19 =	sld [smem:$0x3FDB];
	_ =	sdelay $0x1  }
0x99: {  	s4 =	simm.s32 $_scs_section_size  }
0x9a: {  	s5 =	simm.s32 $_size__tile_overlayer_lowered;
	s6 =	simm.s32 $_tile_overlayer_lowered  }
0x9b: {  	s22 =	simm.s32 $0x1BFF;
	s21 =	sshll.u32 s6, $0x1;
	s3 =	sadd.s32 s4, s19  }
0x9c: {  	s7 =	simm.s32 $0x0;
	s20 =	sshll.u32 s5, $0x1;
	s5 =	sadd.s32 s21, s3  }
0x9d: {  	[timem:s7], [sflag:s22] =	dma.local [hbm:s5], s20  }
0x9e: {  	_ =	swait.ge [sflag:s22], s20  }
0x9f: {  	s4 =	ssub.s32 $0x0, s20;
	[sflag:s22] =	ssyncset.done $0x0  }
0xa0: {  	[sflag:s22] =	ssyncadd.s32 s4;
	_ =	sdelay $0x1  }
0xa1: {  	s23 =	simm.s32 $0x1B8B  }
0xa2: {  	_ =	swait.ge [sflag:s23], $0x1  }
0xa3: {  	[sflag:s23] =	ssyncset.done $0x0  }
0xa4: {  	s25 =	simm.s32 $0x1B8E;
	s24 =	sld [smem:$0x3FFE];
	[sflag:s23] =	ssyncadd.s32 $0xFFFFFFFF  }
0xa5: {  	s26 =	simm.s32 $execute0_lowered;
	[smem:$0x3FD2] =	sst s25  }
0xa6: {  	s5 =	sshll.u32 s26, $0x1;
	_ =	strace $0x80000046;
	[dreg:$0x1] =	wrdreg $0xFFFFFFFF  }
0xa7: {  	s28 =	simm.s32 $_size_execute0_lowered;
	s3 =	sadd.s32 s3, s5;
	[dreg:$0x0] =	wrdreg $0x0  }
0xa8: {  	s5 =	sshll.u32 s28, $0x1;
	[dreg:$0x2] =	wrdreg s3  }
0xa9: {  	[dreg:$0x3] =	wrdreg s5  }
0xaa: {  	[dreg:$0x4] =	wrdreg $0xC0  }
0xab: {  	_ =	task [dreg:s7], $0x5FFFF  }
0xac: {  	[dreg:$0x1] =	wrdreg $0xFFFFFFFF  }
0xad: {  	[dreg:$0x0] =	wrdreg $0x60  }
0xae: {  	[dreg:$0x2] =	wrdreg s24  }
0xaf: {  	[dreg:$0x3] =	wrdreg s2  }
0xb0: {  	[dreg:$0x4] =	wrdreg $0x9  }
0xb1: {  	_ =	task.clear_ibuf [dreg:s7], $0x5FFFF;
	_ =	strace $0x90000046  }
0xb2: {  	s29 =	simm.s32 $0x9;
	_ =	strace $0x80000048  }
0xb3: {  	_ =	swait.ge [sflag:s29], $0x1  }
0xb4: {  	[sflag:s29] =	ssyncadd.s32 $0xFFFFFFFF  }
0xb5: {  	_ =	strace $0x90000048  }
0xb6: {  	_ =	sfence  }
0xb7: {  	s30 =	sld [smem:$0x0];
	_ =	sdelay $0x2  }
0xb8: {  	s31 =	sshll.u32 s1, $0xD;
	s1 =	sshrl.u32 s1, $0x2  }
0xb9: {  	s3 =	sand.u32 $0x4000, s31;
	s1 =	sadd.s32 s1, s30  }
0xba: {  	s0 =	sor.u32 s3, s0;
	s1 =	sshll.u32 s1, $0x11  }
0xbb: {  	s0 =	sor.u32 s1, s0  }
0xbc: {  	s0 =	sadd.s32 $0x8F2B, s0  }
0xbd: {  	[sflag:s0] =	ssyncadd.remote.s32 $0x1  }
0xbe: {  	_ =	sfence.sel $0xFFFF  }
0xbf: {  	[dreg:$0x0] =	wrdreg $0xFFFFFFFF;
	(pc) =	sbr.abs _section_cstart, $3  }
0xc0: {  	[dreg:$0x1] =	wrdreg $0xFFFFFFFF  }
0xc1: {  	_ =	task.clear_ibuf [dreg:s7], $0x2FFFF;
	_ =	strace $0x9FFFFFFF  }
0xc2: {  	(tm) =	ssettm $0x7FFFFFFF  }
0xc3: {  	_ =	shalt  }
tec
execute0_lowered:
.L_overlay_start_1:
0x0: {  	(tag) =	ssettag $0x1  }
0x1: {  	s1 =	srdreg.scid;
	s2 =	stileid.u32  }
0x2: {  	s0 =	rddreg [dreg:$0x0];
	s1 =	sand.u32 $0x1, s1;
	s2 =	sshll.u32 s2, $0x1  }
0x3: {  	s8 =	rddreg [dreg:$0x1];
	s6 =	ssub.s32 $0x2, s1;
	s1 =	sor.u32 s1, s2  }
0x4: {  	s3 =	simm.s32 $0x0;
	s4 =	sadd.s32 $0x400, s0;
	s7 =	sshll.u32 s1, $0x4  }
0x5: {  	[smem:$0x7FF] =	sst s3;
	s16 =	sadd.s32 s4, s7  }
0x6: {  	_ =	strace $0x80000047;
	s17 =	sadd.s32 $0x200, s16;
	[dreg:$0x3] =	wrdreg s16  }
0x7: {  	s18 =	sadd.s32 $0x400, s16;
	[dreg:$0x4] =	wrdreg s17  }
0x8: {  	s19 =	sadd.s32 $0x600, s16;
	[dreg:$0x5] =	wrdreg s18  }
0x9: {  	s20 =	sadd.s32 $0x800, s16;
	[dreg:$0x6] =	wrdreg s19  }
0xa: {  	s21 =	sadd.s32 $0xA00, s16;
	[dreg:$0x7] =	wrdreg s20  }
0xb: {  	s22 =	sadd.s32 $0xC00, s16;
	[dreg:$0x8] =	wrdreg s21  }
0xc: {  	s23 =	sadd.s32 $0xE00, s16;
	[dreg:$0x9] =	wrdreg s22  }
0xd: {  	s24 =	sadd.s32 $0x1000, s16;
	[dreg:$0xa] =	wrdreg s23  }
0xe: {  	s25 =	sadd.s32 $0x1200, s16;
	[dreg:$0xb] =	wrdreg s24  }
0xf: {  	s26 =	sadd.s32 $0x1400, s16;
	[dreg:$0xc] =	wrdreg s25  }
0x10: {  	s31 =	sadd.s32 $0x1600, s16;
	[dreg:$0xd] =	wrdreg s26  }
0x11: {  	s14 =	sshrl.u32 s6, $0x1;
	s7 =	sadd.s32 $0x1800, s16;
	[dreg:$0xe] =	wrdreg s31  }
0x12: {  	s15 =	ssub.s32 s6, s14;
	s9 =	sadd.s32 $0x1A00, s16;
	[dreg:$0xf] =	wrdreg s7  }
0x13: {  	s5 =	sadd.s32 $0x19400, s0;
	s0 =	smax.u32 s15, $0x1;
	[dreg:$0x10] =	wrdreg s9  }
0x14: {  	s14 =	sadd.s32 $0x1C00, s16;
	[dreg:$0x15] =	wrdreg s0  }
0x15: {  	s6 =	sshll.u32 s1, $0x7;
	s15 =	sadd.s32 $0x1E00, s16;
	[dreg:$0x16] =	wrdreg s14  }
0x16: {  	s10 =	sadd.s32 s6, s8;
	s16 =	sor.u32 $0x10000, s6;
	[dreg:$0x17] =	wrdreg s15  }
0x17: {  	s11 =	sadd.s32 $0x300000, s10;
	[dreg:$0x18] =	wrdreg s16  }
0x18: {  	s12 =	sadd.s32 $0x301000, s10;
	[dreg:$0x11] =	wrdreg s11  }
0x19: {  	s13 =	sadd.s32 $0x302000, s10;
	[dreg:$0x12] =	wrdreg s12  }
0x1a: {  	s1 =	sadd.s32 $0x303000, s10;
	[dreg:$0x13] =	wrdreg s13  }
0x1b: {  	v0 =	vimm.s32 $0x25B8;
	vm0 =	vcmask $0x300;
	v1 =	vimm.s32 $0x69B8;
	s17 =	sor.u32 $0x11000, s6;
	[dreg:$0x14] =	wrdreg s1  }
0x1c: {  	vm1 =	vcmask $0x704;
	v0 =	vsel vm0, $0x0, v0;
	v1 =	vsel vm0, $0x4400, v1;
	s18 =	sor.u32 $0x12000, s6;
	[dreg:$0x19] =	wrdreg s17  }
0x1d: {  	vm15 =	vcmask $0xB08;
	v0 =	vsel vm1, $0x88, v0;
	v1 =	vsel vm1, $0x4488, v1;
	s19 =	sor.u32 $0x13000, s6;
	[dreg:$0x1a] =	wrdreg s18  }
0x1e: {  	vm4 =	vcmask $0xF0C;
	v0 =	vsel vm15, $0x110, v0;
	v1 =	vsel vm15, $0x4510, v1;
	s20 =	sor.u32 $0x14000, s6;
	[dreg:$0x1b] =	wrdreg s19  }
0x1f: {  	vm5 =	vcmask $0x1310;
	v0 =	vsel vm4, $0x198, v0;
	v1 =	vsel vm4, $0x4598, v1;
	s21 =	sor.u32 $0x15000, s6;
	[dreg:$0x1c] =	wrdreg s20  }
0x20: {  	vm6 =	vcmask $0x1714;
	s29 =	simm.s32 $0x10800;
	v0 =	vsel vm5, $0x220, v0;
	v1 =	vsel vm5, $0x4620, v1;
	s22 =	sor.u32 $0x16000, s6;
	[dreg:$0x1d] =	wrdreg s21  }
0x21: {  	vm7 =	vcmask $0x1B18;
	s30 =	simm.s32 $0x4;
	s23 =	sor.u32 $0x17000, s6;
	v0 =	vsel vm6, $0x2A8, v0;
	v1 =	vsel vm6, $0x46A8, v1;
	[dreg:$0x1e] =	wrdreg s22  }
0x22: {  	vm8 =	vcmask $0x1F1C;
	s28 =	sadd.s32 $0x21000, s8;
	s24 =	sor.u32 $0x18000, s6;
	[dreg:$0x1f] =	wrdreg s23;
	v0 =	vsel vm7, $0x330, v0;
	v1 =	vsel vm7, $0x4730, v1  }
0x23: {  	vm9 =	vcmask $0x2320;
	s2 =	simm.s32 $0x1;
	s25 =	sor.u32 $0x19000, s6;
	[smem:$0x7FA] =	sst s24;
	v0 =	vsel vm8, $0x3B8, v0;
	v1 =	vsel vm8, $0x47B8, v1  }
0x24: {  	vm10 =	vcmask $0x2724;
	s26 =	sor.u32 $0x1A000, s6;
	s31 =	sor.u32 $0x1B000, s6;
	[smem:$0x7FB] =	sst s25;
	v0 =	vsel vm9, $0x2200, v0;
	v1 =	vsel vm9, $0x6600, v1  }
0x25: {  	vm11 =	vcmask $0x2B28;
	s15 =	sor.u32 $0x1C000, s6;
	s16 =	sor.u32 $0x1D000, s6;
	[smem:$0x7FC] =	sst s26;
	v0 =	vsel vm10, $0x2288, v0;
	v1 =	vsel vm10, $0x6688, v1  }
0x26: {  	vm12 =	vcmask $0x2F2C;
	s14 =	smov.u32 s6;
	s7 =	simm.s32 $0x5;
	[smem:$0x7FD] =	sst s31;
	v0 =	vsel vm11, $0x2310, v0;
	v1 =	vsel vm11, $0x6710, v1  }
0x27: {  	vm13 =	vcmask $0x3330;
	s17 =	sor.u32 $0x1E000, s6;
	s18 =	sor.u32 $0x1F000, s6;
	s19 =	sadd.s32 $0x1000, s8;
	v0 =	vsel vm12, $0x2398, v0;
	v1 =	vsel vm12, $0x6798, v1  }
0x28: {  	vm14 =	vcmask $0x3734;
	s20 =	sadd.s32 $0x2000, s8;
	s25 =	sadd.s32 $0x3000, s8;
	s26 =	sadd.s32 $0x20000, s8;
	v0 =	vsel vm13, $0x2420, v0;
	v1 =	vsel vm13, $0x6820, v1  }
0x29: {  	vm15 =	vcmask $0x3B38;
	s6 =	sadd.s32 $0x22000, s8;
	s21 =	sadd.s32 $0x23000, s8;
	s22 =	simm.s32 $0x400;
	v0 =	vsel vm14, $0x24A8, v0;
	v1 =	vsel vm14, $0x68A8, v1  }
0x2a: {  	s24 =	simm.s32 $0x2;
	s23 =	simm.s32 $0x3;
	s1 =	simm.s32 $0x0;
	v0 =	vsel vm15, $0x2530, v0;
	v1 =	vsel vm15, $0x6930, v1  }
.LBB2_1:
0x2b: {  	[smem:$0x7F9] =	sst s1  }
0x2c: {  	s0 =	rddreg [dreg:$0x3]  }
0x2d: {  	[tilespmem:s3], [sflag:$0x1] =	stream.linear.gather [hbm4b:s0+s3], $0x80, $0x38;
	[tilespmem:$0x19000] =	vst v63  }
0x2e: {  	s8 =	rddreg [dreg:$0x4];
	s9 =	simm.s32 $0x80  }
0x2f: {  	[tilespmem:s9], [sflag:$0x1] =	stream.linear.gather [hbm4b:s8+s3], $0x80, $0x38;
	[tilespmem:$0x19000] =	vst v63  }
0x30: {  	s10 =	rddreg [dreg:$0x5];
	s11 =	simm.s32 $0x100  }
0x31: {  	[tilespmem:s11], [sflag:$0x1] =	stream.linear.gather [hbm4b:s10+s3], $0x80, $0x38;
	[tilespmem:$0x19000] =	vst v63  }
0x32: {  	s12 =	rddreg [dreg:$0x6];
	s13 =	simm.s32 $0x180  }
0x33: {  	[tilespmem:s13], [sflag:$0x1] =	stream.linear.gather [hbm4b:s12+s3], $0x80, $0x38;
	[tilespmem:$0x19000] =	vst v63  }
0x34: {  	s8 =	rddreg [dreg:$0x7];
	s9 =	simm.s32 $0x200  }
0x35: {  	[tilespmem:s9], [sflag:$0x1] =	stream.linear.gather [hbm4b:s8+s3], $0x80, $0x38;
	[tilespmem:$0x19000] =	vst v63  }
0x36: {  	s10 =	rddreg [dreg:$0x8];
	s11 =	simm.s32 $0x280  }
0x37: {  	[tilespmem:s11], [sflag:$0x1] =	stream.linear.gather [hbm4b:s10+s3], $0x80, $0x38;
	[tilespmem:$0x19000] =	vst v63  }
0x38: {  	s12 =	rddreg [dreg:$0x9];
	s13 =	simm.s32 $0x300  }
0x39: {  	[tilespmem:s13], [sflag:$0x1] =	stream.linear.gather [hbm4b:s12+s3], $0x80, $0x38;
	[tilespmem:$0x19000] =	vst v63  }
0x3a: {  	s8 =	rddreg [dreg:$0xa];
	s9 =	simm.s32 $0x380  }
0x3b: {  	[tilespmem:s9], [sflag:$0x1] =	stream.linear.gather [hbm4b:s8+s3], $0x80, $0x38;
	[tilespmem:$0x19000] =	vst v63  }
0x3c: {  	_ =	swait.ge [sflag:s2], $0x400  }
0x3d: {  	[sflag:s2] =	ssyncset.done $0x0  }
0x3e: {  	s10 =	simm.s32 $0x800;
	[sflag:s2] =	ssyncadd.s32 $0xFFFFFC00  }
0x3f: {  	[tilespmem:s10], [sflag:$0x3] =	stream.indirect.gather [hbm4b:s5+s22], $0x20, s3, s22, $0xb8;
	[tilespmem:$0x19000] =	vst v63  }
0x40: {  	s11 =	rddreg [dreg:$0xb]  }
0x41: {  	[tilespmem:s22], [sflag:$0x2] =	stream.linear.gather [hbm4b:s11+s3], $0x80, $0x38;
	[tilespmem:$0x19000] =	vst v63  }
0x42: {  	s13 =	simm.s32 $0x480;
	s12 =	rddreg [dreg:$0xc]  }
0x43: {  	[tilespmem:s13], [sflag:$0x2] =	stream.linear.gather [hbm4b:s12+s3], $0x80, $0x38;
	[tilespmem:$0x19000] =	vst v63  }
0x44: {  	s9 =	simm.s32 $0x500;
	s8 =	rddreg [dreg:$0xd]  }
0x45: {  	[tilespmem:s9], [sflag:$0x2] =	stream.linear.gather [hbm4b:s8+s3], $0x80, $0x38;
	[tilespmem:$0x19000] =	vst v63  }
0x46: {  	s10 =	rddreg [dreg:$0xe];
	s11 =	simm.s32 $0x580  }
0x47: {  	[tilespmem:s11], [sflag:$0x2] =	stream.linear.gather [hbm4b:s10+s3], $0x80, $0x38;
	[tilespmem:$0x19000] =	vst v63  }
0x48: {  	s12 =	rddreg [dreg:$0xf];
	s13 =	simm.s32 $0x600  }
0x49: {  	[tilespmem:s13], [sflag:$0x2] =	stream.linear.gather [hbm4b:s12+s3], $0x80, $0x38;
	[tilespmem:$0x19000] =	vst v63  }
0x4a: {  	s8 =	rddreg [dreg:$0x10];
	s9 =	simm.s32 $0x680  }
0x4b: {  	[tilespmem:s9], [sflag:$0x2] =	stream.linear.gather [hbm4b:s8+s3], $0x80, $0x38;
	[tilespmem:$0x19000] =	vst v63  }
0x4c: {  	s10 =	rddreg [dreg:$0x16];
	s11 =	simm.s32 $0x700  }
0x4d: {  	[tilespmem:s11], [sflag:$0x2] =	stream.linear.gather [hbm4b:s10+s3], $0x80, $0x38;
	[tilespmem:$0x19000] =	vst v63  }
0x4e: {  	s31 =	simm.s32 $0x0;
	s12 =	rddreg [dreg:$0x17];
	s13 =	simm.s32 $0x780  }
0x4f: {  	[tilespmem:s13], [sflag:$0x2] =	stream.linear.gather [hbm4b:s12+s3], $0x80, $0x38;
	[tilespmem:$0x19000] =	vst v63  }
.LBB2_2:
0x50: {  	_ =	swait.ge [sflag:s24], $0x400  }
0x51: {  	[sflag:s24] =	ssyncset.done $0x0  }
0x52: {  	[sflag:s24] =	ssyncadd.s32 $0xFFFFFC00  }
0x53: {  	_ =	swait.ge [sflag:s23], $0x8000  }
0x54: {  	s1 =	sshll.u32 s31, $0x10;
	s0 =	rddreg [dreg:$0x18]  }
0x55: {  	s0 =	sadd.s32 s0, s1  }
0x56: {  	[sflag:s23] =	ssyncset.done $0x0;
	s0 =	sshrl.u32 s0, $0x3  }
0x57: {  	s9 =	rddreg [dreg:$0x19];
	[sflag:s23] =	ssyncadd.s32 $0xFFFF8000;
	s0 =	sadd.s32 s4, s0  }
0x58: {  	[tilespmem:s3], [sflag:$0x1] =	stream.linear.gather [hbm4b:s0+s3], $0x80, $0x38;
	[tilespmem:$0x19000] =	vst v63  }
0x59: {  	s0 =	sadd.s32 s9, s1  }
0x5a: {  	s0 =	sshrl.u32 s0, $0x3  }
0x5b: {  	s8 =	simm.s32 $0x80;
	s10 =	rddreg [dreg:$0x1a];
	s0 =	sadd.s32 s4, s0  }
0x5c: {  	[tilespmem:s8], [sflag:$0x1] =	stream.linear.gather [hbm4b:s0+s3], $0x80, $0x38;
	[tilespmem:$0x19000] =	vst v63  }
0x5d: {  	s0 =	sadd.s32 s10, s1  }
0x5e: {  	s0 =	sshrl.u32 s0, $0x3  }
0x5f: {  	s11 =	simm.s32 $0x100;
	s12 =	rddreg [dreg:$0x1b];
	s0 =	sadd.s32 s4, s0  }
0x60: {  	[tilespmem:s11], [sflag:$0x1] =	stream.linear.gather [hbm4b:s0+s3], $0x80, $0x38;
	[tilespmem:$0x19000] =	vst v63  }
0x61: {  	s0 =	sadd.s32 s12, s1  }
0x62: {  	s0 =	sshrl.u32 s0, $0x3  }
0x63: {  	s13 =	simm.s32 $0x180;
	s8 =	rddreg [dreg:$0x1c];
	s0 =	sadd.s32 s4, s0  }
0x64: {  	[tilespmem:s13], [sflag:$0x1] =	stream.linear.gather [hbm4b:s0+s3], $0x80, $0x38;
	[tilespmem:$0x19000] =	vst v63  }
0x65: {  	s0 =	sadd.s32 s8, s1  }
0x66: {  	s0 =	sshrl.u32 s0, $0x3  }
0x67: {  	s9 =	simm.s32 $0x200;
	s10 =	rddreg [dreg:$0x1d];
	s0 =	sadd.s32 s4, s0  }
0x68: {  	[tilespmem:s9], [sflag:$0x1] =	stream.linear.gather [hbm4b:s0+s3], $0x80, $0x38;
	[tilespmem:$0x19000] =	vst v63  }
0x69: {  	s0 =	sadd.s32 s10, s1  }
0x6a: {  	s0 =	sshrl.u32 s0, $0x3  }
0x6b: {  	s11 =	simm.s32 $0x280;
	s12 =	rddreg [dreg:$0x1e];
	s0 =	sadd.s32 s4, s0  }
0x6c: {  	[tilespmem:s11], [sflag:$0x1] =	stream.linear.gather [hbm4b:s0+s3], $0x80, $0x38;
	[tilespmem:$0x19000] =	vst v63  }
0x6d: {  	s0 =	sadd.s32 s12, s1  }
0x6e: {  	s0 =	sshrl.u32 s0, $0x3  }
0x6f: {  	s13 =	simm.s32 $0x300;
	s9 =	rddreg [dreg:$0x1f];
	s0 =	sadd.s32 s4, s0  }
0x70: {  	[tilespmem:s13], [sflag:$0x1] =	stream.linear.gather [hbm4b:s0+s3], $0x80, $0x38;
	[tilespmem:$0x19000] =	vst v63  }
0x71: {  	s0 =	sadd.s32 s9, s1  }
0x72: {  	s0 =	sshrl.u32 s0, $0x3  }
0x73: {  	p0 =	seq.s32 s31, $0x0;
	s10 =	simm.s32 $0x380;
	s0 =	sadd.s32 s4, s0  }
0x74: {  	[tilespmem:s10], [sflag:$0x1] =	stream.linear.gather [hbm4b:s0+s3], $0x80, $0x38;
	[tilespmem:$0x19000] =	vst v63  }
0x75: {  	s11 =	simm.s32 $0x8800;
	s0 =	simm.s32 @!p0 $0x5  }
0x76: {  	[tilespmem:s11], [sflag:$0x4] =	stream.indirect.gather [hbm4b:s5+s22], $0x20, s22, s22, $0xb8;
	[tilespmem:$0x19000] =	vst v63  }
0x77: {  	_ =	swait.ge @!p0 [sflag:s0], $0x2000  }
0x78: {  	[sflag:s0] =	ssyncset.done @!p0 $0x0  }
0x79: {  	[sflag:s0] =	ssyncadd.s32 @!p0 $0xFFFFE000  }
0x7a: {  	_ =	swait.ge @!p0 [sflag:s0], $0x2000  }
0x7b: {  	[sflag:s0] =	ssyncset.done @!p0 $0x0  }
0x7c: {  	[sflag:s0] =	ssyncadd.s32 @!p0 $0xFFFFE000  }
0x7d: {  	s12 =	simm.s32 $0x0;
	_ =	swait.ge @!p0 [sflag:s0], $0x2000  }
0x7e: {  	v2 =	vmov s12;
	[sflag:s0] =	ssyncset.done @!p0 $0x0  }
0x7f: {  	v2 =	vmul.u32 $0x440, v2;
	[sflag:s0] =	ssyncadd.s32 @!p0 $0xFFFFE000  }
0x80: {  	s13 =	simm.s32 $0x0;
	_ =	swait.ge @!p0 [sflag:s0], $0x2000  }
0x81: {  	v3 =	vmov s13;
	v2 =	vbroadcast v2, $0x0;
	[sflag:s0] =	ssyncset.done @!p0 $0x0  }
0x82: {  	s9 =	simm.s32 $0x810;
	v4 =	vand.u32 $0x78, v3;
	[sflag:s0] =	ssyncadd.s32 @!p0 $0xFFFFE000  }
0x83: {  	v3 =	vand.u32 $0x7, v3;
	s10 =	simm.s32 $0x0;
	v2 =	vadd.s32 v2, v4;
	v5 =	vld [tilespmem:s9+$0xFFFFFFF0]  }
0x84: {  	v4 =	vmov s10;
	v3 =	vor.u32 v3, v2  }
0x85: {  	v2 =	vmul.u32 $0x440, v4;
	v4 =	vadd.s32 v0, v3  }
0x86: {  	s11 =	simm.s32 $0x1  }
0x87: {  	v6 =	vmov s11;
	v2 =	vbroadcast v2, $0x0;
	s0 =	simm.s32 $0x830  }
0x88: {  	v7 =	vand.u32 $0x78, v6;
	v8 =	vld [tilespmem:s0+$0xFFFFFFF0];
	v5 =	vmul.f32 $5.656854150e+00, v5  }
0x89: {  	s12 =	simm.s32 $0x0;
	v6 =	vand.u32 $0x7, v6;
	v2 =	vadd.s32 v2, v7  }
0x8a: {  	v9 =	vmov s12;
	v2 =	vor.u32 v6, v2;
	[tilespmem:v4+s29+$0x0] =	vst.idx.msk $0xffff, v5  }
0x8b: {  	s13 =	simm.s32 $0x2;
	v7 =	vmul.u32 $0x440, v9;
	v5 =	vadd.s32 v0, v2;
	v4 =	vld [tilespmem:s9+$0x0]  }
0x8c: {  	v3 =	vadd.s32 v1, v3;
	v6 =	vmov s13  }
0x8d: {  	s8 =	sshll.u32 s31, $0x12;
	s10 =	simm.s32 $0x3;
	v7 =	vbroadcast v7, $0x0;
	v9 =	vand.u32 $0x78, v6;
	v8 =	vmul.f32 $5.656854150e+00, v8;
	s9 =	simm.s32 $0x850  }
.LBB2_3:
0x8e: {  	s11 =	sshrl.u32 s10, $0x7  }
0x8f: {  	p0 =	sne.s32 s10, $0x3FF;
	v10 =	vld [tilespmem:s9+$0xFFFFFFF0];
	v6 =	vand.u32 $0x7, v6;
	v7 =	vadd.s32 v7, v9;
	s12 =	smov.u32 s10;
	s10 =	sadd.s32 $0x1, s10  }
.Ltmp0:
0x90: {  	v9 =	vmov s11;
	v11 =	vor.u32 v6, v7;
	[tilespmem:v5+s29+$0x0] =	vst.idx.msk $0xffff, v8;
	v6 =	vmul.f32 $5.656854150e+00, v4;
	(pc) =	sbr.rel @p0 .LBB2_3-.Ltmp0, $4  }
0x91: {  	v7 =	vmul.u32 $0x440, v9;
	v5 =	vadd.s32 v0, v11;
	v4 =	vld [tilespmem:s0+$0x0];
	s0 =	smov.u32 s9  }
0x92: {  	[tilespmem:v3+s29+$0x0] =	vst.idx.msk $0xffff, v6  }
0x93: {  	v6 =	vmov s12;
	v3 =	vadd.s32 v1, v2;
	v2 =	vmovc v11;
	v7 =	vbroadcast v7, $0x0  }
0x94: {  	s9 =	sadd.s32 $0x20, s9;
	v9 =	vand.u32 $0x78, v6;
	v8 =	vmul.f32 $5.656854150e+00, v10  }
0x95: {  	v10 =	vld [tilespmem:s9+$0xFFFFFFF0];
	v6 =	vand.u32 $0x7, v6;
	v7 =	vadd.s32 v7, v9  }
0x96: {  	v6 =	vor.u32 v6, v7  }
0x97: {  	v7 =	vadd.s32 v0, v6;
	_ =	sdelay $0x2  }
0x98: {  	v63 =	vmul.f32 $5.656854150e+00, v10  }
0x99: {  	[tilespmem:v5+s29+$0x0] =	vst.idx.msk $0xffff, v8  }
0x9a: {  	v5 =	vld [tilespmem:s0+$0x0];
	[tilespmem:v7+s29+$0x0] =	vst.idx.msk $0xffff, v63  }
0x9b: {  	v7 =	vld [tilespmem:s9+$0x0]  }
0x9c: {  	v2 =	vadd.s32 v1, v2  }
0x9d: {  	v6 =	vadd.s32 v1, v6  }
0x9e: {  	v4 =	vmul.f32 $5.656854150e+00, v4  }
0x9f: {  	v5 =	vmul.f32 $5.656854150e+00, v5  }
0xa0: {  	[tilespmem:v3+s29+$0x0] =	vst.idx.msk $0xffff, v4;
	v3 =	vmul.f32 $5.656854150e+00, v7  }
0xa1: {  	s0 =	sor.u32 s14, s8;
	s9 =	rddreg [dreg:$0x1];
	[tilespmem:v2+s29+$0x0] =	vst.idx.msk $0xffff, v5  }
0xa2: {  	s10 =	simm.s32 $0x10800;
	s9 =	sadd.s32 s9, s0;
	[tilespmem:v6+s29+$0x0] =	vst.idx.msk $0xffff, v3  }
0xa3: {  	[hbm4b:s9+s3] =	stream.linear.scatter [tilespmem:s10], [sflag:$0x5], $0x80, $0x38;
	[tilespmem:$0x19000] =	vst v63  }
0xa4: {  	s11 =	simm.s32 $0x10888;
	s10 =	sadd.s32 $0x10, s9  }
0xa5: {  	[hbm4b:s10+s3] =	stream.linear.scatter [tilespmem:s11], [sflag:$0x5], $0x80, $0x38;
	[tilespmem:$0x19000] =	vst v63  }
0xa6: {  	s12 =	simm.s32 $0x10910;
	s13 =	sadd.s32 $0x20, s9  }
0xa7: {  	[hbm4b:s13+s3] =	stream.linear.scatter [tilespmem:s12], [sflag:$0x5], $0x80, $0x38;
	[tilespmem:$0x19000] =	vst v63  }
0xa8: {  	s10 =	simm.s32 $0x10998;
	s11 =	sadd.s32 $0x30, s9  }
0xa9: {  	[hbm4b:s11+s3] =	stream.linear.scatter [tilespmem:s10], [sflag:$0x5], $0x80, $0x38;
	[tilespmem:$0x19000] =	vst v63  }
0xaa: {  	s12 =	simm.s32 $0x10A20;
	s13 =	sadd.s32 $0x40, s9  }
0xab: {  	[hbm4b:s13+s3] =	stream.linear.scatter [tilespmem:s12], [sflag:$0x5], $0x80, $0x38;
	[tilespmem:$0x19000] =	vst v63  }
0xac: {  	s8 =	simm.s32 $0x440;
	s10 =	simm.s32 $0x10AA8;
	s11 =	sadd.s32 $0x50, s9  }
0xad: {  	[hbm4b:s11+s3] =	stream.linear.scatter [tilespmem:s10], [sflag:$0x5], $0x80, $0x38;
	[tilespmem:$0x19000] =	vst v63  }
0xae: {  	s12 =	simm.s32 $0x10B30;
	s13 =	sadd.s32 $0x60, s9;
	s10 =	simm.s32 $0x2200  }
0xaf: {  	[hbm4b:s13+s3] =	stream.linear.scatter [tilespmem:s12], [sflag:$0x5], $0x80, $0x38;
	[tilespmem:$0x19000] =	vst v63  }
0xb0: {  	s11 =	simm.s32 $0x10BB8;
	s12 =	sadd.s32 $0x70, s9;
	s9 =	sadd.s32 $0x4000, s9  }
.LBB2_5:
0xb1: {  	[hbm4b:s12+s3] =	stream.linear.scatter [tilespmem:s11], [sflag:$0x5], $0x80, $0x38;
	[tilespmem:$0x19000] =	vst v63  }
0xb2: {  	s11 =	smov.u32 s8;
	s8 =	smov.u32 s10  }
0xb3: {  	s13 =	sadd.s32 $0x1100, s10;
	s8 =	sshra.s32 s8, $0x2;
	s12 =	sadd.s32 $0x10800, s11  }
0xb4: {  	[hbm4b:s9+s3] =	stream.linear.scatter [tilespmem:s12], [sflag:$0x5], $0x80, $0x38;
	[tilespmem:$0x19000] =	vst v63  }
0xb5: {  	p0 =	sne.s32 s10, $0x7700;
	s10 =	sadd.s32 $0x10888, s11;
	s12 =	sadd.s32 $0x10, s9  }
0xb6: {  	[hbm4b:s12+s3] =	stream.linear.scatter [tilespmem:s10], [sflag:$0x5], $0x80, $0x38;
	[tilespmem:$0x19000] =	vst v63  }
0xb7: {  	s10 =	sadd.s32 $0x10910, s11;
	s12 =	sadd.s32 $0x20, s9  }
0xb8: {  	[hbm4b:s12+s3] =	stream.linear.scatter [tilespmem:s10], [sflag:$0x5], $0x80, $0x38;
	[tilespmem:$0x19000] =	vst v63  }
0xb9: {  	s10 =	sadd.s32 $0x10998, s11;
	s12 =	sadd.s32 $0x30, s9  }
0xba: {  	[hbm4b:s12+s3] =	stream.linear.scatter [tilespmem:s10], [sflag:$0x5], $0x80, $0x38;
	[tilespmem:$0x19000] =	vst v63  }
0xbb: {  	s10 =	sadd.s32 $0x10A20, s11;
	s12 =	sadd.s32 $0x40, s9  }
0xbc: {  	[hbm4b:s12+s3] =	stream.linear.scatter [tilespmem:s10], [sflag:$0x5], $0x80, $0x38;
	[tilespmem:$0x19000] =	vst v63  }
.Ltmp1:
0xbd: {  	s10 =	sadd.s32 $0x10AA8, s11;
	s12 =	sadd.s32 $0x50, s9;
	(pc) =	sbr.rel @p0 .LBB2_5-.Ltmp1, $4  }
0xbe: {  	[hbm4b:s12+s3] =	stream.linear.scatter [tilespmem:s10], [sflag:$0x5], $0x80, $0x38;
	[tilespmem:$0x19000] =	vst v63  }
0xbf: {  	s10 =	sadd.s32 $0x10B30, s11;
	s12 =	sadd.s32 $0x60, s9;
	s11 =	sadd.s32 $0x10BB8, s11  }
0xc0: {  	[hbm4b:s12+s3] =	stream.linear.scatter [tilespmem:s10], [sflag:$0x5], $0x80, $0x38;
	[tilespmem:$0x19000] =	vst v63  }
0xc1: {  	s12 =	sadd.s32 $0x70, s9;
	s9 =	sadd.s32 $0x4000, s9;
	s10 =	smov.u32 s13  }
0xc2: {  	[hbm4b:s12+s3] =	stream.linear.scatter [tilespmem:s11], [sflag:$0x5], $0x80, $0x38;
	[tilespmem:$0x19000] =	vst v63  }
0xc3: {  	s10 =	sadd.s32 $0x10800, s8  }
0xc4: {  	[hbm4b:s9+s3] =	stream.linear.scatter [tilespmem:s10], [sflag:$0x5], $0x80, $0x38;
	[tilespmem:$0x19000] =	vst v63  }
0xc5: {  	s12 =	sadd.s32 $0x10888, s8;
	s13 =	sadd.s32 $0x10, s9  }
0xc6: {  	[hbm4b:s13+s3] =	stream.linear.scatter [tilespmem:s12], [sflag:$0x5], $0x80, $0x38;
	[tilespmem:$0x19000] =	vst v63  }
0xc7: {  	s12 =	sadd.s32 $0x10910, s8;
	s13 =	sadd.s32 $0x20, s9  }
0xc8: {  	[hbm4b:s13+s3] =	stream.linear.scatter [tilespmem:s12], [sflag:$0x5], $0x80, $0x38;
	[tilespmem:$0x19000] =	vst v63  }
0xc9: {  	s12 =	sadd.s32 $0x10998, s8;
	s13 =	sadd.s32 $0x30, s9  }
0xca: {  	[hbm4b:s13+s3] =	stream.linear.scatter [tilespmem:s12], [sflag:$0x5], $0x80, $0x38;
	[tilespmem:$0x19000] =	vst v63  }
0xcb: {  	s12 =	sadd.s32 $0x10A20, s8;
	s13 =	sadd.s32 $0x40, s9  }
0xcc: {  	[hbm4b:s13+s3] =	stream.linear.scatter [tilespmem:s12], [sflag:$0x5], $0x80, $0x38;
	[tilespmem:$0x19000] =	vst v63  }
0xcd: {  	s12 =	sadd.s32 $0x10AA8, s8;
	s13 =	sadd.s32 $0x50, s9  }
0xce: {  	[hbm4b:s13+s3] =	stream.linear.scatter [tilespmem:s12], [sflag:$0x5], $0x80, $0x38;
	[tilespmem:$0x19000] =	vst v63  }
0xcf: {  	s12 =	sadd.s32 $0x10B30, s8;
	s13 =	sadd.s32 $0x60, s9  }
0xd0: {  	[hbm4b:s13+s3] =	stream.linear.scatter [tilespmem:s12], [sflag:$0x5], $0x80, $0x38;
	[tilespmem:$0x19000] =	vst v63  }
0xd1: {  	s11 =	sadd.s32 $0x10BB8, s8;
	s12 =	sadd.s32 $0x70, s9  }
0xd2: {  	[hbm4b:s12+s3] =	stream.linear.scatter [tilespmem:s11], [sflag:$0x5], $0x80, $0x38;
	[tilespmem:$0x19000] =	vst v63  }
0xd3: {  	s9 =	sadd.s32 s0, s19;
	s13 =	simm.s32 $0x12A00  }
0xd4: {  	[hbm4b:s9+s3] =	stream.linear.scatter [tilespmem:s13], [sflag:$0x5], $0x80, $0x38;
	[tilespmem:$0x19000] =	vst v63  }
0xd5: {  	s10 =	simm.s32 $0x12A88;
	s11 =	sadd.s32 $0x10, s9  }
0xd6: {  	[hbm4b:s11+s3] =	stream.linear.scatter [tilespmem:s10], [sflag:$0x5], $0x80, $0x38;
	[tilespmem:$0x19000] =	vst v63  }
0xd7: {  	s12 =	simm.s32 $0x12B10;
	s13 =	sadd.s32 $0x20, s9  }
0xd8: {  	[hbm4b:s13+s3] =	stream.linear.scatter [tilespmem:s12], [sflag:$0x5], $0x80, $0x38;
	[tilespmem:$0x19000] =	vst v63  }
0xd9: {  	s10 =	simm.s32 $0x12B98;
	s11 =	sadd.s32 $0x30, s9  }
0xda: {  	[hbm4b:s11+s3] =	stream.linear.scatter [tilespmem:s10], [sflag:$0x5], $0x80, $0x38;
	[tilespmem:$0x19000] =	vst v63  }
0xdb: {  	s12 =	simm.s32 $0x12C20;
	s13 =	sadd.s32 $0x40, s9  }
0xdc: {  	[hbm4b:s13+s3] =	stream.linear.scatter [tilespmem:s12], [sflag:$0x5], $0x80, $0x38;
	[tilespmem:$0x19000] =	vst v63  }
0xdd: {  	s8 =	simm.s32 $0x440;
	s10 =	simm.s32 $0x12CA8;
	s11 =	sadd.s32 $0x50, s9  }
0xde: {  	[hbm4b:s11+s3] =	stream.linear.scatter [tilespmem:s10], [sflag:$0x5], $0x80, $0x38;
	[tilespmem:$0x19000] =	vst v63  }
0xdf: {  	s12 =	simm.s32 $0x12D30;
	s13 =	sadd.s32 $0x60, s9;
	s10 =	simm.s32 $0x2200  }
0xe0: {  	[hbm4b:s13+s3] =	stream.linear.scatter [tilespmem:s12], [sflag:$0x5], $0x80, $0x38;
	[tilespmem:$0x19000] =	vst v63  }
0xe1: {  	s11 =	simm.s32 $0x12DB8;
	s12 =	sadd.s32 $0x70, s9;
	s9 =	sadd.s32 $0x4000, s9  }
.LBB2_7:
0xe2: {  	[hbm4b:s12+s3] =	stream.linear.scatter [tilespmem:s11], [sflag:$0x5], $0x80, $0x38;
	[tilespmem:$0x19000] =	vst v63  }
0xe3: {  	s11 =	smov.u32 s8;
	s8 =	smov.u32 s10  }
0xe4: {  	s13 =	sadd.s32 $0x1100, s10;
	s8 =	sshra.s32 s8, $0x2;
	s12 =	sadd.s32 $0x12A00, s11  }
0xe5: {  	[hbm4b:s9+s3] =	stream.linear.scatter [tilespmem:s12], [sflag:$0x5], $0x80, $0x38;
	[tilespmem:$0x19000] =	vst v63  }
0xe6: {  	p0 =	sne.s32 s10, $0x7700;
	s10 =	sadd.s32 $0x12A88, s11;
	s12 =	sadd.s32 $0x10, s9  }
0xe7: {  	[hbm4b:s12+s3] =	stream.linear.scatter [tilespmem:s10], [sflag:$0x5], $0x80, $0x38;
	[tilespmem:$0x19000] =	vst v63  }
0xe8: {  	s10 =	sadd.s32 $0x12B10, s11;
	s12 =	sadd.s32 $0x20, s9  }
0xe9: {  	[hbm4b:s12+s3] =	stream.linear.scatter [tilespmem:s10], [sflag:$0x5], $0x80, $0x38;
	[tilespmem:$0x19000] =	vst v63  }
0xea: {  	s10 =	sadd.s32 $0x12B98, s11;
	s12 =	sadd.s32 $0x30, s9  }
0xeb: {  	[hbm4b:s12+s3] =	stream.linear.scatter [tilespmem:s10], [sflag:$0x5], $0x80, $0x38;
	[tilespmem:$0x19000] =	vst v63  }
0xec: {  	s10 =	sadd.s32 $0x12C20, s11;
	s12 =	sadd.s32 $0x40, s9  }
0xed: {  	[hbm4b:s12+s3] =	stream.linear.scatter [tilespmem:s10], [sflag:$0x5], $0x80, $0x38;
	[tilespmem:$0x19000] =	vst v63  }
.Ltmp2:
0xee: {  	s10 =	sadd.s32 $0x12CA8, s11;
	s12 =	sadd.s32 $0x50, s9;
	(pc) =	sbr.rel @p0 .LBB2_7-.Ltmp2, $4  }
0xef: {  	[hbm4b:s12+s3] =	stream.linear.scatter [tilespmem:s10], [sflag:$0x5], $0x80, $0x38;
	[tilespmem:$0x19000] =	vst v63  }
0xf0: {  	s10 =	sadd.s32 $0x12D30, s11;
	s12 =	sadd.s32 $0x60, s9;
	s11 =	sadd.s32 $0x12DB8, s11  }
0xf1: {  	[hbm4b:s12+s3] =	stream.linear.scatter [tilespmem:s10], [sflag:$0x5], $0x80, $0x38;
	[tilespmem:$0x19000] =	vst v63  }
0xf2: {  	s12 =	sadd.s32 $0x70, s9;
	s9 =	sadd.s32 $0x4000, s9;
	s10 =	smov.u32 s13  }
0xf3: {  	[hbm4b:s12+s3] =	stream.linear.scatter [tilespmem:s11], [sflag:$0x5], $0x80, $0x38;
	[tilespmem:$0x19000] =	vst v63  }
0xf4: {  	s10 =	sadd.s32 $0x12A00, s8  }
0xf5: {  	[hbm4b:s9+s3] =	stream.linear.scatter [tilespmem:s10], [sflag:$0x5], $0x80, $0x38;
	[tilespmem:$0x19000] =	vst v63  }
0xf6: {  	s12 =	sadd.s32 $0x12A88, s8;
	s13 =	sadd.s32 $0x10, s9  }
0xf7: {  	[hbm4b:s13+s3] =	stream.linear.scatter [tilespmem:s12], [sflag:$0x5], $0x80, $0x38;
	[tilespmem:$0x19000] =	vst v63  }
0xf8: {  	s12 =	sadd.s32 $0x12B10, s8;
	s13 =	sadd.s32 $0x20, s9  }
0xf9: {  	[hbm4b:s13+s3] =	stream.linear.scatter [tilespmem:s12], [sflag:$0x5], $0x80, $0x38;
	[tilespmem:$0x19000] =	vst v63  }
0xfa: {  	s12 =	sadd.s32 $0x12B98, s8;
	s13 =	sadd.s32 $0x30, s9  }
0xfb: {  	[hbm4b:s13+s3] =	stream.linear.scatter [tilespmem:s12], [sflag:$0x5], $0x80, $0x38;
	[tilespmem:$0x19000] =	vst v63  }
0xfc: {  	s12 =	sadd.s32 $0x12C20, s8;
	s13 =	sadd.s32 $0x40, s9  }
0xfd: {  	[hbm4b:s13+s3] =	stream.linear.scatter [tilespmem:s12], [sflag:$0x5], $0x80, $0x38;
	[tilespmem:$0x19000] =	vst v63  }
0xfe: {  	s12 =	sadd.s32 $0x12CA8, s8;
	s13 =	sadd.s32 $0x50, s9  }
0xff: {  	[hbm4b:s13+s3] =	stream.linear.scatter [tilespmem:s12], [sflag:$0x5], $0x80, $0x38;
	[tilespmem:$0x19000] =	vst v63  }
0x100: {  	s12 =	sadd.s32 $0x12D30, s8;
	s13 =	sadd.s32 $0x60, s9  }
0x101: {  	[hbm4b:s13+s3] =	stream.linear.scatter [tilespmem:s12], [sflag:$0x5], $0x80, $0x38;
	[tilespmem:$0x19000] =	vst v63  }
0x102: {  	s11 =	sadd.s32 $0x12DB8, s8;
	s12 =	sadd.s32 $0x70, s9  }
0x103: {  	[hbm4b:s12+s3] =	stream.linear.scatter [tilespmem:s11], [sflag:$0x5], $0x80, $0x38;
	[tilespmem:$0x19000] =	vst v63  }
0x104: {  	s9 =	sadd.s32 s0, s20;
	s13 =	simm.s32 $0x14C00  }
0x105: {  	[hbm4b:s9+s3] =	stream.linear.scatter [tilespmem:s13], [sflag:$0x5], $0x80, $0x38;
	[tilespmem:$0x19000] =	vst v63  }
0x106: {  	s10 =	simm.s32 $0x14C88;
	s11 =	sadd.s32 $0x10, s9  }
0x107: {  	[hbm4b:s11+s3] =	stream.linear.scatter [tilespmem:s10], [sflag:$0x5], $0x80, $0x38;
	[tilespmem:$0x19000] =	vst v63  }
0x108: {  	s12 =	simm.s32 $0x14D10;
	s13 =	sadd.s32 $0x20, s9  }
0x109: {  	[hbm4b:s13+s3] =	stream.linear.scatter [tilespmem:s12], [sflag:$0x5], $0x80, $0x38;
	[tilespmem:$0x19000] =	vst v63  }
0x10a: {  	s10 =	simm.s32 $0x14D98;
	s11 =	sadd.s32 $0x30, s9  }
0x10b: {  	[hbm4b:s11+s3] =	stream.linear.scatter [tilespmem:s10], [sflag:$0x5], $0x80, $0x38;
	[tilespmem:$0x19000] =	vst v63  }
0x10c: {  	s12 =	simm.s32 $0x14E20;
	s13 =	sadd.s32 $0x40, s9  }
0x10d: {  	[hbm4b:s13+s3] =	stream.linear.scatter [tilespmem:s12], [sflag:$0x5], $0x80, $0x38;
	[tilespmem:$0x19000] =	vst v63  }
0x10e: {  	s8 =	simm.s32 $0x440;
	s10 =	simm.s32 $0x14EA8;
	s11 =	sadd.s32 $0x50, s9  }
0x10f: {  	[hbm4b:s11+s3] =	stream.linear.scatter [tilespmem:s10], [sflag:$0x5], $0x80, $0x38;
	[tilespmem:$0x19000] =	vst v63  }
0x110: {  	s12 =	simm.s32 $0x14F30;
	s13 =	sadd.s32 $0x60, s9;
	s10 =	simm.s32 $0x2200  }
0x111: {  	[hbm4b:s13+s3] =	stream.linear.scatter [tilespmem:s12], [sflag:$0x5], $0x80, $0x38;
	[tilespmem:$0x19000] =	vst v63  }
0x112: {  	s11 =	simm.s32 $0x14FB8;
	s12 =	sadd.s32 $0x70, s9;
	s9 =	sadd.s32 $0x4000, s9  }
.LBB2_9:
0x113: {  	[hbm4b:s12+s3] =	stream.linear.scatter [tilespmem:s11], [sflag:$0x5], $0x80, $0x38;
	[tilespmem:$0x19000] =	vst v63  }
0x114: {  	s11 =	smov.u32 s8;
	s8 =	smov.u32 s10  }
0x115: {  	s13 =	sadd.s32 $0x1100, s10;
	s8 =	sshra.s32 s8, $0x2;
	s12 =	sadd.s32 $0x14C00, s11  }
0x116: {  	[hbm4b:s9+s3] =	stream.linear.scatter [tilespmem:s12], [sflag:$0x5], $0x80, $0x38;
	[tilespmem:$0x19000] =	vst v63  }
0x117: {  	p0 =	sne.s32 s10, $0x7700;
	s10 =	sadd.s32 $0x14C88, s11;
	s12 =	sadd.s32 $0x10, s9  }
0x118: {  	[hbm4b:s12+s3] =	stream.linear.scatter [tilespmem:s10], [sflag:$0x5], $0x80, $0x38;
	[tilespmem:$0x19000] =	vst v63  }
0x119: {  	s10 =	sadd.s32 $0x14D10, s11;
	s12 =	sadd.s32 $0x20, s9  }
0x11a: {  	[hbm4b:s12+s3] =	stream.linear.scatter [tilespmem:s10], [sflag:$0x5], $0x80, $0x38;
	[tilespmem:$0x19000] =	vst v63  }
0x11b: {  	s10 =	sadd.s32 $0x14D98, s11;
	s12 =	sadd.s32 $0x30, s9  }
0x11c: {  	[hbm4b:s12+s3] =	stream.linear.scatter [tilespmem:s10], [sflag:$0x5], $0x80, $0x38;
	[tilespmem:$0x19000] =	vst v63  }
0x11d: {  	s10 =	sadd.s32 $0x14E20, s11;
	s12 =	sadd.s32 $0x40, s9  }
0x11e: {  	[hbm4b:s12+s3] =	stream.linear.scatter [tilespmem:s10], [sflag:$0x5], $0x80, $0x38;
	[tilespmem:$0x19000] =	vst v63  }
.Ltmp3:
0x11f: {  	s10 =	sadd.s32 $0x14EA8, s11;
	s12 =	sadd.s32 $0x50, s9;
	(pc) =	sbr.rel @p0 .LBB2_9-.Ltmp3, $4  }
0x120: {  	[hbm4b:s12+s3] =	stream.linear.scatter [tilespmem:s10], [sflag:$0x5], $0x80, $0x38;
	[tilespmem:$0x19000] =	vst v63  }
0x121: {  	s10 =	sadd.s32 $0x14F30, s11;
	s12 =	sadd.s32 $0x60, s9;
	s11 =	sadd.s32 $0x14FB8, s11  }
0x122: {  	[hbm4b:s12+s3] =	stream.linear.scatter [tilespmem:s10], [sflag:$0x5], $0x80, $0x38;
	[tilespmem:$0x19000] =	vst v63  }
0x123: {  	s12 =	sadd.s32 $0x70, s9;
	s9 =	sadd.s32 $0x4000, s9;
	s10 =	smov.u32 s13  }
0x124: {  	[hbm4b:s12+s3] =	stream.linear.scatter [tilespmem:s11], [sflag:$0x5], $0x80, $0x38;
	[tilespmem:$0x19000] =	vst v63  }
0x125: {  	s10 =	sadd.s32 $0x14C00, s8  }
0x126: {  	[hbm4b:s9+s3] =	stream.linear.scatter [tilespmem:s10], [sflag:$0x5], $0x80, $0x38;
	[tilespmem:$0x19000] =	vst v63  }
0x127: {  	s12 =	sadd.s32 $0x14C88, s8;
	s13 =	sadd.s32 $0x10, s9  }
0x128: {  	[hbm4b:s13+s3] =	stream.linear.scatter [tilespmem:s12], [sflag:$0x5], $0x80, $0x38;
	[tilespmem:$0x19000] =	vst v63  }
0x129: {  	s12 =	sadd.s32 $0x14D10, s8;
	s13 =	sadd.s32 $0x20, s9  }
0x12a: {  	[hbm4b:s13+s3] =	stream.linear.scatter [tilespmem:s12], [sflag:$0x5], $0x80, $0x38;
	[tilespmem:$0x19000] =	vst v63  }
0x12b: {  	s12 =	sadd.s32 $0x14D98, s8;
	s13 =	sadd.s32 $0x30, s9  }
0x12c: {  	[hbm4b:s13+s3] =	stream.linear.scatter [tilespmem:s12], [sflag:$0x5], $0x80, $0x38;
	[tilespmem:$0x19000] =	vst v63  }
0x12d: {  	s12 =	sadd.s32 $0x14E20, s8;
	s13 =	sadd.s32 $0x40, s9  }
0x12e: {  	[hbm4b:s13+s3] =	stream.linear.scatter [tilespmem:s12], [sflag:$0x5], $0x80, $0x38;
	[tilespmem:$0x19000] =	vst v63  }
0x12f: {  	s12 =	sadd.s32 $0x14EA8, s8;
	s13 =	sadd.s32 $0x50, s9  }
0x130: {  	[hbm4b:s13+s3] =	stream.linear.scatter [tilespmem:s12], [sflag:$0x5], $0x80, $0x38;
	[tilespmem:$0x19000] =	vst v63  }
0x131: {  	s12 =	sadd.s32 $0x14F30, s8;
	s13 =	sadd.s32 $0x60, s9  }
0x132: {  	[hbm4b:s13+s3] =	stream.linear.scatter [tilespmem:s12], [sflag:$0x5], $0x80, $0x38;
	[tilespmem:$0x19000] =	vst v63  }
0x133: {  	s11 =	sadd.s32 $0x14FB8, s8;
	s12 =	sadd.s32 $0x70, s9  }
0x134: {  	[hbm4b:s12+s3] =	stream.linear.scatter [tilespmem:s11], [sflag:$0x5], $0x80, $0x38;
	[tilespmem:$0x19000] =	vst v63  }
0x135: {  	s9 =	sadd.s32 s0, s25;
	s13 =	simm.s32 $0x16E00  }
0x136: {  	[hbm4b:s9+s3] =	stream.linear.scatter [tilespmem:s13], [sflag:$0x5], $0x80, $0x38;
	[tilespmem:$0x19000] =	vst v63  }
0x137: {  	s10 =	simm.s32 $0x16E88;
	s11 =	sadd.s32 $0x10, s9  }
0x138: {  	[hbm4b:s11+s3] =	stream.linear.scatter [tilespmem:s10], [sflag:$0x5], $0x80, $0x38;
	[tilespmem:$0x19000] =	vst v63  }
0x139: {  	s12 =	simm.s32 $0x16F10;
	s13 =	sadd.s32 $0x20, s9  }
0x13a: {  	[hbm4b:s13+s3] =	stream.linear.scatter [tilespmem:s12], [sflag:$0x5], $0x80, $0x38;
	[tilespmem:$0x19000] =	vst v63  }
0x13b: {  	s10 =	simm.s32 $0x16F98;
	s11 =	sadd.s32 $0x30, s9  }
0x13c: {  	[hbm4b:s11+s3] =	stream.linear.scatter [tilespmem:s10], [sflag:$0x5], $0x80, $0x38;
	[tilespmem:$0x19000] =	vst v63  }
0x13d: {  	s12 =	simm.s32 $0x17020;
	s13 =	sadd.s32 $0x40, s9  }
0x13e: {  	[hbm4b:s13+s3] =	stream.linear.scatter [tilespmem:s12], [sflag:$0x5], $0x80, $0x38;
	[tilespmem:$0x19000] =	vst v63  }
0x13f: {  	s8 =	simm.s32 $0x440;
	s10 =	simm.s32 $0x170A8;
	s11 =	sadd.s32 $0x50, s9  }
0x140: {  	[hbm4b:s11+s3] =	stream.linear.scatter [tilespmem:s10], [sflag:$0x5], $0x80, $0x38;
	[tilespmem:$0x19000] =	vst v63  }
0x141: {  	s12 =	simm.s32 $0x17130;
	s13 =	sadd.s32 $0x60, s9;
	s10 =	simm.s32 $0x2200  }
0x142: {  	[hbm4b:s13+s3] =	stream.linear.scatter [tilespmem:s12], [sflag:$0x5], $0x80, $0x38;
	[tilespmem:$0x19000] =	vst v63  }
0x143: {  	s11 =	simm.s32 $0x171B8;
	s12 =	sadd.s32 $0x70, s9;
	s9 =	sadd.s32 $0x4000, s9  }
.LBB2_11:
0x144: {  	[hbm4b:s12+s3] =	stream.linear.scatter [tilespmem:s11], [sflag:$0x5], $0x80, $0x38;
	[tilespmem:$0x19000] =	vst v63  }
0x145: {  	s11 =	smov.u32 s8;
	s8 =	smov.u32 s10  }
0x146: {  	s13 =	sadd.s32 $0x1100, s10;
	s8 =	sshra.s32 s8, $0x2;
	s12 =	sadd.s32 $0x16E00, s11  }
0x147: {  	[hbm4b:s9+s3] =	stream.linear.scatter [tilespmem:s12], [sflag:$0x5], $0x80, $0x38;
	[tilespmem:$0x19000] =	vst v63  }
0x148: {  	p0 =	sne.s32 s10, $0x7700;
	s10 =	sadd.s32 $0x16E88, s11;
	s12 =	sadd.s32 $0x10, s9  }
0x149: {  	[hbm4b:s12+s3] =	stream.linear.scatter [tilespmem:s10], [sflag:$0x5], $0x80, $0x38;
	[tilespmem:$0x19000] =	vst v63  }
0x14a: {  	s10 =	sadd.s32 $0x16F10, s11;
	s12 =	sadd.s32 $0x20, s9  }
0x14b: {  	[hbm4b:s12+s3] =	stream.linear.scatter [tilespmem:s10], [sflag:$0x5], $0x80, $0x38;
	[tilespmem:$0x19000] =	vst v63  }
0x14c: {  	s10 =	sadd.s32 $0x16F98, s11;
	s12 =	sadd.s32 $0x30, s9  }
0x14d: {  	[hbm4b:s12+s3] =	stream.linear.scatter [tilespmem:s10], [sflag:$0x5], $0x80, $0x38;
	[tilespmem:$0x19000] =	vst v63  }
0x14e: {  	s10 =	sadd.s32 $0x17020, s11;
	s12 =	sadd.s32 $0x40, s9  }
0x14f: {  	[hbm4b:s12+s3] =	stream.linear.scatter [tilespmem:s10], [sflag:$0x5], $0x80, $0x38;
	[tilespmem:$0x19000] =	vst v63  }
.Ltmp4:
0x150: {  	s10 =	sadd.s32 $0x170A8, s11;
	s12 =	sadd.s32 $0x50, s9;
	(pc) =	sbr.rel @p0 .LBB2_11-.Ltmp4, $4  }
0x151: {  	[hbm4b:s12+s3] =	stream.linear.scatter [tilespmem:s10], [sflag:$0x5], $0x80, $0x38;
	[tilespmem:$0x19000] =	vst v63  }
0x152: {  	s10 =	sadd.s32 $0x17130, s11;
	s12 =	sadd.s32 $0x60, s9;
	s11 =	sadd.s32 $0x171B8, s11  }
0x153: {  	[hbm4b:s12+s3] =	stream.linear.scatter [tilespmem:s10], [sflag:$0x5], $0x80, $0x38;
	[tilespmem:$0x19000] =	vst v63  }
0x154: {  	s12 =	sadd.s32 $0x70, s9;
	s9 =	sadd.s32 $0x4000, s9;
	s10 =	smov.u32 s13  }
0x155: {  	[hbm4b:s12+s3] =	stream.linear.scatter [tilespmem:s11], [sflag:$0x5], $0x80, $0x38;
	[tilespmem:$0x19000] =	vst v63  }
0x156: {  	s10 =	sadd.s32 $0x16E00, s8  }
0x157: {  	[hbm4b:s9+s3] =	stream.linear.scatter [tilespmem:s10], [sflag:$0x5], $0x80, $0x38;
	[tilespmem:$0x19000] =	vst v63  }
0x158: {  	s12 =	sadd.s32 $0x16E88, s8;
	s13 =	sadd.s32 $0x10, s9  }
0x159: {  	[hbm4b:s13+s3] =	stream.linear.scatter [tilespmem:s12], [sflag:$0x5], $0x80, $0x38;
	[tilespmem:$0x19000] =	vst v63  }
0x15a: {  	s12 =	sadd.s32 $0x16F10, s8;
	s13 =	sadd.s32 $0x20, s9  }
0x15b: {  	[hbm4b:s13+s3] =	stream.linear.scatter [tilespmem:s12], [sflag:$0x5], $0x80, $0x38;
	[tilespmem:$0x19000] =	vst v63  }
0x15c: {  	s12 =	sadd.s32 $0x16F98, s8;
	s13 =	sadd.s32 $0x30, s9  }
0x15d: {  	[hbm4b:s13+s3] =	stream.linear.scatter [tilespmem:s12], [sflag:$0x5], $0x80, $0x38;
	[tilespmem:$0x19000] =	vst v63  }
0x15e: {  	s12 =	sadd.s32 $0x17020, s8;
	s13 =	sadd.s32 $0x40, s9  }
0x15f: {  	[hbm4b:s13+s3] =	stream.linear.scatter [tilespmem:s12], [sflag:$0x5], $0x80, $0x38;
	[tilespmem:$0x19000] =	vst v63  }
0x160: {  	s12 =	sadd.s32 $0x170A8, s8;
	s13 =	sadd.s32 $0x50, s9  }
0x161: {  	[hbm4b:s13+s3] =	stream.linear.scatter [tilespmem:s12], [sflag:$0x5], $0x80, $0x38;
	[tilespmem:$0x19000] =	vst v63  }
0x162: {  	s12 =	sadd.s32 $0x17130, s8;
	s13 =	sadd.s32 $0x60, s9  }
0x163: {  	[hbm4b:s13+s3] =	stream.linear.scatter [tilespmem:s12], [sflag:$0x5], $0x80, $0x38;
	[tilespmem:$0x19000] =	vst v63  }
0x164: {  	s11 =	sadd.s32 $0x70, s9;
	s10 =	sadd.s32 $0x171B8, s8  }
0x165: {  	[hbm4b:s11+s3] =	stream.linear.scatter [tilespmem:s10], [sflag:$0x5], $0x80, $0x38;
	[tilespmem:$0x19000] =	vst v63  }
0x166: {  	_ =	swait.ge [sflag:s2], $0x400  }
0x167: {  	[sflag:s2] =	ssyncset.done $0x0  }
0x168: {  	[sflag:s2] =	ssyncadd.s32 $0xFFFFFC00  }
0x169: {  	_ =	swait.ge [sflag:s30], $0x8000  }
0x16a: {  	s8 =	sld [smem:$0x7FA];
	_ =	sdelay $0x1  }
0x16b: {  	p0 =	seq.s32 s31, $0xB  }
0x16c: {  	s8 =	sadd.s32 @!p0 s8, s1  }
0x16d: {  	s9 =	simm.s32 @!p0 $0x0;
	[sflag:s30] =	ssyncset.done $0x0;
	s8 =	sshrl.u32 @!p0 s8, $0x3  }
0x16e: {  	s10 =	simm.s32 @!p0 $0x400;
	[sflag:s30] =	ssyncadd.s32 $0xFFFF8000;
	s8 =	sadd.s32 @!p0 s4, s8  }
0x16f: {  	[tilespmem:s10], [sflag:$0x2] =	stream.linear.gather @!p0 [hbm4b:s8+s9], $0x80, $0x38;
	[tilespmem:$0x19000] =	vst v63  }
0x170: {  	s8 =	sld [smem:$0x7FB];
	_ =	sdelay $0x2  }
0x171: {  	s8 =	sadd.s32 @!p0 s8, s1  }
0x172: {  	s8 =	sshrl.u32 @!p0 s8, $0x3  }
0x173: {  	s10 =	simm.s32 @!p0 $0x480;
	s8 =	sadd.s32 @!p0 s4, s8  }
0x174: {  	[tilespmem:s10], [sflag:$0x2] =	stream.linear.gather @!p0 [hbm4b:s8+s9], $0x80, $0x38;
	[tilespmem:$0x19000] =	vst v63  }
0x175: {  	s8 =	sld [smem:$0x7FC];
	_ =	sdelay $0x2  }
0x176: {  	s8 =	sadd.s32 @!p0 s8, s1  }
0x177: {  	s8 =	sshrl.u32 @!p0 s8, $0x3  }
0x178: {  	s10 =	simm.s32 @!p0 $0x500;
	s8 =	sadd.s32 @!p0 s4, s8  }
0x179: {  	[tilespmem:s10], [sflag:$0x2] =	stream.linear.gather @!p0 [hbm4b:s8+s9], $0x80, $0x38;
	[tilespmem:$0x19000] =	vst v63  }
0x17a: {  	s8 =	sld [smem:$0x7FD];
	_ =	sdelay $0x2  }
0x17b: {  	s8 =	sadd.s32 @!p0 s8, s1  }
0x17c: {  	s8 =	sshrl.u32 @!p0 s8, $0x3  }
0x17d: {  	s10 =	simm.s32 @!p0 $0x580;
	s8 =	sadd.s32 @!p0 s4, s8  }
0x17e: {  	[tilespmem:s10], [sflag:$0x2] =	stream.linear.gather @!p0 [hbm4b:s8+s9], $0x80, $0x38;
	[tilespmem:$0x19000] =	vst v63  }
0x17f: {  	s8 =	sadd.s32 @!p0 s15, s1  }
0x180: {  	s8 =	sshrl.u32 @!p0 s8, $0x3  }
0x181: {  	s10 =	simm.s32 @!p0 $0x600;
	s8 =	sadd.s32 @!p0 s4, s8  }
0x182: {  	[tilespmem:s10], [sflag:$0x2] =	stream.linear.gather @!p0 [hbm4b:s8+s9], $0x80, $0x38;
	[tilespmem:$0x19000] =	vst v63  }
0x183: {  	s8 =	sadd.s32 @!p0 s16, s1  }
0x184: {  	s8 =	sshrl.u32 @!p0 s8, $0x3  }
0x185: {  	s10 =	simm.s32 @!p0 $0x680;
	s8 =	sadd.s32 @!p0 s4, s8  }
0x186: {  	[tilespmem:s10], [sflag:$0x2] =	stream.linear.gather @!p0 [hbm4b:s8+s9], $0x80, $0x38;
	[tilespmem:$0x19000] =	vst v63  }
0x187: {  	s8 =	sadd.s32 @!p0 s17, s1  }
0x188: {  	s1 =	sadd.s32 @!p0 s18, s1;
	s8 =	sshrl.u32 @!p0 s8, $0x3  }
0x189: {  	s10 =	simm.s32 @!p0 $0x700;
	s1 =	sshrl.u32 @!p0 s1, $0x3;
	s8 =	sadd.s32 @!p0 s4, s8  }
0x18a: {  	[tilespmem:s10], [sflag:$0x2] =	stream.linear.gather @!p0 [hbm4b:s8+s9], $0x80, $0x38;
	[tilespmem:$0x19000] =	vst v63  }
0x18b: {  	s1 =	sadd.s32 @!p0 s4, s1;
	s8 =	simm.s32 @!p0 $0x780  }
0x18c: {  	[tilespmem:s8], [sflag:$0x2] =	stream.linear.gather @!p0 [hbm4b:s1+s9], $0x80, $0x38;
	[tilespmem:$0x19000] =	vst v63  }
0x18d: {  	s12 =	simm.s32 $0x0;
	s13 =	simm.s32 $0x800  }
0x18e: {  	[tilespmem:s13], [sflag:$0x3] =	stream.indirect.gather [hbm4b:s5+s22], $0x20, s12, s22, $0xb8;
	[tilespmem:$0x19000] =	vst v63  }
0x18f: {  	_ =	swait.ge [sflag:s7], $0x2000  }
0x190: {  	[sflag:s7] =	ssyncset.done $0x0  }
0x191: {  	[sflag:s7] =	ssyncadd.s32 $0xFFFFE000  }
0x192: {  	_ =	swait.ge [sflag:s7], $0x2000  }
0x193: {  	[sflag:s7] =	ssyncset.done $0x0  }
0x194: {  	[sflag:s7] =	ssyncadd.s32 $0xFFFFE000  }
0x195: {  	s9 =	simm.s32 $0x0;
	_ =	swait.ge [sflag:s7], $0x2000  }
0x196: {  	v2 =	vmov s9;
	[sflag:s7] =	ssyncset.done $0x0  }
0x197: {  	v2 =	vmul.u32 $0x440, v2;
	[sflag:s7] =	ssyncadd.s32 $0xFFFFE000  }
0x198: {  	_ =	swait.ge [sflag:s7], $0x2000  }
0x199: {  	v3 =	vmov s12;
	v2 =	vbroadcast v2, $0x0;
	[sflag:s7] =	ssyncset.done $0x0  }
0x19a: {  	v4 =	vand.u32 $0x78, v3;
	s8 =	simm.s32 $0x8810;
	[sflag:s7] =	ssyncadd.s32 $0xFFFFE000  }
0x19b: {  	v3 =	vand.u32 $0x7, v3;
	s10 =	simm.s32 $0x0;
	v2 =	vadd.s32 v2, v4;
	v5 =	vld [tilespmem:s8+$0xFFFFFFF0]  }
0x19c: {  	v4 =	vmov s10;
	v3 =	vor.u32 v3, v2  }
0x19d: {  	v2 =	vmul.u32 $0x440, v4;
	v4 =	vadd.s32 v0, v3  }
0x19e: {  	s11 =	simm.s32 $0x1  }
0x19f: {  	v6 =	vmov s11;
	s1 =	simm.s32 $0x8830;
	v2 =	vbroadcast v2, $0x0  }
0x1a0: {  	v7 =	vand.u32 $0x78, v6;
	v8 =	vld [tilespmem:s1+$0xFFFFFFF0];
	v5 =	vmul.f32 $5.656854150e+00, v5  }
0x1a1: {  	v6 =	vand.u32 $0x7, v6;
	s12 =	simm.s32 $0x0;
	v2 =	vadd.s32 v2, v7  }
0x1a2: {  	v9 =	vmov s12;
	v2 =	vor.u32 v6, v2;
	[tilespmem:v4+s29+$0x0] =	vst.idx.msk $0xffff, v5  }
0x1a3: {  	s13 =	simm.s32 $0x2;
	v7 =	vmul.u32 $0x440, v9;
	v5 =	vadd.s32 v0, v2;
	v4 =	vld [tilespmem:s8+$0x0]  }
0x1a4: {  	v3 =	vadd.s32 v1, v3;
	v6 =	vmov s13  }
0x1a5: {  	s9 =	simm.s32 $0x3;
	v7 =	vbroadcast v7, $0x0;
	v9 =	vand.u32 $0x78, v6;
	v8 =	vmul.f32 $5.656854150e+00, v8;
	s8 =	simm.s32 $0x8850  }
.LBB2_13:
0x1a6: {  	s10 =	sshrl.u32 s9, $0x7  }
0x1a7: {  	p0 =	sne.s32 s9, $0x3FF;
	v10 =	vld [tilespmem:s8+$0xFFFFFFF0];
	v6 =	vand.u32 $0x7, v6;
	v7 =	vadd.s32 v7, v9;
	s11 =	smov.u32 s9;
	s9 =	sadd.s32 $0x1, s9  }
.Ltmp5:
0x1a8: {  	v9 =	vmov s10;
	v11 =	vor.u32 v6, v7;
	[tilespmem:v5+s29+$0x0] =	vst.idx.msk $0xffff, v8;
	v6 =	vmul.f32 $5.656854150e+00, v4;
	(pc) =	sbr.rel @p0 .LBB2_13-.Ltmp5, $4  }
0x1a9: {  	v7 =	vmul.u32 $0x440, v9;
	v5 =	vadd.s32 v0, v11;
	v4 =	vld [tilespmem:s1+$0x0];
	s1 =	smov.u32 s8  }
0x1aa: {  	[tilespmem:v3+s29+$0x0] =	vst.idx.msk $0xffff, v6  }
0x1ab: {  	v6 =	vmov s11;
	v3 =	vadd.s32 v1, v2;
	v2 =	vmovc v11;
	v7 =	vbroadcast v7, $0x0  }
0x1ac: {  	s8 =	sadd.s32 $0x20, s8;
	v9 =	vand.u32 $0x78, v6;
	v8 =	vmul.f32 $5.656854150e+00, v10  }
0x1ad: {  	v10 =	vld [tilespmem:s8+$0xFFFFFFF0];
	v6 =	vand.u32 $0x7, v6;
	v7 =	vadd.s32 v7, v9  }
0x1ae: {  	v6 =	vor.u32 v6, v7  }
0x1af: {  	v7 =	vadd.s32 v0, v6;
	_ =	sdelay $0x2  }
0x1b0: {  	v63 =	vmul.f32 $5.656854150e+00, v10  }
0x1b1: {  	[tilespmem:v5+s29+$0x0] =	vst.idx.msk $0xffff, v8  }
0x1b2: {  	v5 =	vld [tilespmem:s1+$0x0];
	[tilespmem:v7+s29+$0x0] =	vst.idx.msk $0xffff, v63  }
0x1b3: {  	v7 =	vld [tilespmem:s8+$0x0]  }
0x1b4: {  	v2 =	vadd.s32 v1, v2  }
0x1b5: {  	v6 =	vadd.s32 v1, v6  }
0x1b6: {  	v4 =	vmul.f32 $5.656854150e+00, v4  }
0x1b7: {  	v5 =	vmul.f32 $5.656854150e+00, v5  }
0x1b8: {  	[tilespmem:v3+s29+$0x0] =	vst.idx.msk $0xffff, v4;
	v3 =	vmul.f32 $5.656854150e+00, v7  }
0x1b9: {  	[tilespmem:v2+s29+$0x0] =	vst.idx.msk $0xffff, v5  }
0x1ba: {  	s10 =	simm.s32 $0x10800;
	s8 =	sadd.s32 s0, s26;
	[tilespmem:v6+s29+$0x0] =	vst.idx.msk $0xffff, v3  }
0x1bb: {  	[hbm4b:s8+s3] =	stream.linear.scatter [tilespmem:s10], [sflag:$0x5], $0x80, $0x38;
	[tilespmem:$0x19000] =	vst v63  }
0x1bc: {  	s11 =	simm.s32 $0x10888;
	s9 =	sadd.s32 $0x10, s8  }
0x1bd: {  	[hbm4b:s9+s3] =	stream.linear.scatter [tilespmem:s11], [sflag:$0x5], $0x80, $0x38;
	[tilespmem:$0x19000] =	vst v63  }
0x1be: {  	s12 =	simm.s32 $0x10910;
	s1 =	simm.s32 $0x440;
	s13 =	sadd.s32 $0x20, s8  }
0x1bf: {  	[hbm4b:s13+s3] =	stream.linear.scatter [tilespmem:s12], [sflag:$0x5], $0x80, $0x38;
	[tilespmem:$0x19000] =	vst v63  }
0x1c0: {  	s10 =	simm.s32 $0x10998;
	s11 =	sadd.s32 $0x30, s8;
	s9 =	simm.s32 $0x2200  }
0x1c1: {  	[hbm4b:s11+s3] =	stream.linear.scatter [tilespmem:s10], [sflag:$0x5], $0x80, $0x38;
	[tilespmem:$0x19000] =	vst v63  }
0x1c2: {  	s12 =	simm.s32 $0x10A20;
	s13 =	sadd.s32 $0x40, s8;
	s10 =	simm.s32 $0x10AA8  }
0x1c3: {  	[hbm4b:s13+s3] =	stream.linear.scatter [tilespmem:s12], [sflag:$0x5], $0x80, $0x38;
	[tilespmem:$0x19000] =	vst v63  }
0x1c4: {  	s11 =	sadd.s32 $0x50, s8;
	s12 =	simm.s32 $0x10B30;
	s13 =	sadd.s32 $0x60, s8  }
0x1c5: {  	[hbm4b:s11+s3] =	stream.linear.scatter [tilespmem:s10], [sflag:$0x5], $0x80, $0x38;
	[tilespmem:$0x19000] =	vst v63  }
0x1c6: {  	s10 =	simm.s32 $0x10BB8;
	s11 =	sadd.s32 $0x70, s8;
	s8 =	sadd.s32 $0x4000, s8  }
0x1c7: {  	[hbm4b:s13+s3] =	stream.linear.scatter [tilespmem:s12], [sflag:$0x5], $0x80, $0x38;
	[tilespmem:$0x19000] =	vst v63  }
.LBB2_15:
0x1c8: {  	[hbm4b:s11+s3] =	stream.linear.scatter [tilespmem:s10], [sflag:$0x5], $0x80, $0x38;
	[tilespmem:$0x19000] =	vst v63  }
0x1c9: {  	s10 =	smov.u32 s1;
	s1 =	smov.u32 s9  }
0x1ca: {  	s12 =	sadd.s32 $0x1100, s9;
	s1 =	sshra.s32 s1, $0x2;
	s11 =	sadd.s32 $0x10800, s10  }
0x1cb: {  	[hbm4b:s8+s3] =	stream.linear.scatter [tilespmem:s11], [sflag:$0x5], $0x80, $0x38;
	[tilespmem:$0x19000] =	vst v63  }
0x1cc: {  	p0 =	sne.s32 s9, $0x7700;
	s9 =	sadd.s32 $0x10888, s10;
	s11 =	sadd.s32 $0x10, s8  }
0x1cd: {  	[hbm4b:s11+s3] =	stream.linear.scatter [tilespmem:s9], [sflag:$0x5], $0x80, $0x38;
	[tilespmem:$0x19000] =	vst v63  }
0x1ce: {  	s9 =	sadd.s32 $0x10910, s10;
	s11 =	sadd.s32 $0x20, s8  }
0x1cf: {  	[hbm4b:s11+s3] =	stream.linear.scatter [tilespmem:s9], [sflag:$0x5], $0x80, $0x38;
	[tilespmem:$0x19000] =	vst v63  }
0x1d0: {  	s9 =	sadd.s32 $0x10998, s10;
	s11 =	sadd.s32 $0x30, s8  }
0x1d1: {  	[hbm4b:s11+s3] =	stream.linear.scatter [tilespmem:s9], [sflag:$0x5], $0x80, $0x38;
	[tilespmem:$0x19000] =	vst v63  }
0x1d2: {  	s9 =	sadd.s32 $0x10A20, s10;
	s11 =	sadd.s32 $0x40, s8  }
0x1d3: {  	[hbm4b:s11+s3] =	stream.linear.scatter [tilespmem:s9], [sflag:$0x5], $0x80, $0x38;
	[tilespmem:$0x19000] =	vst v63  }
.Ltmp6:
0x1d4: {  	s9 =	sadd.s32 $0x10AA8, s10;
	s11 =	sadd.s32 $0x50, s8;
	(pc) =	sbr.rel @p0 .LBB2_15-.Ltmp6, $4  }
0x1d5: {  	[hbm4b:s11+s3] =	stream.linear.scatter [tilespmem:s9], [sflag:$0x5], $0x80, $0x38;
	[tilespmem:$0x19000] =	vst v63  }
0x1d6: {  	s9 =	sadd.s32 $0x10B30, s10;
	s11 =	sadd.s32 $0x60, s8;
	s10 =	sadd.s32 $0x10BB8, s10  }
0x1d7: {  	[hbm4b:s11+s3] =	stream.linear.scatter [tilespmem:s9], [sflag:$0x5], $0x80, $0x38;
	[tilespmem:$0x19000] =	vst v63  }
0x1d8: {  	s11 =	sadd.s32 $0x70, s8;
	s8 =	sadd.s32 $0x4000, s8;
	s9 =	smov.u32 s12  }
0x1d9: {  	[hbm4b:s11+s3] =	stream.linear.scatter [tilespmem:s10], [sflag:$0x5], $0x80, $0x38;
	[tilespmem:$0x19000] =	vst v63  }
0x1da: {  	s9 =	sadd.s32 $0x10800, s1  }
0x1db: {  	[hbm4b:s8+s3] =	stream.linear.scatter [tilespmem:s9], [sflag:$0x5], $0x80, $0x38;
	[tilespmem:$0x19000] =	vst v63  }
0x1dc: {  	s12 =	sadd.s32 $0x10888, s1;
	s13 =	sadd.s32 $0x10, s8  }
0x1dd: {  	[hbm4b:s13+s3] =	stream.linear.scatter [tilespmem:s12], [sflag:$0x5], $0x80, $0x38;
	[tilespmem:$0x19000] =	vst v63  }
0x1de: {  	s10 =	sadd.s32 $0x10910, s1;
	s11 =	sadd.s32 $0x20, s8  }
0x1df: {  	[hbm4b:s11+s3] =	stream.linear.scatter [tilespmem:s10], [sflag:$0x5], $0x80, $0x38;
	[tilespmem:$0x19000] =	vst v63  }
0x1e0: {  	s12 =	sadd.s32 $0x10998, s1;
	s13 =	sadd.s32 $0x30, s8  }
0x1e1: {  	[hbm4b:s13+s3] =	stream.linear.scatter [tilespmem:s12], [sflag:$0x5], $0x80, $0x38;
	[tilespmem:$0x19000] =	vst v63  }
0x1e2: {  	s10 =	sadd.s32 $0x10A20, s1;
	s11 =	sadd.s32 $0x40, s8  }
0x1e3: {  	[hbm4b:s11+s3] =	stream.linear.scatter [tilespmem:s10], [sflag:$0x5], $0x80, $0x38;
	[tilespmem:$0x19000] =	vst v63  }
0x1e4: {  	s12 =	sadd.s32 $0x10AA8, s1;
	s13 =	sadd.s32 $0x50, s8  }
0x1e5: {  	[hbm4b:s13+s3] =	stream.linear.scatter [tilespmem:s12], [sflag:$0x5], $0x80, $0x38;
	[tilespmem:$0x19000] =	vst v63  }
0x1e6: {  	s10 =	sadd.s32 $0x10B30, s1;
	s11 =	sadd.s32 $0x60, s8  }
0x1e7: {  	[hbm4b:s11+s3] =	stream.linear.scatter [tilespmem:s10], [sflag:$0x5], $0x80, $0x38;
	[tilespmem:$0x19000] =	vst v63  }
0x1e8: {  	s12 =	sadd.s32 $0x10BB8, s1;
	s13 =	sadd.s32 $0x70, s8  }
0x1e9: {  	[hbm4b:s13+s3] =	stream.linear.scatter [tilespmem:s12], [sflag:$0x5], $0x80, $0x38;
	[tilespmem:$0x19000] =	vst v63  }
0x1ea: {  	s9 =	simm.s32 $0x12A00;
	s8 =	sadd.s32 s0, s28  }
0x1eb: {  	[hbm4b:s8+s3] =	stream.linear.scatter [tilespmem:s9], [sflag:$0x5], $0x80, $0x38;
	[tilespmem:$0x19000] =	vst v63  }
0x1ec: {  	s10 =	simm.s32 $0x12A88;
	s11 =	sadd.s32 $0x10, s8  }
0x1ed: {  	[hbm4b:s11+s3] =	stream.linear.scatter [tilespmem:s10], [sflag:$0x5], $0x80, $0x38;
	[tilespmem:$0x19000] =	vst v63  }
0x1ee: {  	s1 =	simm.s32 $0x440;
	s12 =	simm.s32 $0x12B10;
	s13 =	sadd.s32 $0x20, s8  }
0x1ef: {  	[hbm4b:s13+s3] =	stream.linear.scatter [tilespmem:s12], [sflag:$0x5], $0x80, $0x38;
	[tilespmem:$0x19000] =	vst v63  }
0x1f0: {  	s9 =	simm.s32 $0x2200;
	s10 =	simm.s32 $0x12B98;
	s11 =	sadd.s32 $0x30, s8  }
0x1f1: {  	[hbm4b:s11+s3] =	stream.linear.scatter [tilespmem:s10], [sflag:$0x5], $0x80, $0x38;
	[tilespmem:$0x19000] =	vst v63  }
0x1f2: {  	s12 =	simm.s32 $0x12C20;
	s13 =	sadd.s32 $0x40, s8;
	s10 =	simm.s32 $0x12CA8  }
0x1f3: {  	[hbm4b:s13+s3] =	stream.linear.scatter [tilespmem:s12], [sflag:$0x5], $0x80, $0x38;
	[tilespmem:$0x19000] =	vst v63  }
0x1f4: {  	s11 =	sadd.s32 $0x50, s8;
	s12 =	simm.s32 $0x12D30;
	s13 =	sadd.s32 $0x60, s8  }
0x1f5: {  	[hbm4b:s11+s3] =	stream.linear.scatter [tilespmem:s10], [sflag:$0x5], $0x80, $0x38;
	[tilespmem:$0x19000] =	vst v63  }
0x1f6: {  	s10 =	simm.s32 $0x12DB8;
	s11 =	sadd.s32 $0x70, s8;
	s8 =	sadd.s32 $0x4000, s8  }
0x1f7: {  	[hbm4b:s13+s3] =	stream.linear.scatter [tilespmem:s12], [sflag:$0x5], $0x80, $0x38;
	[tilespmem:$0x19000] =	vst v63  }
.LBB2_17:
0x1f8: {  	[hbm4b:s11+s3] =	stream.linear.scatter [tilespmem:s10], [sflag:$0x5], $0x80, $0x38;
	[tilespmem:$0x19000] =	vst v63  }
0x1f9: {  	s10 =	smov.u32 s1;
	s1 =	smov.u32 s9  }
0x1fa: {  	s12 =	sadd.s32 $0x1100, s9;
	s1 =	sshra.s32 s1, $0x2;
	s11 =	sadd.s32 $0x12A00, s10  }
0x1fb: {  	[hbm4b:s8+s3] =	stream.linear.scatter [tilespmem:s11], [sflag:$0x5], $0x80, $0x38;
	[tilespmem:$0x19000] =	vst v63  }
0x1fc: {  	p0 =	sne.s32 s9, $0x7700;
	s9 =	sadd.s32 $0x12A88, s10;
	s11 =	sadd.s32 $0x10, s8  }
0x1fd: {  	[hbm4b:s11+s3] =	stream.linear.scatter [tilespmem:s9], [sflag:$0x5], $0x80, $0x38;
	[tilespmem:$0x19000] =	vst v63  }
0x1fe: {  	s9 =	sadd.s32 $0x12B10, s10;
	s11 =	sadd.s32 $0x20, s8  }
0x1ff: {  	[hbm4b:s11+s3] =	stream.linear.scatter [tilespmem:s9], [sflag:$0x5], $0x80, $0x38;
	[tilespmem:$0x19000] =	vst v63  }
0x200: {  	s9 =	sadd.s32 $0x12B98, s10;
	s11 =	sadd.s32 $0x30, s8  }
0x201: {  	[hbm4b:s11+s3] =	stream.linear.scatter [tilespmem:s9], [sflag:$0x5], $0x80, $0x38;
	[tilespmem:$0x19000] =	vst v63  }
0x202: {  	s9 =	sadd.s32 $0x12C20, s10;
	s11 =	sadd.s32 $0x40, s8  }
0x203: {  	[hbm4b:s11+s3] =	stream.linear.scatter [tilespmem:s9], [sflag:$0x5], $0x80, $0x38;
	[tilespmem:$0x19000] =	vst v63  }
.Ltmp7:
0x204: {  	s9 =	sadd.s32 $0x12CA8, s10;
	s11 =	sadd.s32 $0x50, s8;
	(pc) =	sbr.rel @p0 .LBB2_17-.Ltmp7, $4  }
0x205: {  	[hbm4b:s11+s3] =	stream.linear.scatter [tilespmem:s9], [sflag:$0x5], $0x80, $0x38;
	[tilespmem:$0x19000] =	vst v63  }
0x206: {  	s9 =	sadd.s32 $0x12D30, s10;
	s11 =	sadd.s32 $0x60, s8;
	s10 =	sadd.s32 $0x12DB8, s10  }
0x207: {  	[hbm4b:s11+s3] =	stream.linear.scatter [tilespmem:s9], [sflag:$0x5], $0x80, $0x38;
	[tilespmem:$0x19000] =	vst v63  }
0x208: {  	s11 =	sadd.s32 $0x70, s8;
	s8 =	sadd.s32 $0x4000, s8;
	s9 =	smov.u32 s12  }
0x209: {  	[hbm4b:s11+s3] =	stream.linear.scatter [tilespmem:s10], [sflag:$0x5], $0x80, $0x38;
	[tilespmem:$0x19000] =	vst v63  }
0x20a: {  	s9 =	sadd.s32 $0x12A00, s1  }
0x20b: {  	[hbm4b:s8+s3] =	stream.linear.scatter [tilespmem:s9], [sflag:$0x5], $0x80, $0x38;
	[tilespmem:$0x19000] =	vst v63  }
0x20c: {  	s12 =	sadd.s32 $0x12A88, s1;
	s13 =	sadd.s32 $0x10, s8  }
0x20d: {  	[hbm4b:s13+s3] =	stream.linear.scatter [tilespmem:s12], [sflag:$0x5], $0x80, $0x38;
	[tilespmem:$0x19000] =	vst v63  }
0x20e: {  	s10 =	sadd.s32 $0x12B10, s1;
	s11 =	sadd.s32 $0x20, s8  }
0x20f: {  	[hbm4b:s11+s3] =	stream.linear.scatter [tilespmem:s10], [sflag:$0x5], $0x80, $0x38;
	[tilespmem:$0x19000] =	vst v63  }
0x210: {  	s12 =	sadd.s32 $0x12B98, s1;
	s13 =	sadd.s32 $0x30, s8  }
0x211: {  	[hbm4b:s13+s3] =	stream.linear.scatter [tilespmem:s12], [sflag:$0x5], $0x80, $0x38;
	[tilespmem:$0x19000] =	vst v63  }
0x212: {  	s10 =	sadd.s32 $0x12C20, s1;
	s11 =	sadd.s32 $0x40, s8  }
0x213: {  	[hbm4b:s11+s3] =	stream.linear.scatter [tilespmem:s10], [sflag:$0x5], $0x80, $0x38;
	[tilespmem:$0x19000] =	vst v63  }
0x214: {  	s12 =	sadd.s32 $0x12CA8, s1;
	s13 =	sadd.s32 $0x50, s8  }
0x215: {  	[hbm4b:s13+s3] =	stream.linear.scatter [tilespmem:s12], [sflag:$0x5], $0x80, $0x38;
	[tilespmem:$0x19000] =	vst v63  }
0x216: {  	s10 =	sadd.s32 $0x12D30, s1;
	s11 =	sadd.s32 $0x60, s8  }
0x217: {  	[hbm4b:s11+s3] =	stream.linear.scatter [tilespmem:s10], [sflag:$0x5], $0x80, $0x38;
	[tilespmem:$0x19000] =	vst v63  }
0x218: {  	s12 =	sadd.s32 $0x12DB8, s1;
	s13 =	sadd.s32 $0x70, s8  }
0x219: {  	[hbm4b:s13+s3] =	stream.linear.scatter [tilespmem:s12], [sflag:$0x5], $0x80, $0x38;
	[tilespmem:$0x19000] =	vst v63  }
0x21a: {  	s9 =	simm.s32 $0x14C00;
	s8 =	sadd.s32 s0, s6  }
0x21b: {  	[hbm4b:s8+s3] =	stream.linear.scatter [tilespmem:s9], [sflag:$0x5], $0x80, $0x38;
	[tilespmem:$0x19000] =	vst v63  }
0x21c: {  	s10 =	simm.s32 $0x14C88;
	s11 =	sadd.s32 $0x10, s8  }
0x21d: {  	[hbm4b:s11+s3] =	stream.linear.scatter [tilespmem:s10], [sflag:$0x5], $0x80, $0x38;
	[tilespmem:$0x19000] =	vst v63  }
0x21e: {  	s1 =	simm.s32 $0x440;
	s12 =	simm.s32 $0x14D10;
	s13 =	sadd.s32 $0x20, s8  }
0x21f: {  	[hbm4b:s13+s3] =	stream.linear.scatter [tilespmem:s12], [sflag:$0x5], $0x80, $0x38;
	[tilespmem:$0x19000] =	vst v63  }
0x220: {  	s9 =	simm.s32 $0x2200;
	s10 =	simm.s32 $0x14D98;
	s11 =	sadd.s32 $0x30, s8  }
0x221: {  	[hbm4b:s11+s3] =	stream.linear.scatter [tilespmem:s10], [sflag:$0x5], $0x80, $0x38;
	[tilespmem:$0x19000] =	vst v63  }
0x222: {  	s12 =	simm.s32 $0x14E20;
	s13 =	sadd.s32 $0x40, s8;
	s10 =	simm.s32 $0x14EA8  }
0x223: {  	[hbm4b:s13+s3] =	stream.linear.scatter [tilespmem:s12], [sflag:$0x5], $0x80, $0x38;
	[tilespmem:$0x19000] =	vst v63  }
0x224: {  	s11 =	sadd.s32 $0x50, s8;
	s12 =	simm.s32 $0x14F30;
	s13 =	sadd.s32 $0x60, s8  }
0x225: {  	[hbm4b:s11+s3] =	stream.linear.scatter [tilespmem:s10], [sflag:$0x5], $0x80, $0x38;
	[tilespmem:$0x19000] =	vst v63  }
0x226: {  	s10 =	simm.s32 $0x14FB8;
	s11 =	sadd.s32 $0x70, s8;
	s8 =	sadd.s32 $0x4000, s8  }
0x227: {  	[hbm4b:s13+s3] =	stream.linear.scatter [tilespmem:s12], [sflag:$0x5], $0x80, $0x38;
	[tilespmem:$0x19000] =	vst v63  }
.LBB2_19:
0x228: {  	[hbm4b:s11+s3] =	stream.linear.scatter [tilespmem:s10], [sflag:$0x5], $0x80, $0x38;
	[tilespmem:$0x19000] =	vst v63  }
0x229: {  	s10 =	smov.u32 s1;
	s1 =	smov.u32 s9  }
0x22a: {  	s12 =	sadd.s32 $0x1100, s9;
	s1 =	sshra.s32 s1, $0x2;
	s11 =	sadd.s32 $0x14C00, s10  }
0x22b: {  	[hbm4b:s8+s3] =	stream.linear.scatter [tilespmem:s11], [sflag:$0x5], $0x80, $0x38;
	[tilespmem:$0x19000] =	vst v63  }
0x22c: {  	p0 =	sne.s32 s9, $0x7700;
	s9 =	sadd.s32 $0x14C88, s10;
	s11 =	sadd.s32 $0x10, s8  }
0x22d: {  	[hbm4b:s11+s3] =	stream.linear.scatter [tilespmem:s9], [sflag:$0x5], $0x80, $0x38;
	[tilespmem:$0x19000] =	vst v63  }
0x22e: {  	s9 =	sadd.s32 $0x14D10, s10;
	s11 =	sadd.s32 $0x20, s8  }
0x22f: {  	[hbm4b:s11+s3] =	stream.linear.scatter [tilespmem:s9], [sflag:$0x5], $0x80, $0x38;
	[tilespmem:$0x19000] =	vst v63  }
0x230: {  	s9 =	sadd.s32 $0x14D98, s10;
	s11 =	sadd.s32 $0x30, s8  }
0x231: {  	[hbm4b:s11+s3] =	stream.linear.scatter [tilespmem:s9], [sflag:$0x5], $0x80, $0x38;
	[tilespmem:$0x19000] =	vst v63  }
0x232: {  	s9 =	sadd.s32 $0x14E20, s10;
	s11 =	sadd.s32 $0x40, s8  }
0x233: {  	[hbm4b:s11+s3] =	stream.linear.scatter [tilespmem:s9], [sflag:$0x5], $0x80, $0x38;
	[tilespmem:$0x19000] =	vst v63  }
.Ltmp8:
0x234: {  	s9 =	sadd.s32 $0x14EA8, s10;
	s11 =	sadd.s32 $0x50, s8;
	(pc) =	sbr.rel @p0 .LBB2_19-.Ltmp8, $4  }
0x235: {  	[hbm4b:s11+s3] =	stream.linear.scatter [tilespmem:s9], [sflag:$0x5], $0x80, $0x38;
	[tilespmem:$0x19000] =	vst v63  }
0x236: {  	s9 =	sadd.s32 $0x14F30, s10;
	s11 =	sadd.s32 $0x60, s8;
	s10 =	sadd.s32 $0x14FB8, s10  }
0x237: {  	[hbm4b:s11+s3] =	stream.linear.scatter [tilespmem:s9], [sflag:$0x5], $0x80, $0x38;
	[tilespmem:$0x19000] =	vst v63  }
0x238: {  	s11 =	sadd.s32 $0x70, s8;
	s8 =	sadd.s32 $0x4000, s8;
	s9 =	smov.u32 s12  }
0x239: {  	[hbm4b:s11+s3] =	stream.linear.scatter [tilespmem:s10], [sflag:$0x5], $0x80, $0x38;
	[tilespmem:$0x19000] =	vst v63  }
0x23a: {  	s9 =	sadd.s32 $0x14C00, s1  }
0x23b: {  	[hbm4b:s8+s3] =	stream.linear.scatter [tilespmem:s9], [sflag:$0x5], $0x80, $0x38;
	[tilespmem:$0x19000] =	vst v63  }
0x23c: {  	s10 =	sadd.s32 $0x14C88, s1;
	s11 =	sadd.s32 $0x10, s8  }
0x23d: {  	[hbm4b:s11+s3] =	stream.linear.scatter [tilespmem:s10], [sflag:$0x5], $0x80, $0x38;
	[tilespmem:$0x19000] =	vst v63  }
0x23e: {  	s12 =	sadd.s32 $0x14D10, s1;
	s13 =	sadd.s32 $0x20, s8  }
0x23f: {  	[hbm4b:s13+s3] =	stream.linear.scatter [tilespmem:s12], [sflag:$0x5], $0x80, $0x38;
	[tilespmem:$0x19000] =	vst v63  }
0x240: {  	s10 =	sadd.s32 $0x14D98, s1;
	s11 =	sadd.s32 $0x30, s8  }
0x241: {  	[hbm4b:s11+s3] =	stream.linear.scatter [tilespmem:s10], [sflag:$0x5], $0x80, $0x38;
	[tilespmem:$0x19000] =	vst v63  }
0x242: {  	s12 =	sadd.s32 $0x14E20, s1;
	s13 =	sadd.s32 $0x40, s8  }
0x243: {  	[hbm4b:s13+s3] =	stream.linear.scatter [tilespmem:s12], [sflag:$0x5], $0x80, $0x38;
	[tilespmem:$0x19000] =	vst v63  }
0x244: {  	s10 =	sadd.s32 $0x14EA8, s1;
	s11 =	sadd.s32 $0x50, s8  }
0x245: {  	[hbm4b:s11+s3] =	stream.linear.scatter [tilespmem:s10], [sflag:$0x5], $0x80, $0x38;
	[tilespmem:$0x19000] =	vst v63  }
0x246: {  	s12 =	sadd.s32 $0x14F30, s1;
	s13 =	sadd.s32 $0x60, s8  }
0x247: {  	[hbm4b:s13+s3] =	stream.linear.scatter [tilespmem:s12], [sflag:$0x5], $0x80, $0x38;
	[tilespmem:$0x19000] =	vst v63  }
0x248: {  	s11 =	sadd.s32 $0x14FB8, s1;
	s12 =	sadd.s32 $0x70, s8  }
0x249: {  	[hbm4b:s12+s3] =	stream.linear.scatter [tilespmem:s11], [sflag:$0x5], $0x80, $0x38;
	[tilespmem:$0x19000] =	vst v63  }
0x24a: {  	s1 =	sadd.s32 s0, s21;
	s13 =	simm.s32 $0x16E00  }
0x24b: {  	[hbm4b:s1+s3] =	stream.linear.scatter [tilespmem:s13], [sflag:$0x5], $0x80, $0x38;
	[tilespmem:$0x19000] =	vst v63  }
0x24c: {  	s9 =	sadd.s32 $0x10, s1;
	s8 =	simm.s32 $0x16E88  }
0x24d: {  	[hbm4b:s9+s3] =	stream.linear.scatter [tilespmem:s8], [sflag:$0x5], $0x80, $0x38;
	[tilespmem:$0x19000] =	vst v63  }
0x24e: {  	s10 =	simm.s32 $0x16F10;
	s0 =	simm.s32 $0x440;
	s11 =	sadd.s32 $0x20, s1  }
0x24f: {  	[hbm4b:s11+s3] =	stream.linear.scatter [tilespmem:s10], [sflag:$0x5], $0x80, $0x38;
	[tilespmem:$0x19000] =	vst v63  }
0x250: {  	s12 =	simm.s32 $0x16F98;
	s13 =	sadd.s32 $0x30, s1;
	s8 =	simm.s32 $0x17020  }
0x251: {  	[hbm4b:s13+s3] =	stream.linear.scatter [tilespmem:s12], [sflag:$0x5], $0x80, $0x38;
	[tilespmem:$0x19000] =	vst v63  }
0x252: {  	s9 =	sadd.s32 $0x40, s1;
	s10 =	simm.s32 $0x170A8;
	s11 =	sadd.s32 $0x50, s1  }
0x253: {  	[hbm4b:s9+s3] =	stream.linear.scatter [tilespmem:s8], [sflag:$0x5], $0x80, $0x38;
	[tilespmem:$0x19000] =	vst v63  }
0x254: {  	s12 =	simm.s32 $0x17130;
	s13 =	sadd.s32 $0x60, s1;
	s8 =	simm.s32 $0x2200  }
0x255: {  	[hbm4b:s11+s3] =	stream.linear.scatter [tilespmem:s10], [sflag:$0x5], $0x80, $0x38;
	[tilespmem:$0x19000] =	vst v63  }
0x256: {  	s9 =	simm.s32 $0x171B8;
	s10 =	sadd.s32 $0x70, s1;
	s1 =	sadd.s32 $0x4000, s1  }
0x257: {  	[hbm4b:s13+s3] =	stream.linear.scatter [tilespmem:s12], [sflag:$0x5], $0x80, $0x38;
	[tilespmem:$0x19000] =	vst v63  }
.LBB2_21:
0x258: {  	[hbm4b:s10+s3] =	stream.linear.scatter [tilespmem:s9], [sflag:$0x5], $0x80, $0x38;
	[tilespmem:$0x19000] =	vst v63  }
0x259: {  	s9 =	smov.u32 s0;
	s0 =	smov.u32 s8  }
0x25a: {  	s11 =	sadd.s32 $0x1100, s8;
	s0 =	sshra.s32 s0, $0x2;
	s10 =	sadd.s32 $0x16E00, s9  }
0x25b: {  	[hbm4b:s1+s3] =	stream.linear.scatter [tilespmem:s10], [sflag:$0x5], $0x80, $0x38;
	[tilespmem:$0x19000] =	vst v63  }
0x25c: {  	p0 =	sne.s32 s8, $0x7700;
	s8 =	sadd.s32 $0x16E88, s9;
	s10 =	sadd.s32 $0x10, s1  }
0x25d: {  	[hbm4b:s10+s3] =	stream.linear.scatter [tilespmem:s8], [sflag:$0x5], $0x80, $0x38;
	[tilespmem:$0x19000] =	vst v63  }
0x25e: {  	s8 =	sadd.s32 $0x16F10, s9;
	s10 =	sadd.s32 $0x20, s1  }
0x25f: {  	[hbm4b:s10+s3] =	stream.linear.scatter [tilespmem:s8], [sflag:$0x5], $0x80, $0x38;
	[tilespmem:$0x19000] =	vst v63  }
0x260: {  	s8 =	sadd.s32 $0x16F98, s9;
	s10 =	sadd.s32 $0x30, s1  }
0x261: {  	[hbm4b:s10+s3] =	stream.linear.scatter [tilespmem:s8], [sflag:$0x5], $0x80, $0x38;
	[tilespmem:$0x19000] =	vst v63  }
0x262: {  	s8 =	sadd.s32 $0x17020, s9;
	s10 =	sadd.s32 $0x40, s1  }
0x263: {  	[hbm4b:s10+s3] =	stream.linear.scatter [tilespmem:s8], [sflag:$0x5], $0x80, $0x38;
	[tilespmem:$0x19000] =	vst v63  }
.Ltmp9:
0x264: {  	s8 =	sadd.s32 $0x170A8, s9;
	s10 =	sadd.s32 $0x50, s1;
	(pc) =	sbr.rel @p0 .LBB2_21-.Ltmp9, $4  }
0x265: {  	[hbm4b:s10+s3] =	stream.linear.scatter [tilespmem:s8], [sflag:$0x5], $0x80, $0x38;
	[tilespmem:$0x19000] =	vst v63  }
0x266: {  	s8 =	sadd.s32 $0x17130, s9;
	s10 =	sadd.s32 $0x60, s1;
	s9 =	sadd.s32 $0x171B8, s9  }
0x267: {  	[hbm4b:s10+s3] =	stream.linear.scatter [tilespmem:s8], [sflag:$0x5], $0x80, $0x38;
	[tilespmem:$0x19000] =	vst v63  }
0x268: {  	s10 =	sadd.s32 $0x70, s1;
	s1 =	sadd.s32 $0x4000, s1;
	s8 =	smov.u32 s11  }
0x269: {  	[hbm4b:s10+s3] =	stream.linear.scatter [tilespmem:s9], [sflag:$0x5], $0x80, $0x38;
	[tilespmem:$0x19000] =	vst v63  }
0x26a: {  	s8 =	sadd.s32 $0x16E00, s0  }
0x26b: {  	[hbm4b:s1+s3] =	stream.linear.scatter [tilespmem:s8], [sflag:$0x5], $0x80, $0x38;
	[tilespmem:$0x19000] =	vst v63  }
0x26c: {  	s12 =	sadd.s32 $0x16E88, s0;
	s13 =	sadd.s32 $0x10, s1  }
0x26d: {  	[hbm4b:s13+s3] =	stream.linear.scatter [tilespmem:s12], [sflag:$0x5], $0x80, $0x38;
	[tilespmem:$0x19000] =	vst v63  }
0x26e: {  	s10 =	sadd.s32 $0x16F10, s0;
	s11 =	sadd.s32 $0x20, s1  }
0x26f: {  	[hbm4b:s11+s3] =	stream.linear.scatter [tilespmem:s10], [sflag:$0x5], $0x80, $0x38;
	[tilespmem:$0x19000] =	vst v63  }
0x270: {  	s12 =	sadd.s32 $0x16F98, s0;
	s13 =	sadd.s32 $0x30, s1  }
0x271: {  	[hbm4b:s13+s3] =	stream.linear.scatter [tilespmem:s12], [sflag:$0x5], $0x80, $0x38;
	[tilespmem:$0x19000] =	vst v63  }
0x272: {  	s31 =	sadd.s32 $0x1, s31;
	s10 =	sadd.s32 $0x17020, s0;
	s11 =	sadd.s32 $0x40, s1  }
0x273: {  	[hbm4b:s11+s3] =	stream.linear.scatter [tilespmem:s10], [sflag:$0x5], $0x80, $0x38;
	[tilespmem:$0x19000] =	vst v63  }
0x274: {  	p0 =	sne.s32 s31, $0xC;
	s12 =	sadd.s32 $0x170A8, s0;
	s13 =	sadd.s32 $0x50, s1  }
0x275: {  	[hbm4b:s13+s3] =	stream.linear.scatter [tilespmem:s12], [sflag:$0x5], $0x80, $0x38;
	[tilespmem:$0x19000] =	vst v63  }
.Ltmp10:
0x276: {  	_ = 	snop;
	(pc) =	sbr.rel @p0 .LBB2_2-.Ltmp10, $4  }
0x277: {  	s10 =	sadd.s32 $0x17130, s0;
	s11 =	sadd.s32 $0x60, s1  }
0x278: {  	[hbm4b:s11+s3] =	stream.linear.scatter [tilespmem:s10], [sflag:$0x5], $0x80, $0x38;
	[tilespmem:$0x19000] =	vst v63  }
0x279: {  	s12 =	sadd.s32 $0x171B8, s0;
	s13 =	sadd.s32 $0x70, s1  }
0x27a: {  	[hbm4b:s13+s3] =	stream.linear.scatter [tilespmem:s12], [sflag:$0x5], $0x80, $0x38;
	[tilespmem:$0x19000] =	vst v63  }
0x27b: {  	_ =	swait.ge [sflag:s23], $0x8000  }
0x27c: {  	[sflag:s23] =	ssyncset.done $0x0  }
0x27d: {  	[sflag:s23] =	ssyncadd.s32 $0xFFFF8000  }
0x27e: {  	_ =	swait.ge [sflag:s7], $0x2000  }
0x27f: {  	[sflag:s7] =	ssyncset.done $0x0  }
0x280: {  	[sflag:s7] =	ssyncadd.s32 $0xFFFFE000  }
0x281: {  	_ =	swait.ge [sflag:s7], $0x2000  }
0x282: {  	[sflag:s7] =	ssyncset.done $0x0  }
0x283: {  	[sflag:s7] =	ssyncadd.s32 $0xFFFFE000  }
0x284: {  	s0 =	simm.s32 $0x0;
	_ =	swait.ge [sflag:s7], $0x2000  }
0x285: {  	v2 =	vmov s0;
	[sflag:s7] =	ssyncset.done $0x0  }
0x286: {  	v2 =	vmul.u32 $0x440, v2;
	[sflag:s7] =	ssyncadd.s32 $0xFFFFE000  }
0x287: {  	s11 =	simm.s32 $0x0;
	_ =	swait.ge [sflag:s7], $0x2000  }
0x288: {  	v3 =	vmov s11;
	v2 =	vbroadcast v2, $0x0;
	[sflag:s7] =	ssyncset.done $0x0  }
0x289: {  	s1 =	simm.s32 $0x810;
	v4 =	vand.u32 $0x78, v3;
	[sflag:s7] =	ssyncadd.s32 $0xFFFFE000  }
0x28a: {  	s12 =	simm.s32 $0x0;
	v3 =	vand.u32 $0x7, v3;
	v2 =	vadd.s32 v2, v4;
	v5 =	vld [tilespmem:s1+$0xFFFFFFF0]  }
0x28b: {  	v4 =	vmov s12;
	v3 =	vor.u32 v3, v2  }
0x28c: {  	v2 =	vmul.u32 $0x440, v4;
	v4 =	vadd.s32 v0, v3  }
0x28d: {  	s8 =	simm.s32 $0x1  }
0x28e: {  	s0 =	simm.s32 $0x830;
	v6 =	vmov s8;
	v2 =	vbroadcast v2, $0x0  }
0x28f: {  	v7 =	vand.u32 $0x78, v6;
	v8 =	vld [tilespmem:s0+$0xFFFFFFF0];
	v5 =	vmul.f32 $5.656854150e+00, v5  }
0x290: {  	s13 =	simm.s32 $0x0;
	v6 =	vand.u32 $0x7, v6;
	v2 =	vadd.s32 v2, v7  }
0x291: {  	v9 =	vmov s13;
	v2 =	vor.u32 v6, v2;
	[tilespmem:v4+s29+$0x0] =	vst.idx.msk $0xffff, v5  }
0x292: {  	s31 =	simm.s32 $0x2;
	v7 =	vmul.u32 $0x440, v9;
	v5 =	vadd.s32 v0, v2;
	v4 =	vld [tilespmem:s1+$0x0]  }
0x293: {  	v3 =	vadd.s32 v1, v3;
	v6 =	vmov s31  }
0x294: {  	s8 =	simm.s32 $0x3;
	v7 =	vbroadcast v7, $0x0;
	v9 =	vand.u32 $0x78, v6;
	v8 =	vmul.f32 $5.656854150e+00, v8;
	s1 =	simm.s32 $0x850  }
.LBB2_24:
0x295: {  	s9 =	sshrl.u32 s8, $0x7  }
0x296: {  	p0 =	sne.s32 s8, $0x3FF;
	v10 =	vld [tilespmem:s1+$0xFFFFFFF0];
	v6 =	vand.u32 $0x7, v6;
	v7 =	vadd.s32 v7, v9;
	s10 =	smov.u32 s8;
	s8 =	sadd.s32 $0x1, s8  }
.Ltmp11:
0x297: {  	v9 =	vmov s9;
	v11 =	vor.u32 v6, v7;
	[tilespmem:v5+s29+$0x0] =	vst.idx.msk $0xffff, v8;
	v6 =	vmul.f32 $5.656854150e+00, v4;
	(pc) =	sbr.rel @p0 .LBB2_24-.Ltmp11, $4  }
0x298: {  	v7 =	vmul.u32 $0x440, v9;
	v5 =	vadd.s32 v0, v11;
	v4 =	vld [tilespmem:s0+$0x0];
	s0 =	smov.u32 s1  }
0x299: {  	[tilespmem:v3+s29+$0x0] =	vst.idx.msk $0xffff, v6  }
0x29a: {  	v6 =	vmov s10;
	v3 =	vadd.s32 v1, v2;
	v2 =	vmovc v11;
	v7 =	vbroadcast v7, $0x0  }
0x29b: {  	s1 =	sadd.s32 $0x20, s1;
	v9 =	vand.u32 $0x78, v6;
	v8 =	vmul.f32 $5.656854150e+00, v10  }
0x29c: {  	v10 =	vld [tilespmem:s1+$0xFFFFFFF0];
	v6 =	vand.u32 $0x7, v6;
	v7 =	vadd.s32 v7, v9  }
0x29d: {  	v6 =	vor.u32 v6, v7  }
0x29e: {  	v7 =	vadd.s32 v0, v6;
	_ =	sdelay $0x2  }
0x29f: {  	v63 =	vmul.f32 $5.656854150e+00, v10  }
0x2a0: {  	[tilespmem:v5+s29+$0x0] =	vst.idx.msk $0xffff, v8  }
0x2a1: {  	v5 =	vld [tilespmem:s0+$0x0];
	[tilespmem:v7+s29+$0x0] =	vst.idx.msk $0xffff, v63  }
0x2a2: {  	v7 =	vld [tilespmem:s1+$0x0]  }
0x2a3: {  	v2 =	vadd.s32 v1, v2  }
0x2a4: {  	v6 =	vadd.s32 v1, v6  }
0x2a5: {  	v4 =	vmul.f32 $5.656854150e+00, v4  }
0x2a6: {  	v5 =	vmul.f32 $5.656854150e+00, v5  }
0x2a7: {  	[tilespmem:v3+s29+$0x0] =	vst.idx.msk $0xffff, v4;
	v3 =	vmul.f32 $5.656854150e+00, v7  }
0x2a8: {  	[tilespmem:v2+s29+$0x0] =	vst.idx.msk $0xffff, v5  }
0x2a9: {  	[tilespmem:v6+s29+$0x0] =	vst.idx.msk $0xffff, v3  }
0x2aa: {  	s1 =	simm.s32 $0x10800;
	s11 =	rddreg [dreg:$0x11]  }
0x2ab: {  	[hbm4b:s11+s3] =	stream.linear.scatter [tilespmem:s1], [sflag:$0x5], $0x80, $0x38;
	[tilespmem:$0x19000] =	vst v63  }
0x2ac: {  	s8 =	simm.s32 $0x10888;
	s9 =	sadd.s32 $0x10, s11  }
0x2ad: {  	[hbm4b:s9+s3] =	stream.linear.scatter [tilespmem:s8], [sflag:$0x5], $0x80, $0x38;
	[tilespmem:$0x19000] =	vst v63  }
0x2ae: {  	s10 =	simm.s32 $0x10910;
	s13 =	simm.s32 $0x10998;
	s12 =	sadd.s32 $0x20, s11  }
0x2af: {  	[hbm4b:s12+s3] =	stream.linear.scatter [tilespmem:s10], [sflag:$0x5], $0x80, $0x38;
	[tilespmem:$0x19000] =	vst v63  }
0x2b0: {  	s0 =	simm.s32 $0x440;
	s31 =	sadd.s32 $0x30, s11;
	s1 =	sadd.s32 $0x4000, s11  }
0x2b1: {  	[hbm4b:s31+s3] =	stream.linear.scatter [tilespmem:s13], [sflag:$0x5], $0x80, $0x38;
	[tilespmem:$0x19000] =	vst v63  }
0x2b2: {  	s8 =	simm.s32 $0x10A20;
	s9 =	sadd.s32 $0x40, s11;
	s10 =	simm.s32 $0x10AA8  }
0x2b3: {  	[hbm4b:s9+s3] =	stream.linear.scatter [tilespmem:s8], [sflag:$0x5], $0x80, $0x38;
	[tilespmem:$0x19000] =	vst v63  }
0x2b4: {  	s12 =	sadd.s32 $0x50, s11;
	s13 =	simm.s32 $0x10B30;
	s31 =	sadd.s32 $0x60, s11  }
0x2b5: {  	[hbm4b:s12+s3] =	stream.linear.scatter [tilespmem:s10], [sflag:$0x5], $0x80, $0x38;
	[tilespmem:$0x19000] =	vst v63  }
0x2b6: {  	s8 =	simm.s32 $0x2200;
	s9 =	simm.s32 $0x10BB8;
	s10 =	sadd.s32 $0x70, s11  }
0x2b7: {  	[hbm4b:s31+s3] =	stream.linear.scatter [tilespmem:s13], [sflag:$0x5], $0x80, $0x38;
	[tilespmem:$0x19000] =	vst v63  }
.LBB2_26:
0x2b8: {  	[hbm4b:s10+s3] =	stream.linear.scatter [tilespmem:s9], [sflag:$0x5], $0x80, $0x38;
	[tilespmem:$0x19000] =	vst v63  }
0x2b9: {  	s9 =	smov.u32 s0;
	s0 =	smov.u32 s8  }
0x2ba: {  	s11 =	sadd.s32 $0x1100, s8;
	s0 =	sshra.s32 s0, $0x2;
	s10 =	sadd.s32 $0x10800, s9  }
0x2bb: {  	[hbm4b:s1+s3] =	stream.linear.scatter [tilespmem:s10], [sflag:$0x5], $0x80, $0x38;
	[tilespmem:$0x19000] =	vst v63  }
0x2bc: {  	p0 =	sne.s32 s8, $0x7700;
	s8 =	sadd.s32 $0x10888, s9;
	s10 =	sadd.s32 $0x10, s1  }
0x2bd: {  	[hbm4b:s10+s3] =	stream.linear.scatter [tilespmem:s8], [sflag:$0x5], $0x80, $0x38;
	[tilespmem:$0x19000] =	vst v63  }
0x2be: {  	s8 =	sadd.s32 $0x10910, s9;
	s10 =	sadd.s32 $0x20, s1  }
0x2bf: {  	[hbm4b:s10+s3] =	stream.linear.scatter [tilespmem:s8], [sflag:$0x5], $0x80, $0x38;
	[tilespmem:$0x19000] =	vst v63  }
0x2c0: {  	s8 =	sadd.s32 $0x10998, s9;
	s10 =	sadd.s32 $0x30, s1  }
0x2c1: {  	[hbm4b:s10+s3] =	stream.linear.scatter [tilespmem:s8], [sflag:$0x5], $0x80, $0x38;
	[tilespmem:$0x19000] =	vst v63  }
0x2c2: {  	s8 =	sadd.s32 $0x10A20, s9;
	s10 =	sadd.s32 $0x40, s1  }
0x2c3: {  	[hbm4b:s10+s3] =	stream.linear.scatter [tilespmem:s8], [sflag:$0x5], $0x80, $0x38;
	[tilespmem:$0x19000] =	vst v63  }
.Ltmp12:
0x2c4: {  	s8 =	sadd.s32 $0x10AA8, s9;
	s10 =	sadd.s32 $0x50, s1;
	(pc) =	sbr.rel @p0 .LBB2_26-.Ltmp12, $4  }
0x2c5: {  	[hbm4b:s10+s3] =	stream.linear.scatter [tilespmem:s8], [sflag:$0x5], $0x80, $0x38;
	[tilespmem:$0x19000] =	vst v63  }
0x2c6: {  	s8 =	sadd.s32 $0x10B30, s9;
	s10 =	sadd.s32 $0x60, s1;
	s9 =	sadd.s32 $0x10BB8, s9  }
0x2c7: {  	[hbm4b:s10+s3] =	stream.linear.scatter [tilespmem:s8], [sflag:$0x5], $0x80, $0x38;
	[tilespmem:$0x19000] =	vst v63  }
0x2c8: {  	s10 =	sadd.s32 $0x70, s1;
	s1 =	sadd.s32 $0x4000, s1;
	s8 =	smov.u32 s11  }
0x2c9: {  	[hbm4b:s10+s3] =	stream.linear.scatter [tilespmem:s9], [sflag:$0x5], $0x80, $0x38;
	[tilespmem:$0x19000] =	vst v63  }
0x2ca: {  	s8 =	sadd.s32 $0x10800, s0  }
0x2cb: {  	[hbm4b:s1+s3] =	stream.linear.scatter [tilespmem:s8], [sflag:$0x5], $0x80, $0x38;
	[tilespmem:$0x19000] =	vst v63  }
0x2cc: {  	s13 =	sadd.s32 $0x10888, s0;
	s31 =	sadd.s32 $0x10, s1  }
0x2cd: {  	[hbm4b:s31+s3] =	stream.linear.scatter [tilespmem:s13], [sflag:$0x5], $0x80, $0x38;
	[tilespmem:$0x19000] =	vst v63  }
0x2ce: {  	s9 =	sadd.s32 $0x10910, s0;
	s10 =	sadd.s32 $0x20, s1  }
0x2cf: {  	[hbm4b:s10+s3] =	stream.linear.scatter [tilespmem:s9], [sflag:$0x5], $0x80, $0x38;
	[tilespmem:$0x19000] =	vst v63  }
0x2d0: {  	s11 =	sadd.s32 $0x10998, s0;
	s12 =	sadd.s32 $0x30, s1  }
0x2d1: {  	[hbm4b:s12+s3] =	stream.linear.scatter [tilespmem:s11], [sflag:$0x5], $0x80, $0x38;
	[tilespmem:$0x19000] =	vst v63  }
0x2d2: {  	s13 =	sadd.s32 $0x10A20, s0;
	s31 =	sadd.s32 $0x40, s1  }
0x2d3: {  	[hbm4b:s31+s3] =	stream.linear.scatter [tilespmem:s13], [sflag:$0x5], $0x80, $0x38;
	[tilespmem:$0x19000] =	vst v63  }
0x2d4: {  	s9 =	sadd.s32 $0x10AA8, s0;
	s10 =	sadd.s32 $0x50, s1  }
0x2d5: {  	[hbm4b:s10+s3] =	stream.linear.scatter [tilespmem:s9], [sflag:$0x5], $0x80, $0x38;
	[tilespmem:$0x19000] =	vst v63  }
0x2d6: {  	s11 =	sadd.s32 $0x10B30, s0;
	s12 =	sadd.s32 $0x60, s1  }
0x2d7: {  	[hbm4b:s12+s3] =	stream.linear.scatter [tilespmem:s11], [sflag:$0x5], $0x80, $0x38;
	[tilespmem:$0x19000] =	vst v63  }
0x2d8: {  	s13 =	sadd.s32 $0x10BB8, s0;
	s31 =	sadd.s32 $0x70, s1  }
0x2d9: {  	[hbm4b:s31+s3] =	stream.linear.scatter [tilespmem:s13], [sflag:$0x5], $0x80, $0x38;
	[tilespmem:$0x19000] =	vst v63  }
0x2da: {  	s1 =	simm.s32 $0x12A00;
	s11 =	rddreg [dreg:$0x12]  }
0x2db: {  	[hbm4b:s11+s3] =	stream.linear.scatter [tilespmem:s1], [sflag:$0x5], $0x80, $0x38;
	[tilespmem:$0x19000] =	vst v63  }
0x2dc: {  	s8 =	simm.s32 $0x12A88;
	s9 =	sadd.s32 $0x10, s11  }
0x2dd: {  	[hbm4b:s9+s3] =	stream.linear.scatter [tilespmem:s8], [sflag:$0x5], $0x80, $0x38;
	[tilespmem:$0x19000] =	vst v63  }
0x2de: {  	s0 =	simm.s32 $0x440;
	s10 =	simm.s32 $0x12B10;
	s12 =	sadd.s32 $0x20, s11  }
0x2df: {  	[hbm4b:s12+s3] =	stream.linear.scatter [tilespmem:s10], [sflag:$0x5], $0x80, $0x38;
	[tilespmem:$0x19000] =	vst v63  }
0x2e0: {  	s13 =	simm.s32 $0x12B98;
	s31 =	sadd.s32 $0x30, s11;
	s1 =	sadd.s32 $0x4000, s11  }
0x2e1: {  	[hbm4b:s31+s3] =	stream.linear.scatter [tilespmem:s13], [sflag:$0x5], $0x80, $0x38;
	[tilespmem:$0x19000] =	vst v63  }
0x2e2: {  	s8 =	simm.s32 $0x12C20;
	s9 =	sadd.s32 $0x40, s11;
	s10 =	simm.s32 $0x12CA8  }
0x2e3: {  	[hbm4b:s9+s3] =	stream.linear.scatter [tilespmem:s8], [sflag:$0x5], $0x80, $0x38;
	[tilespmem:$0x19000] =	vst v63  }
0x2e4: {  	s12 =	sadd.s32 $0x50, s11;
	s13 =	simm.s32 $0x12D30;
	s31 =	sadd.s32 $0x60, s11  }
0x2e5: {  	[hbm4b:s12+s3] =	stream.linear.scatter [tilespmem:s10], [sflag:$0x5], $0x80, $0x38;
	[tilespmem:$0x19000] =	vst v63  }
0x2e6: {  	s8 =	simm.s32 $0x2200;
	s9 =	simm.s32 $0x12DB8;
	s10 =	sadd.s32 $0x70, s11  }
0x2e7: {  	[hbm4b:s31+s3] =	stream.linear.scatter [tilespmem:s13], [sflag:$0x5], $0x80, $0x38;
	[tilespmem:$0x19000] =	vst v63  }
.LBB2_28:
0x2e8: {  	[hbm4b:s10+s3] =	stream.linear.scatter [tilespmem:s9], [sflag:$0x5], $0x80, $0x38;
	[tilespmem:$0x19000] =	vst v63  }
0x2e9: {  	s9 =	smov.u32 s0;
	s0 =	smov.u32 s8  }
0x2ea: {  	s11 =	sadd.s32 $0x1100, s8;
	s0 =	sshra.s32 s0, $0x2;
	s10 =	sadd.s32 $0x12A00, s9  }
0x2eb: {  	[hbm4b:s1+s3] =	stream.linear.scatter [tilespmem:s10], [sflag:$0x5], $0x80, $0x38;
	[tilespmem:$0x19000] =	vst v63  }
0x2ec: {  	p0 =	sne.s32 s8, $0x7700;
	s8 =	sadd.s32 $0x12A88, s9;
	s10 =	sadd.s32 $0x10, s1  }
0x2ed: {  	[hbm4b:s10+s3] =	stream.linear.scatter [tilespmem:s8], [sflag:$0x5], $0x80, $0x38;
	[tilespmem:$0x19000] =	vst v63  }
0x2ee: {  	s8 =	sadd.s32 $0x12B10, s9;
	s10 =	sadd.s32 $0x20, s1  }
0x2ef: {  	[hbm4b:s10+s3] =	stream.linear.scatter [tilespmem:s8], [sflag:$0x5], $0x80, $0x38;
	[tilespmem:$0x19000] =	vst v63  }
0x2f0: {  	s8 =	sadd.s32 $0x12B98, s9;
	s10 =	sadd.s32 $0x30, s1  }
0x2f1: {  	[hbm4b:s10+s3] =	stream.linear.scatter [tilespmem:s8], [sflag:$0x5], $0x80, $0x38;
	[tilespmem:$0x19000] =	vst v63  }
0x2f2: {  	s8 =	sadd.s32 $0x12C20, s9;
	s10 =	sadd.s32 $0x40, s1  }
0x2f3: {  	[hbm4b:s10+s3] =	stream.linear.scatter [tilespmem:s8], [sflag:$0x5], $0x80, $0x38;
	[tilespmem:$0x19000] =	vst v63  }
.Ltmp13:
0x2f4: {  	s8 =	sadd.s32 $0x12CA8, s9;
	s10 =	sadd.s32 $0x50, s1;
	(pc) =	sbr.rel @p0 .LBB2_28-.Ltmp13, $4  }
0x2f5: {  	[hbm4b:s10+s3] =	stream.linear.scatter [tilespmem:s8], [sflag:$0x5], $0x80, $0x38;
	[tilespmem:$0x19000] =	vst v63  }
0x2f6: {  	s8 =	sadd.s32 $0x12D30, s9;
	s10 =	sadd.s32 $0x60, s1;
	s9 =	sadd.s32 $0x12DB8, s9  }
0x2f7: {  	[hbm4b:s10+s3] =	stream.linear.scatter [tilespmem:s8], [sflag:$0x5], $0x80, $0x38;
	[tilespmem:$0x19000] =	vst v63  }
0x2f8: {  	s10 =	sadd.s32 $0x70, s1;
	s1 =	sadd.s32 $0x4000, s1;
	s8 =	smov.u32 s11  }
0x2f9: {  	[hbm4b:s10+s3] =	stream.linear.scatter [tilespmem:s9], [sflag:$0x5], $0x80, $0x38;
	[tilespmem:$0x19000] =	vst v63  }
0x2fa: {  	s8 =	sadd.s32 $0x12A00, s0  }
0x2fb: {  	[hbm4b:s1+s3] =	stream.linear.scatter [tilespmem:s8], [sflag:$0x5], $0x80, $0x38;
	[tilespmem:$0x19000] =	vst v63  }
0x2fc: {  	s13 =	sadd.s32 $0x12A88, s0;
	s31 =	sadd.s32 $0x10, s1  }
0x2fd: {  	[hbm4b:s31+s3] =	stream.linear.scatter [tilespmem:s13], [sflag:$0x5], $0x80, $0x38;
	[tilespmem:$0x19000] =	vst v63  }
0x2fe: {  	s9 =	sadd.s32 $0x12B10, s0;
	s10 =	sadd.s32 $0x20, s1  }
0x2ff: {  	[hbm4b:s10+s3] =	stream.linear.scatter [tilespmem:s9], [sflag:$0x5], $0x80, $0x38;
	[tilespmem:$0x19000] =	vst v63  }
0x300: {  	s11 =	sadd.s32 $0x12B98, s0;
	s12 =	sadd.s32 $0x30, s1  }
0x301: {  	[hbm4b:s12+s3] =	stream.linear.scatter [tilespmem:s11], [sflag:$0x5], $0x80, $0x38;
	[tilespmem:$0x19000] =	vst v63  }
0x302: {  	s13 =	sadd.s32 $0x12C20, s0;
	s31 =	sadd.s32 $0x40, s1  }
0x303: {  	[hbm4b:s31+s3] =	stream.linear.scatter [tilespmem:s13], [sflag:$0x5], $0x80, $0x38;
	[tilespmem:$0x19000] =	vst v63  }
0x304: {  	s9 =	sadd.s32 $0x12CA8, s0;
	s10 =	sadd.s32 $0x50, s1  }
0x305: {  	[hbm4b:s10+s3] =	stream.linear.scatter [tilespmem:s9], [sflag:$0x5], $0x80, $0x38;
	[tilespmem:$0x19000] =	vst v63  }
0x306: {  	s11 =	sadd.s32 $0x12D30, s0;
	s12 =	sadd.s32 $0x60, s1  }
0x307: {  	[hbm4b:s12+s3] =	stream.linear.scatter [tilespmem:s11], [sflag:$0x5], $0x80, $0x38;
	[tilespmem:$0x19000] =	vst v63  }
0x308: {  	s13 =	sadd.s32 $0x12DB8, s0;
	s31 =	sadd.s32 $0x70, s1  }
0x309: {  	[hbm4b:s31+s3] =	stream.linear.scatter [tilespmem:s13], [sflag:$0x5], $0x80, $0x38;
	[tilespmem:$0x19000] =	vst v63  }
0x30a: {  	s1 =	simm.s32 $0x14C00;
	s11 =	rddreg [dreg:$0x13]  }
0x30b: {  	[hbm4b:s11+s3] =	stream.linear.scatter [tilespmem:s1], [sflag:$0x5], $0x80, $0x38;
	[tilespmem:$0x19000] =	vst v63  }
0x30c: {  	s8 =	simm.s32 $0x14C88;
	s9 =	sadd.s32 $0x10, s11  }
0x30d: {  	[hbm4b:s9+s3] =	stream.linear.scatter [tilespmem:s8], [sflag:$0x5], $0x80, $0x38;
	[tilespmem:$0x19000] =	vst v63  }
0x30e: {  	s0 =	simm.s32 $0x440;
	s10 =	simm.s32 $0x14D10;
	s12 =	sadd.s32 $0x20, s11  }
0x30f: {  	[hbm4b:s12+s3] =	stream.linear.scatter [tilespmem:s10], [sflag:$0x5], $0x80, $0x38;
	[tilespmem:$0x19000] =	vst v63  }
0x310: {  	s13 =	simm.s32 $0x14D98;
	s31 =	sadd.s32 $0x30, s11;
	s1 =	sadd.s32 $0x4000, s11  }
0x311: {  	[hbm4b:s31+s3] =	stream.linear.scatter [tilespmem:s13], [sflag:$0x5], $0x80, $0x38;
	[tilespmem:$0x19000] =	vst v63  }
0x312: {  	s8 =	simm.s32 $0x14E20;
	s9 =	sadd.s32 $0x40, s11;
	s10 =	simm.s32 $0x14EA8  }
0x313: {  	[hbm4b:s9+s3] =	stream.linear.scatter [tilespmem:s8], [sflag:$0x5], $0x80, $0x38;
	[tilespmem:$0x19000] =	vst v63  }
0x314: {  	s12 =	sadd.s32 $0x50, s11;
	s13 =	simm.s32 $0x14F30;
	s31 =	sadd.s32 $0x60, s11  }
0x315: {  	[hbm4b:s12+s3] =	stream.linear.scatter [tilespmem:s10], [sflag:$0x5], $0x80, $0x38;
	[tilespmem:$0x19000] =	vst v63  }
0x316: {  	s8 =	simm.s32 $0x2200;
	s9 =	simm.s32 $0x14FB8;
	s10 =	sadd.s32 $0x70, s11  }
0x317: {  	[hbm4b:s31+s3] =	stream.linear.scatter [tilespmem:s13], [sflag:$0x5], $0x80, $0x38;
	[tilespmem:$0x19000] =	vst v63  }
.LBB2_30:
0x318: {  	[hbm4b:s10+s3] =	stream.linear.scatter [tilespmem:s9], [sflag:$0x5], $0x80, $0x38;
	[tilespmem:$0x19000] =	vst v63  }
0x319: {  	s9 =	smov.u32 s0;
	s0 =	smov.u32 s8  }
0x31a: {  	s11 =	sadd.s32 $0x1100, s8;
	s0 =	sshra.s32 s0, $0x2;
	s10 =	sadd.s32 $0x14C00, s9  }
0x31b: {  	[hbm4b:s1+s3] =	stream.linear.scatter [tilespmem:s10], [sflag:$0x5], $0x80, $0x38;
	[tilespmem:$0x19000] =	vst v63  }
0x31c: {  	p0 =	sne.s32 s8, $0x7700;
	s8 =	sadd.s32 $0x14C88, s9;
	s10 =	sadd.s32 $0x10, s1  }
0x31d: {  	[hbm4b:s10+s3] =	stream.linear.scatter [tilespmem:s8], [sflag:$0x5], $0x80, $0x38;
	[tilespmem:$0x19000] =	vst v63  }
0x31e: {  	s8 =	sadd.s32 $0x14D10, s9;
	s10 =	sadd.s32 $0x20, s1  }
0x31f: {  	[hbm4b:s10+s3] =	stream.linear.scatter [tilespmem:s8], [sflag:$0x5], $0x80, $0x38;
	[tilespmem:$0x19000] =	vst v63  }
0x320: {  	s8 =	sadd.s32 $0x14D98, s9;
	s10 =	sadd.s32 $0x30, s1  }
0x321: {  	[hbm4b:s10+s3] =	stream.linear.scatter [tilespmem:s8], [sflag:$0x5], $0x80, $0x38;
	[tilespmem:$0x19000] =	vst v63  }
0x322: {  	s8 =	sadd.s32 $0x14E20, s9;
	s10 =	sadd.s32 $0x40, s1  }
0x323: {  	[hbm4b:s10+s3] =	stream.linear.scatter [tilespmem:s8], [sflag:$0x5], $0x80, $0x38;
	[tilespmem:$0x19000] =	vst v63  }
.Ltmp14:
0x324: {  	s8 =	sadd.s32 $0x14EA8, s9;
	s10 =	sadd.s32 $0x50, s1;
	(pc) =	sbr.rel @p0 .LBB2_30-.Ltmp14, $4  }
0x325: {  	[hbm4b:s10+s3] =	stream.linear.scatter [tilespmem:s8], [sflag:$0x5], $0x80, $0x38;
	[tilespmem:$0x19000] =	vst v63  }
0x326: {  	s8 =	sadd.s32 $0x14F30, s9;
	s10 =	sadd.s32 $0x60, s1;
	s9 =	sadd.s32 $0x14FB8, s9  }
0x327: {  	[hbm4b:s10+s3] =	stream.linear.scatter [tilespmem:s8], [sflag:$0x5], $0x80, $0x38;
	[tilespmem:$0x19000] =	vst v63  }
0x328: {  	s10 =	sadd.s32 $0x70, s1;
	s1 =	sadd.s32 $0x4000, s1;
	s8 =	smov.u32 s11  }
0x329: {  	[hbm4b:s10+s3] =	stream.linear.scatter [tilespmem:s9], [sflag:$0x5], $0x80, $0x38;
	[tilespmem:$0x19000] =	vst v63  }
0x32a: {  	s8 =	sadd.s32 $0x14C00, s0  }
0x32b: {  	[hbm4b:s1+s3] =	stream.linear.scatter [tilespmem:s8], [sflag:$0x5], $0x80, $0x38;
	[tilespmem:$0x19000] =	vst v63  }
0x32c: {  	s13 =	sadd.s32 $0x14C88, s0;
	s31 =	sadd.s32 $0x10, s1  }
0x32d: {  	[hbm4b:s31+s3] =	stream.linear.scatter [tilespmem:s13], [sflag:$0x5], $0x80, $0x38;
	[tilespmem:$0x19000] =	vst v63  }
0x32e: {  	s9 =	sadd.s32 $0x14D10, s0;
	s10 =	sadd.s32 $0x20, s1  }
0x32f: {  	[hbm4b:s10+s3] =	stream.linear.scatter [tilespmem:s9], [sflag:$0x5], $0x80, $0x38;
	[tilespmem:$0x19000] =	vst v63  }
0x330: {  	s11 =	sadd.s32 $0x14D98, s0;
	s12 =	sadd.s32 $0x30, s1  }
0x331: {  	[hbm4b:s12+s3] =	stream.linear.scatter [tilespmem:s11], [sflag:$0x5], $0x80, $0x38;
	[tilespmem:$0x19000] =	vst v63  }
0x332: {  	s13 =	sadd.s32 $0x14E20, s0;
	s31 =	sadd.s32 $0x40, s1  }
0x333: {  	[hbm4b:s31+s3] =	stream.linear.scatter [tilespmem:s13], [sflag:$0x5], $0x80, $0x38;
	[tilespmem:$0x19000] =	vst v63  }
0x334: {  	s9 =	sadd.s32 $0x14EA8, s0;
	s10 =	sadd.s32 $0x50, s1  }
0x335: {  	[hbm4b:s10+s3] =	stream.linear.scatter [tilespmem:s9], [sflag:$0x5], $0x80, $0x38;
	[tilespmem:$0x19000] =	vst v63  }
0x336: {  	s11 =	sadd.s32 $0x14F30, s0;
	s12 =	sadd.s32 $0x60, s1  }
0x337: {  	[hbm4b:s12+s3] =	stream.linear.scatter [tilespmem:s11], [sflag:$0x5], $0x80, $0x38;
	[tilespmem:$0x19000] =	vst v63  }
0x338: {  	s13 =	sadd.s32 $0x14FB8, s0;
	s31 =	sadd.s32 $0x70, s1  }
0x339: {  	[hbm4b:s31+s3] =	stream.linear.scatter [tilespmem:s13], [sflag:$0x5], $0x80, $0x38;
	[tilespmem:$0x19000] =	vst v63  }
0x33a: {  	s1 =	simm.s32 $0x16E00;
	s11 =	rddreg [dreg:$0x14]  }
0x33b: {  	[hbm4b:s11+s3] =	stream.linear.scatter [tilespmem:s1], [sflag:$0x5], $0x80, $0x38;
	[tilespmem:$0x19000] =	vst v63  }
0x33c: {  	s8 =	simm.s32 $0x16E88;
	s9 =	sadd.s32 $0x10, s11  }
0x33d: {  	[hbm4b:s9+s3] =	stream.linear.scatter [tilespmem:s8], [sflag:$0x5], $0x80, $0x38;
	[tilespmem:$0x19000] =	vst v63  }
0x33e: {  	s0 =	simm.s32 $0x440;
	s10 =	simm.s32 $0x16F10;
	s12 =	sadd.s32 $0x20, s11  }
0x33f: {  	[hbm4b:s12+s3] =	stream.linear.scatter [tilespmem:s10], [sflag:$0x5], $0x80, $0x38;
	[tilespmem:$0x19000] =	vst v63  }
0x340: {  	s13 =	simm.s32 $0x16F98;
	s31 =	sadd.s32 $0x30, s11;
	s1 =	sadd.s32 $0x4000, s11  }
0x341: {  	[hbm4b:s31+s3] =	stream.linear.scatter [tilespmem:s13], [sflag:$0x5], $0x80, $0x38;
	[tilespmem:$0x19000] =	vst v63  }
0x342: {  	s8 =	simm.s32 $0x17020;
	s9 =	sadd.s32 $0x40, s11;
	s10 =	simm.s32 $0x170A8  }
0x343: {  	[hbm4b:s9+s3] =	stream.linear.scatter [tilespmem:s8], [sflag:$0x5], $0x80, $0x38;
	[tilespmem:$0x19000] =	vst v63  }
0x344: {  	s12 =	sadd.s32 $0x50, s11;
	s13 =	simm.s32 $0x17130;
	s31 =	sadd.s32 $0x60, s11  }
0x345: {  	[hbm4b:s12+s3] =	stream.linear.scatter [tilespmem:s10], [sflag:$0x5], $0x80, $0x38;
	[tilespmem:$0x19000] =	vst v63  }
0x346: {  	s8 =	simm.s32 $0x2200;
	s9 =	simm.s32 $0x171B8;
	s10 =	sadd.s32 $0x70, s11  }
0x347: {  	[hbm4b:s31+s3] =	stream.linear.scatter [tilespmem:s13], [sflag:$0x5], $0x80, $0x38;
	[tilespmem:$0x19000] =	vst v63  }
.LBB2_32:
0x348: {  	[hbm4b:s10+s3] =	stream.linear.scatter [tilespmem:s9], [sflag:$0x5], $0x80, $0x38;
	[tilespmem:$0x19000] =	vst v63  }
0x349: {  	s9 =	smov.u32 s0;
	s0 =	smov.u32 s8  }
0x34a: {  	s11 =	sadd.s32 $0x1100, s8;
	s0 =	sshra.s32 s0, $0x2;
	s10 =	sadd.s32 $0x16E00, s9  }
0x34b: {  	[hbm4b:s1+s3] =	stream.linear.scatter [tilespmem:s10], [sflag:$0x5], $0x80, $0x38;
	[tilespmem:$0x19000] =	vst v63  }
0x34c: {  	p0 =	sne.s32 s8, $0x7700;
	s8 =	sadd.s32 $0x16E88, s9;
	s10 =	sadd.s32 $0x10, s1  }
0x34d: {  	[hbm4b:s10+s3] =	stream.linear.scatter [tilespmem:s8], [sflag:$0x5], $0x80, $0x38;
	[tilespmem:$0x19000] =	vst v63  }
0x34e: {  	s8 =	sadd.s32 $0x16F10, s9;
	s10 =	sadd.s32 $0x20, s1  }
0x34f: {  	[hbm4b:s10+s3] =	stream.linear.scatter [tilespmem:s8], [sflag:$0x5], $0x80, $0x38;
	[tilespmem:$0x19000] =	vst v63  }
0x350: {  	s8 =	sadd.s32 $0x16F98, s9;
	s10 =	sadd.s32 $0x30, s1  }
0x351: {  	[hbm4b:s10+s3] =	stream.linear.scatter [tilespmem:s8], [sflag:$0x5], $0x80, $0x38;
	[tilespmem:$0x19000] =	vst v63  }
0x352: {  	s8 =	sadd.s32 $0x17020, s9;
	s10 =	sadd.s32 $0x40, s1  }
0x353: {  	[hbm4b:s10+s3] =	stream.linear.scatter [tilespmem:s8], [sflag:$0x5], $0x80, $0x38;
	[tilespmem:$0x19000] =	vst v63  }
.Ltmp15:
0x354: {  	s8 =	sadd.s32 $0x170A8, s9;
	s10 =	sadd.s32 $0x50, s1;
	(pc) =	sbr.rel @p0 .LBB2_32-.Ltmp15, $4  }
0x355: {  	[hbm4b:s10+s3] =	stream.linear.scatter [tilespmem:s8], [sflag:$0x5], $0x80, $0x38;
	[tilespmem:$0x19000] =	vst v63  }
0x356: {  	s8 =	sadd.s32 $0x17130, s9;
	s10 =	sadd.s32 $0x60, s1;
	s9 =	sadd.s32 $0x171B8, s9  }
0x357: {  	[hbm4b:s10+s3] =	stream.linear.scatter [tilespmem:s8], [sflag:$0x5], $0x80, $0x38;
	[tilespmem:$0x19000] =	vst v63  }
0x358: {  	s10 =	sadd.s32 $0x70, s1;
	s1 =	sadd.s32 $0x4000, s1;
	s8 =	smov.u32 s11  }
0x359: {  	[hbm4b:s10+s3] =	stream.linear.scatter [tilespmem:s9], [sflag:$0x5], $0x80, $0x38;
	[tilespmem:$0x19000] =	vst v63  }
0x35a: {  	s8 =	sadd.s32 $0x16E00, s0  }
0x35b: {  	[hbm4b:s1+s3] =	stream.linear.scatter [tilespmem:s8], [sflag:$0x5], $0x80, $0x38;
	[tilespmem:$0x19000] =	vst v63  }
0x35c: {  	s11 =	sadd.s32 $0x16E88, s0;
	s12 =	sadd.s32 $0x10, s1  }
0x35d: {  	[hbm4b:s12+s3] =	stream.linear.scatter [tilespmem:s11], [sflag:$0x5], $0x80, $0x38;
	[tilespmem:$0x19000] =	vst v63  }
0x35e: {  	s13 =	sadd.s32 $0x16F10, s0;
	s31 =	sadd.s32 $0x20, s1  }
0x35f: {  	[hbm4b:s31+s3] =	stream.linear.scatter [tilespmem:s13], [sflag:$0x5], $0x80, $0x38;
	[tilespmem:$0x19000] =	vst v63  }
0x360: {  	s9 =	sadd.s32 $0x16F98, s0;
	s10 =	sadd.s32 $0x30, s1  }
0x361: {  	[hbm4b:s10+s3] =	stream.linear.scatter [tilespmem:s9], [sflag:$0x5], $0x80, $0x38;
	[tilespmem:$0x19000] =	vst v63  }
0x362: {  	s11 =	sadd.s32 $0x17020, s0;
	s12 =	sadd.s32 $0x40, s1  }
0x363: {  	[hbm4b:s12+s3] =	stream.linear.scatter [tilespmem:s11], [sflag:$0x5], $0x80, $0x38;
	[tilespmem:$0x19000] =	vst v63  }
0x364: {  	s13 =	sadd.s32 $0x170A8, s0;
	s31 =	sadd.s32 $0x50, s1  }
0x365: {  	[hbm4b:s31+s3] =	stream.linear.scatter [tilespmem:s13], [sflag:$0x5], $0x80, $0x38;
	[tilespmem:$0x19000] =	vst v63  }
0x366: {  	s9 =	sadd.s32 $0x17130, s0;
	s10 =	sadd.s32 $0x60, s1  }
0x367: {  	[hbm4b:s10+s3] =	stream.linear.scatter [tilespmem:s9], [sflag:$0x5], $0x80, $0x38;
	[tilespmem:$0x19000] =	vst v63  }
0x368: {  	s11 =	sadd.s32 $0x171B8, s0;
	s12 =	sadd.s32 $0x70, s1  }
0x369: {  	[hbm4b:s12+s3] =	stream.linear.scatter [tilespmem:s11], [sflag:$0x5], $0x80, $0x38;
	[tilespmem:$0x19000] =	vst v63  }
0x36a: {  	_ =	swait.ge [sflag:s7], $0x2000  }
0x36b: {  	[sflag:s7] =	ssyncset.done $0x0  }
0x36c: {  	[sflag:s7] =	ssyncadd.s32 $0xFFFFE000  }
0x36d: {  	_ =	swait.ge [sflag:s7], $0x2000  }
0x36e: {  	[sflag:s7] =	ssyncset.done $0x0  }
0x36f: {  	[sflag:s7] =	ssyncadd.s32 $0xFFFFE000  }
0x370: {  	_ =	swait.ge [sflag:s7], $0x2000  }
0x371: {  	[sflag:s7] =	ssyncset.done $0x0  }
0x372: {  	[sflag:s7] =	ssyncadd.s32 $0xFFFFE000  }
0x373: {  	_ =	swait.ge [sflag:s7], $0x2000  }
0x374: {  	s13 =	sld [smem:$0x7F9];
	_ =	sdelay $0x2  }
0x375: {  	s31 =	rddreg [dreg:$0x15];
	s1 =	sadd.s32 $0x1, s13  }
0x376: {  	p0 =	sne.s32 s1, s31  }
.Ltmp16:
0x377: {  	_ = 	snop;
	(pc) =	sbr.rel @p0 .LBB2_1-.Ltmp16, $3  }
0x378: {  	_ =	sdelay $0x1  }
0x379: {  	[sflag:s7] =	ssyncset.done $0x0  }
0x37a: {  	[sflag:s7] =	ssyncadd.s32 $0xFFFFE000  }
0x37b: {  	_ =	sfence.sel $0x180000  }
0x37c: {  	[bflag:$0x0] =	sbarrier.arrive $0xFFFF  }
0x37d: {  	_ =	strace $0x90000047  }
0x37e: {  	s0 =	stileid.u32;
	[bflag:$0x2] =	sbarrier.arrive $0xFFFF  }
0x37f: {  	p0 =	sne.s32 s0, $0x0;
	s0 =	rddreg [dreg:$0x2]  }
0x380: {  	s0 =	sadd.s32 @!p0 $0x100000, s0  }
0x381: {  	[sflag:s0] =	ssyncadd.tile.s32 @!p0 $0x1;
	_ =	shalt  }
.Lfunc_end2:
_tile_overlayer_lowered:
.L_overlay_start_2:
0x382: {  	(tag) =	ssettag $0x2  }
0x383: {  	s0 =	rddreg [dreg:$0x0];
	s2 =	stileid.u32  }
0x384: {  	s1 =	rddreg [dreg:$0x1];
	p0 =	sne.s32 s2, $0x0  }
0x385: {  	s3 =	rddreg [dreg:$0x2];
	[bflag:$0x3] =	sbarrier.arrive $0xFFFF;
	s2 =	simm.s32 @!p0 $0x1C06  }
0x386: {  	[timem:s3], [sflag:s2] =	dma.local @!p0 [hbm:s0], s1  }
0x387: {  	s0 =	simm.s32 @!p0 $0x6  }
0x388: {  	_ =	swait.ge @!p0 [sflag:s0], s1  }
0x389: {  	s1 =	ssub.s32 @!p0 $0x0, s1;
	[sflag:s0] =	ssyncset.done @!p0 $0x0  }
0x38a: {  	[sflag:s0] =	ssyncadd.s32 @!p0 s1  }
0x38b: {  	[bflag:$0x3] =	sbarrier.arrive $0xFFFF  }
0x38c: {  	_ =	shalt  }

</sc_bundles>
